<compile_context>
chip_gen: v7x
topology: tpu7x:2x2x1
jax: 0.10.2.dev20260603
libtpu: 0.0.44.dev20260713+nightly
codegen_flags: <defaults>
</compile_context>

<pallas_src>
import functools

import jax
import jax.numpy as jnp
from jax import lax
from jax.experimental import pallas as pl
from jax.experimental.pallas import tpu as pltpu
from jax.experimental.pallas import tpu_sc as plsc

_INT_MIN = -(2**31)


def _scores_body(x_ref, w_ref, e_ref, o_ref):
    r = jax.lax.dot_general(x_ref[...], w_ref[...], (((1,), (1,)), ((), ())),
                            preferred_element_type=jnp.float32)
    o_ref[0, 0, :] = r[:, 0] + e_ref[0, 0, :]


def _make_select_body(B, T, K, TPW):
    R = (B * T) // 128
    SPR = T // 128

    def _select_body(s_ref, o_ref):
        s = s_ref[...]
        key = lax.bitcast_convert_type(s, jnp.int32)
        key = key ^ (jnp.int32(0x7FFFFFFF) & (key >> 31))

        ri = lax.broadcasted_iota(jnp.int32, (R, 1), 0)
        grp = ri // SPR
        gid_row = lax.broadcasted_iota(jnp.int32, (B, R), 0)
        sub_row = lax.broadcasted_iota(jnp.int32, (B, R), 1) // SPR
        Gf = (gid_row == sub_row).astype(jnp.float32)
        GTf = (lax.broadcasted_iota(jnp.int32, (R, B), 0) // SPR
               == lax.broadcasted_iota(jnp.int32, (R, B), 1)).astype(jnp.float32)

        hp = jax.lax.Precision.HIGHEST

        def seg_bcast(colsum):
            g = jax.lax.dot_general(Gf, colsum, (((1,), (0,)), ((), ())),
                                    precision=hp,
                                    preferred_element_type=jnp.float32)
            return jax.lax.dot_general(GTf, g, (((1,), (0,)), ((), ())),
                                       precision=hp,
                                       preferred_element_type=jnp.float32)

        def cnt_ge(c):
            cmp = (key >= c).astype(jnp.float32)
            return seg_bcast(jnp.sum(cmp, axis=1, keepdims=True))

        zero = jnp.zeros((R, 1), jnp.int32)
        p = jnp.where(cnt_ge(zero) >= K, zero,
                      jnp.full((R, 1), _INT_MIN, jnp.int32))

        def bit2_body(it, p):
            one = jnp.int32(1) << (29 - 2 * it)
            c1 = p + one
            c2 = c1 + one
            c3 = c2 + one
            n1 = cnt_ge(c1)
            n2 = cnt_ge(c2)
            n3 = cnt_ge(c3)
            return jnp.where(n3 >= K, c3,
                             jnp.where(n2 >= K, c2,
                                       jnp.where(n1 >= K, c1, p)))

        p = lax.fori_loop(0, 15, bit2_body, p)
        c = p + 1
        p = jnp.where(cnt_ge(c) >= K, c, p)

        gt = key > p
        eq = key == p
        ngt = seg_bcast(jnp.sum(gt.astype(jnp.float32), axis=1, keepdims=True))
        need = K - ngt

        li = lax.broadcasted_iota(jnp.int32, (128, 128), 0)
        lj = lax.broadcasted_iota(jnp.int32, (128, 128), 1)
        Lincl = (li <= lj).astype(jnp.float32)
        si = lax.broadcasted_iota(jnp.int32, (R, R), 0)
        sj = lax.broadcasted_iota(jnp.int32, (R, R), 1)
        TriG = ((sj < si) & (sj // SPR == si // SPR)).astype(jnp.float32)

        def seg_prefix(m):
            pin = jax.lax.dot_general(m, Lincl, (((1,), (0,)), ((), ())),
                                      precision=hp,
                                      preferred_element_type=jnp.float32)
            rs = jnp.sum(m, axis=1, keepdims=True)
            eb = jax.lax.dot_general(TriG, rs, (((1,), (0,)), ((), ())),
                                     precision=hp,
                                     preferred_element_type=jnp.float32)
            return pin + eb

        rank = seg_prefix(eq.astype(jnp.float32))
        mask = gt | (eq & (rank <= need))
        pos = seg_prefix(mask.astype(jnp.float32))

        gpos = jnp.where(mask,
                         grp * K + pos.astype(jnp.int32) - 1,
                         jnp.full((R, 128), -1, jnp.int32))
        o_ref[...] = gpos
    return _select_body


def _make_sc_scatter_body(B, T, K, NC, NW):
    TPW = (B * T) // NW
    SCH = 128
    NSC = TPW // SCH

    def _body(gpos_hbm, gidx_hbm, gpos_v, tval_v, sem):
        wid = lax.axis_index("s") * NC + lax.axis_index("c")
        l16 = lax.iota(jnp.int32, 16)
        t0 = wid * TPW
        loads = [pltpu.async_copy(gpos_hbm.at[pl.ds(t0 + cc * SCH, SCH)],
                                  gpos_v.at[cc], sem)
                 for cc in range(NSC)]
        for cc in range(NSC):
            for i in range(SCH // 16):
                tval_v[cc, pl.ds(i * 16, 16)] = t0 + cc * SCH + i * 16 + l16
        for ld in loads:
            ld.wait()
        copies = []
        for cc in range(NSC):
            copies.append(pltpu.async_copy(
                tval_v.at[cc],
                gidx_hbm.at[plsc.Indices(gpos_v.at[cc], ignored_value=-1)],
                sem))
        for c in copies:
            c.wait()
    return _body


def _make_sc_gather_body(B, T, D, K, NC, NW):
    RPW = (B * K) // NW
    GCH = 32
    NGC = RPW // GCH

    def _body(gidx_hbm, x_hbm, idxout_hbm, sel_hbm,
              gidx_v, loc_v, rows0_v, rows1_v, sem0, sem1):
        wid = lax.axis_index("s") * NC + lax.axis_index("c")
        o0 = wid * RPW
        boff = (wid // (NW // B)) * T
        for cc in range(NGC):
            pltpu.sync_copy(gidx_hbm.at[pl.ds(o0 + cc * GCH, GCH)],
                            gidx_v.at[cc])
        for cc in range(NGC):
            for i in range(GCH // 16):
                loc_v[cc, pl.ds(i * 16, 16)] = (
                    gidx_v[cc, pl.ds(i * 16, 16)] - boff)
        for cc in range(NGC):
            pltpu.sync_copy(loc_v.at[cc],
                            idxout_hbm.at[pl.ds(o0 + cc * GCH, GCH)])

        rows = (rows0_v, rows1_v)
        sems = (sem0, sem1)
        copies = [None] * NGC
        copies[0] = pltpu.async_copy(x_hbm.at[gidx_v.at[0]], rows0_v, sem0)
        for cc in range(NGC):
            if cc + 1 < NGC:
                copies[cc + 1] = pltpu.async_copy(
                    x_hbm.at[gidx_v.at[cc + 1]],
                    rows[(cc + 1) % 2], sems[(cc + 1) % 2])
            copies[cc].wait()
            pltpu.sync_copy(rows[cc % 2],
                            sel_hbm.at[pl.ds(o0 + cc * GCH, GCH)])
    return _body


def kernel(x, entropy_signal, W):
    B, T, D = x.shape
    K = max(1, T // 2)
    x2 = x.reshape(B * T, D)

    RB = 2048
    nblk = (B * T) // RB
    e3 = entropy_signal.reshape(nblk, 1, RB)
    W8 = jnp.broadcast_to(W, (8, D))
    scores3 = pl.pallas_call(
        _scores_body,
        grid=(nblk,),
        in_specs=[
            pl.BlockSpec((RB, D), lambda j: (j, 0)),
            pl.BlockSpec((8, D), lambda j: (0, 0)),
            pl.BlockSpec((1, 1, RB), lambda j: (j, 0, 0)),
        ],
        out_specs=pl.BlockSpec((1, 1, RB), lambda j: (j, 0, 0)),
        out_shape=jax.ShapeDtypeStruct((nblk, 1, RB), jnp.float32),
    )(x2, W8, e3)
    scores = scores3.reshape(B, T)

    info = plsc.get_sparse_core_info()
    NC, NS = info.num_cores, info.num_subcores
    NW = NC * NS
    TPW = (B * T) // NW
    R = (B * T) // 128
    gpos = pl.pallas_call(
        _make_select_body(B, T, K, TPW),
        out_shape=jax.ShapeDtypeStruct((R, 128), jnp.int32),
    )(scores.reshape(R, 128))

    mesh = plsc.VectorSubcoreMesh(core_axis_name="c", subcore_axis_name="s")
    RPW = (B * K) // NW
    SCH, GCH = 128, 32
    scatter_fn = pl.kernel(
        _make_sc_scatter_body(B, T, K, NC, NW),
        out_type=jax.ShapeDtypeStruct((B * K,), jnp.int32),
        mesh=mesh,
        scratch_types=[
            pltpu.VMEM((TPW // SCH, SCH), jnp.int32),
            pltpu.VMEM((TPW // SCH, SCH), jnp.int32),
            pltpu.SemaphoreType.DMA,
        ],
    )
    gidx = scatter_fn(gpos.reshape(B * T))

    gather_fn = pl.kernel(
        _make_sc_gather_body(B, T, D, K, NC, NW),
        out_type=[jax.ShapeDtypeStruct((B * K,), jnp.int32),
                  jax.ShapeDtypeStruct((B * K, D), jnp.float32)],
        mesh=mesh,
        scratch_types=[
            pltpu.VMEM((RPW // GCH, GCH), jnp.int32),
            pltpu.VMEM((RPW // GCH, GCH), jnp.int32),
            pltpu.VMEM((GCH, D), jnp.float32),
            pltpu.VMEM((GCH, D), jnp.float32),
            pltpu.SemaphoreType.DMA,
            pltpu.SemaphoreType.DMA,
        ],
    )
    idxout, sel = gather_fn(gidx, x2)
    return sel.reshape(B, K, D), idxout.reshape(B, K), scores

# --- scband reference (transcript-rebuilt; emitter-appended) ---
"""Pipeline reference for scband-mo-drouter-62612033241432 (READ-ONLY COPY).

The authoritative reference and input builder live on the scoring server;
editing this copy changes nothing except your own understanding.
"""

import jax, jax.numpy as jnp
import numpy as np


def setup_inputs(seed: int = 0) -> dict:
    key = jax.random.key(seed)
    k1, k2, k3 = jax.random.split(key, 3)
    B, T, D = 4, 4096, 1024
    x = jax.random.normal(k1, (B, T, D), dtype=jnp.float32)
    entropy_signal = jax.random.normal(k2, (B, T), dtype=jnp.float32)
    # router: nn.Linear(D, 1, bias=False) -> weight shape (1, D)
    W = jax.random.normal(k3, (1, D), dtype=jnp.float32) * (1.0 / np.sqrt(D))
    return {"x": x, "entropy_signal": entropy_signal, "W": W}


def reference(x, entropy_signal, W):
    # Faithful eval-mode (inference) path of MoDRouter.forward
    B, T, D = x.shape
    capacity_fraction = 0.5
    k = max(1, int(T * capacity_fraction))
    # scores = router(x).squeeze(-1)
    scores = jnp.einsum('btd,od->bto', x, W)[..., 0]  # (B, T)
    scores = scores + entropy_signal
    # hard top-k selection (inference path)
    _, indices = jax.lax.top_k(scores, k)  # (B, k)
    indices = jnp.sort(indices, axis=-1)
    # selected_x = x.gather(1, indices.unsqueeze(-1).expand(B, k, D))
    selected_x = jnp.take_along_axis(x, indices[:, :, None], axis=1)  # (B, k, D)
    return selected_x, indices, scores

if __name__ == "__main__":
    import jax
    _d = setup_inputs()
    print(jax.jit(kernel)(*tuple(_d.values())))

</pallas_src>

<mosaic_0001>
#map = affine_map<(d0, d1) -> (0)>
module attributes {stable_mosaic.version = 14 : i64} {
  func.func @_body(%arg0: i32, %arg1: i32, %arg2: memref<16384xi32, #tpu.memory_space<hbm>>, %arg3: memref<8192xi32, #tpu.memory_space<hbm>>, %arg4: memref<4x128xi32, #tpu.memory_space<vmem>>, %arg5: memref<4x128xi32, #tpu.memory_space<vmem>>, %arg6: memref<!tpu.dma_semaphore, #tpu.memory_space<semaphore_mem>>) attributes {dimension_semantics = [#tpu.dimension_semantics<core_parallel>, #tpu.dimension_semantics<subcore_parallel>], iteration_bounds = array<i64: 2, 16>, scalar_prefetch = 0 : i64, scratch_operands = 3 : i64, tpu.core_type = #tpu.core_type<sc_vector_subcore>, window_params = [{transform_indices = #map}, {transform_indices = #map}]} {
    %mul3A = arith.constant 2 : i32
    %mul3A_0 = arith.muli %arg1, %mul3A : i32
    %add3A = arith.addi %mul3A_0, %arg0 : i32
    %iota3A = tpu.iota {dimensions = array<i32: 0>} : vector<16xi32>
    %mul3A_1 = arith.constant 512 : i32
    %mul3A_2 = arith.muli %add3A, %mul3A_1 : i32
    %add3A_3 = arith.constant 0 : i32
    %add3A_4 = arith.addi %mul3A_2, %add3A_3 : i32
    %dma_start3A = arith.constant 0 : i32
    %dma_start3A_5 = arith.constant 0 : i32
    %dma_start3A_6 = tpu.memref_slice %arg4[%dma_start3A, %dma_start3A_5] : memref<4x128xi32, #tpu.memory_space<vmem>> -> memref<1x128xi32, #tpu.memory_space<vmem>>
    %dma_start3A_7 = tpu.memref_squeeze %dma_start3A_6 : memref<1x128xi32, #tpu.memory_space<vmem>> -> memref<128xi32, #tpu.memory_space<vmem>>
    %dma_start3A_8 = tpu.memref_slice %arg2[%add3A_4] : memref<16384xi32, #tpu.memory_space<hbm>> -> memref<128xi32, #tpu.memory_space<hbm>>
    %dma_start3A_9 = arith.constant 0 : i32
    %dma_start3A_10 = tpu.memref_slice %arg4[%dma_start3A, %dma_start3A_9] : memref<4x128xi32, #tpu.memory_space<vmem>> -> memref<1x128xi32, #tpu.memory_space<vmem>>
    %dma_start3A_11 = tpu.memref_squeeze %dma_start3A_10 : memref<1x128xi32, #tpu.memory_space<vmem>> -> memref<128xi32, #tpu.memory_space<vmem>>
    %dma_start3A_12 = tpu.memref_slice %arg2[%add3A_4] : memref<16384xi32, #tpu.memory_space<hbm>> -> memref<128xi32, #tpu.memory_space<hbm>>
    tpu.enqueue_dma source(%dma_start3A_12 : memref<128xi32, #tpu.memory_space<hbm>>) target(%dma_start3A_11 : memref<128xi32, #tpu.memory_space<vmem>>) target_semaphore(%arg6 : memref<!tpu.dma_semaphore, #tpu.memory_space<semaphore_mem>>)
    %add3A_13 = arith.constant 128 : i32
    %add3A_14 = arith.addi %mul3A_2, %add3A_13 : i32
    %dma_start3A_15 = arith.constant 1 : i32
    %dma_start3A_16 = arith.constant 0 : i32
    %dma_start3A_17 = tpu.memref_slice %arg4[%dma_start3A_15, %dma_start3A_16] : memref<4x128xi32, #tpu.memory_space<vmem>> -> memref<1x128xi32, #tpu.memory_space<vmem>>
    %dma_start3A_18 = tpu.memref_squeeze %dma_start3A_17 : memref<1x128xi32, #tpu.memory_space<vmem>> -> memref<128xi32, #tpu.memory_space<vmem>>
    %dma_start3A_19 = tpu.memref_slice %arg2[%add3A_14] : memref<16384xi32, #tpu.memory_space<hbm>> -> memref<128xi32, #tpu.memory_space<hbm>>
    %dma_start3A_20 = arith.constant 0 : i32
    %dma_start3A_21 = tpu.memref_slice %arg4[%dma_start3A_15, %dma_start3A_20] : memref<4x128xi32, #tpu.memory_space<vmem>> -> memref<1x128xi32, #tpu.memory_space<vmem>>
    %dma_start3A_22 = tpu.memref_squeeze %dma_start3A_21 : memref<1x128xi32, #tpu.memory_space<vmem>> -> memref<128xi32, #tpu.memory_space<vmem>>
    %dma_start3A_23 = tpu.memref_slice %arg2[%add3A_14] : memref<16384xi32, #tpu.memory_space<hbm>> -> memref<128xi32, #tpu.memory_space<hbm>>
    tpu.enqueue_dma source(%dma_start3A_23 : memref<128xi32, #tpu.memory_space<hbm>>) target(%dma_start3A_22 : memref<128xi32, #tpu.memory_space<vmem>>) target_semaphore(%arg6 : memref<!tpu.dma_semaphore, #tpu.memory_space<semaphore_mem>>)
    %add3A_24 = arith.constant 256 : i32
    %add3A_25 = arith.addi %mul3A_2, %add3A_24 : i32
    %dma_start3A_26 = arith.constant 2 : i32
    %dma_start3A_27 = arith.constant 0 : i32
    %dma_start3A_28 = tpu.memref_slice %arg4[%dma_start3A_26, %dma_start3A_27] : memref<4x128xi32, #tpu.memory_space<vmem>> -> memref<1x128xi32, #tpu.memory_space<vmem>>
    %dma_start3A_29 = tpu.memref_squeeze %dma_start3A_28 : memref<1x128xi32, #tpu.memory_space<vmem>> -> memref<128xi32, #tpu.memory_space<vmem>>
    %dma_start3A_30 = tpu.memref_slice %arg2[%add3A_25] : memref<16384xi32, #tpu.memory_space<hbm>> -> memref<128xi32, #tpu.memory_space<hbm>>
    %dma_start3A_31 = arith.constant 0 : i32
    %dma_start3A_32 = tpu.memref_slice %arg4[%dma_start3A_26, %dma_start3A_31] : memref<4x128xi32, #tpu.memory_space<vmem>> -> memref<1x128xi32, #tpu.memory_space<vmem>>
    %dma_start3A_33 = tpu.memref_squeeze %dma_start3A_32 : memref<1x128xi32, #tpu.memory_space<vmem>> -> memref<128xi32, #tpu.memory_space<vmem>>
    %dma_start3A_34 = tpu.memref_slice %arg2[%add3A_25] : memref<16384xi32, #tpu.memory_space<hbm>> -> memref<128xi32, #tpu.memory_space<hbm>>
    tpu.enqueue_dma source(%dma_start3A_34 : memref<128xi32, #tpu.memory_space<hbm>>) target(%dma_start3A_33 : memref<128xi32, #tpu.memory_space<vmem>>) target_semaphore(%arg6 : memref<!tpu.dma_semaphore, #tpu.memory_space<semaphore_mem>>)
    %add3A_35 = arith.constant 384 : i32
    %add3A_36 = arith.addi %mul3A_2, %add3A_35 : i32
    %dma_start3A_37 = arith.constant 3 : i32
    %dma_start3A_38 = arith.constant 0 : i32
    %dma_start3A_39 = tpu.memref_slice %arg4[%dma_start3A_37, %dma_start3A_38] : memref<4x128xi32, #tpu.memory_space<vmem>> -> memref<1x128xi32, #tpu.memory_space<vmem>>
    %dma_start3A_40 = tpu.memref_squeeze %dma_start3A_39 : memref<1x128xi32, #tpu.memory_space<vmem>> -> memref<128xi32, #tpu.memory_space<vmem>>
    %dma_start3A_41 = tpu.memref_slice %arg2[%add3A_36] : memref<16384xi32, #tpu.memory_space<hbm>> -> memref<128xi32, #tpu.memory_space<hbm>>
    %dma_start3A_42 = arith.constant 0 : i32
    %dma_start3A_43 = tpu.memref_slice %arg4[%dma_start3A_37, %dma_start3A_42] : memref<4x128xi32, #tpu.memory_space<vmem>> -> memref<1x128xi32, #tpu.memory_space<vmem>>
    %dma_start3A_44 = tpu.memref_squeeze %dma_start3A_43 : memref<1x128xi32, #tpu.memory_space<vmem>> -> memref<128xi32, #tpu.memory_space<vmem>>
    %dma_start3A_45 = tpu.memref_slice %arg2[%add3A_36] : memref<16384xi32, #tpu.memory_space<hbm>> -> memref<128xi32, #tpu.memory_space<hbm>>
    tpu.enqueue_dma source(%dma_start3A_45 : memref<128xi32, #tpu.memory_space<hbm>>) target(%dma_start3A_44 : memref<128xi32, #tpu.memory_space<vmem>>) target_semaphore(%arg6 : memref<!tpu.dma_semaphore, #tpu.memory_space<semaphore_mem>>)
    %add3A_46 = arith.constant 0 : i32
    %add3A_47 = arith.addi %mul3A_2, %add3A_46 : i32
    %add3A_48 = arith.constant 0 : i32
    %add3A_49 = arith.addi %add3A_47, %add3A_48 : i32
    %add3A_50 = vector.broadcast %add3A_49 : i32 to vector<16xi32>
    %add3A_51 = arith.addi %add3A_50, %iota3A : vector<16xi32>
    %swap3A = arith.constant 0 : i32
    %swap3A_52 = arith.index_cast %swap3A : i32 to index
    %swap3A_53 = arith.constant 0 : index
    %swap3A_54 = tpu.vector_load %arg5[%swap3A_52, %swap3A_53] {strides = array<i32>} : memref<4x128xi32, #tpu.memory_space<vmem>>, vector<1x16xi32>,
    %swap3A_55 = vector.shape_cast %swap3A_54 : vector<1x16xi32> to vector<16xi32>
    %swap3A_56 = vector.shape_cast %add3A_51 : vector<16xi32> to vector<1x16xi32>
    tpu.vector_store %arg5[%swap3A_52, %swap3A_53], %swap3A_56 {strides = array<i32>} : memref<4x128xi32, #tpu.memory_space<vmem>>, vector<1x16xi32>,
    %add3A_57 = arith.constant 0 : i32
    %add3A_58 = arith.addi %mul3A_2, %add3A_57 : i32
    %add3A_59 = arith.constant 16 : i32
    %add3A_60 = arith.addi %add3A_58, %add3A_59 : i32
    %add3A_61 = vector.broadcast %add3A_60 : i32 to vector<16xi32>
    %add3A_62 = arith.addi %add3A_61, %iota3A : vector<16xi32>
    %swap3A_63 = arith.constant 0 : i32
    %swap3A_64 = arith.index_cast %swap3A_63 : i32 to index
    %swap3A_65 = arith.constant 16 : index
    %swap3A_66 = tpu.vector_load %arg5[%swap3A_64, %swap3A_65] {strides = array<i32>} : memref<4x128xi32, #tpu.memory_space<vmem>>, vector<1x16xi32>,
    %swap3A_67 = vector.shape_cast %swap3A_66 : vector<1x16xi32> to vector<16xi32>
    %swap3A_68 = vector.shape_cast %add3A_62 : vector<16xi32> to vector<1x16xi32>
    tpu.vector_store %arg5[%swap3A_64, %swap3A_65], %swap3A_68 {strides = array<i32>} : memref<4x128xi32, #tpu.memory_space<vmem>>, vector<1x16xi32>,
    %add3A_69 = arith.constant 0 : i32
    %add3A_70 = arith.addi %mul3A_2, %add3A_69 : i32
    %add3A_71 = arith.constant 32 : i32
    %add3A_72 = arith.addi %add3A_70, %add3A_71 : i32
    %add3A_73 = vector.broadcast %add3A_72 : i32 to vector<16xi32>
    %add3A_74 = arith.addi %add3A_73, %iota3A : vector<16xi32>
    %swap3A_75 = arith.constant 0 : i32
    %swap3A_76 = arith.index_cast %swap3A_75 : i32 to index
    %swap3A_77 = arith.constant 32 : index
    %swap3A_78 = tpu.vector_load %arg5[%swap3A_76, %swap3A_77] {strides = array<i32>} : memref<4x128xi32, #tpu.memory_space<vmem>>, vector<1x16xi32>,
    %swap3A_79 = vector.shape_cast %swap3A_78 : vector<1x16xi32> to vector<16xi32>
    %swap3A_80 = vector.shape_cast %add3A_74 : vector<16xi32> to vector<1x16xi32>
    tpu.vector_store %arg5[%swap3A_76, %swap3A_77], %swap3A_80 {strides = array<i32>} : memref<4x128xi32, #tpu.memory_space<vmem>>, vector<1x16xi32>,
    %add3A_81 = arith.constant 0 : i32
    %add3A_82 = arith.addi %mul3A_2, %add3A_81 : i32
    %add3A_83 = arith.constant 48 : i32
    %add3A_84 = arith.addi %add3A_82, %add3A_83 : i32
    %add3A_85 = vector.broadcast %add3A_84 : i32 to vector<16xi32>
    %add3A_86 = arith.addi %add3A_85, %iota3A : vector<16xi32>
    %swap3A_87 = arith.constant 0 : i32
    %swap3A_88 = arith.index_cast %swap3A_87 : i32 to index
    %swap3A_89 = arith.constant 48 : index
    %swap3A_90 = tpu.vector_load %arg5[%swap3A_88, %swap3A_89] {strides = array<i32>} : memref<4x128xi32, #tpu.memory_space<vmem>>, vector<1x16xi32>,
    %swap3A_91 = vector.shape_cast %swap3A_90 : vector<1x16xi32> to vector<16xi32>
    %swap3A_92 = vector.shape_cast %add3A_86 : vector<16xi32> to vector<1x16xi32>
    tpu.vector_store %arg5[%swap3A_88, %swap3A_89], %swap3A_92 {strides = array<i32>} : memref<4x128xi32, #tpu.memory_space<vmem>>, vector<1x16xi32>,
    %add3A_93 = arith.constant 0 : i32
    %add3A_94 = arith.addi %mul3A_2, %add3A_93 : i32
    %add3A_95 = arith.constant 64 : i32
    %add3A_96 = arith.addi %add3A_94, %add3A_95 : i32
    %add3A_97 = vector.broadcast %add3A_96 : i32 to vector<16xi32>
    %add3A_98 = arith.addi %add3A_97, %iota3A : vector<16xi32>
    %swap3A_99 = arith.constant 0 : i32
    %swap3A_100 = arith.index_cast %swap3A_99 : i32 to index
    %swap3A_101 = arith.constant 64 : index
    %swap3A_102 = tpu.vector_load %arg5[%swap3A_100, %swap3A_101] {strides = array<i32>} : memref<4x128xi32, #tpu.memory_space<vmem>>, vector<1x16xi32>,
    %swap3A_103 = vector.shape_cast %swap3A_102 : vector<1x16xi32> to vector<16xi32>
    %swap3A_104 = vector.shape_cast %add3A_98 : vector<16xi32> to vector<1x16xi32>
    tpu.vector_store %arg5[%swap3A_100, %swap3A_101], %swap3A_104 {strides = array<i32>} : memref<4x128xi32, #tpu.memory_space<vmem>>, vector<1x16xi32>,
    %add3A_105 = arith.constant 0 : i32
    %add3A_106 = arith.addi %mul3A_2, %add3A_105 : i32
    %add3A_107 = arith.constant 80 : i32
    %add3A_108 = arith.addi %add3A_106, %add3A_107 : i32
    %add3A_109 = vector.broadcast %add3A_108 : i32 to vector<16xi32>
    %add3A_110 = arith.addi %add3A_109, %iota3A : vector<16xi32>
    %swap3A_111 = arith.constant 0 : i32
    %swap3A_112 = arith.index_cast %swap3A_111 : i32 to index
    %swap3A_113 = arith.constant 80 : index
    %swap3A_114 = tpu.vector_load %arg5[%swap3A_112, %swap3A_113] {strides = array<i32>} : memref<4x128xi32, #tpu.memory_space<vmem>>, vector<1x16xi32>,
    %swap3A_115 = vector.shape_cast %swap3A_114 : vector<1x16xi32> to vector<16xi32>
    %swap3A_116 = vector.shape_cast %add3A_110 : vector<16xi32> to vector<1x16xi32>
    tpu.vector_store %arg5[%swap3A_112, %swap3A_113], %swap3A_116 {strides = array<i32>} : memref<4x128xi32, #tpu.memory_space<vmem>>, vector<1x16xi32>,
    %add3A_117 = arith.constant 0 : i32
    %add3A_118 = arith.addi %mul3A_2, %add3A_117 : i32
    %add3A_119 = arith.constant 96 : i32
    %add3A_120 = arith.addi %add3A_118, %add3A_119 : i32
    %add3A_121 = vector.broadcast %add3A_120 : i32 to vector<16xi32>
    %add3A_122 = arith.addi %add3A_121, %iota3A : vector<16xi32>
    %swap3A_123 = arith.constant 0 : i32
    %swap3A_124 = arith.index_cast %swap3A_123 : i32 to index
    %swap3A_125 = arith.constant 96 : index
    %swap3A_126 = tpu.vector_load %arg5[%swap3A_124, %swap3A_125] {strides = array<i32>} : memref<4x128xi32, #tpu.memory_space<vmem>>, vector<1x16xi32>,
    %swap3A_127 = vector.shape_cast %swap3A_126 : vector<1x16xi32> to vector<16xi32>
    %swap3A_128 = vector.shape_cast %add3A_122 : vector<16xi32> to vector<1x16xi32>
    tpu.vector_store %arg5[%swap3A_124, %swap3A_125], %swap3A_128 {strides = array<i32>} : memref<4x128xi32, #tpu.memory_space<vmem>>, vector<1x16xi32>,
    %add3A_129 = arith.constant 0 : i32
    %add3A_130 = arith.addi %mul3A_2, %add3A_129 : i32
    %add3A_131 = arith.constant 112 : i32
    %add3A_132 = arith.addi %add3A_130, %add3A_131 : i32
    %add3A_133 = vector.broadcast %add3A_132 : i32 to vector<16xi32>
    %add3A_134 = arith.addi %add3A_133, %iota3A : vector<16xi32>
    %swap3A_135 = arith.constant 0 : i32
    %swap3A_136 = arith.index_cast %swap3A_135 : i32 to index
    %swap3A_137 = arith.constant 112 : index
    %swap3A_138 = tpu.vector_load %arg5[%swap3A_136, %swap3A_137] {strides = array<i32>} : memref<4x128xi32, #tpu.memory_space<vmem>>, vector<1x16xi32>,
    %swap3A_139 = vector.shape_cast %swap3A_138 : vector<1x16xi32> to vector<16xi32>
    %swap3A_140 = vector.shape_cast %add3A_134 : vector<16xi32> to vector<1x16xi32>
    tpu.vector_store %arg5[%swap3A_136, %swap3A_137], %swap3A_140 {strides = array<i32>} : memref<4x128xi32, #tpu.memory_space<vmem>>, vector<1x16xi32>,
    %add3A_141 = arith.constant 128 : i32
    %add3A_142 = arith.addi %mul3A_2, %add3A_141 : i32
    %add3A_143 = arith.constant 0 : i32
    %add3A_144 = arith.addi %add3A_142, %add3A_143 : i32
    %add3A_145 = vector.broadcast %add3A_144 : i32 to vector<16xi32>
    %add3A_146 = arith.addi %add3A_145, %iota3A : vector<16xi32>
    %swap3A_147 = arith.constant 1 : i32
    %swap3A_148 = arith.index_cast %swap3A_147 : i32 to index
    %swap3A_149 = arith.constant 0 : index
    %swap3A_150 = tpu.vector_load %arg5[%swap3A_148, %swap3A_149] {strides = array<i32>} : memref<4x128xi32, #tpu.memory_space<vmem>>, vector<1x16xi32>,
    %swap3A_151 = vector.shape_cast %swap3A_150 : vector<1x16xi32> to vector<16xi32>
    %swap3A_152 = vector.shape_cast %add3A_146 : vector<16xi32> to vector<1x16xi32>
    tpu.vector_store %arg5[%swap3A_148, %swap3A_149], %swap3A_152 {strides = array<i32>} : memref<4x128xi32, #tpu.memory_space<vmem>>, vector<1x16xi32>,
    %add3A_153 = arith.constant 128 : i32
    %add3A_154 = arith.addi %mul3A_2, %add3A_153 : i32
    %add3A_155 = arith.constant 16 : i32
    %add3A_156 = arith.addi %add3A_154, %add3A_155 : i32
    %add3A_157 = vector.broadcast %add3A_156 : i32 to vector<16xi32>
    %add3A_158 = arith.addi %add3A_157, %iota3A : vector<16xi32>
    %swap3A_159 = arith.constant 1 : i32
    %swap3A_160 = arith.index_cast %swap3A_159 : i32 to index
    %swap3A_161 = arith.constant 16 : index
    %swap3A_162 = tpu.vector_load %arg5[%swap3A_160, %swap3A_161] {strides = array<i32>} : memref<4x128xi32, #tpu.memory_space<vmem>>, vector<1x16xi32>,
    %swap3A_163 = vector.shape_cast %swap3A_162 : vector<1x16xi32> to vector<16xi32>
    %swap3A_164 = vector.shape_cast %add3A_158 : vector<16xi32> to vector<1x16xi32>
    tpu.vector_store %arg5[%swap3A_160, %swap3A_161], %swap3A_164 {strides = array<i32>} : memref<4x128xi32, #tpu.memory_space<vmem>>, vector<1x16xi32>,
    %add3A_165 = arith.constant 128 : i32
    %add3A_166 = arith.addi %mul3A_2, %add3A_165 : i32
    %add3A_167 = arith.constant 32 : i32
    %add3A_168 = arith.addi %add3A_166, %add3A_167 : i32
    %add3A_169 = vector.broadcast %add3A_168 : i32 to vector<16xi32>
    %add3A_170 = arith.addi %add3A_169, %iota3A : vector<16xi32>
    %swap3A_171 = arith.constant 1 : i32
    %swap3A_172 = arith.index_cast %swap3A_171 : i32 to index
    %swap3A_173 = arith.constant 32 : index
    %swap3A_174 = tpu.vector_load %arg5[%swap3A_172, %swap3A_173] {strides = array<i32>} : memref<4x128xi32, #tpu.memory_space<vmem>>, vector<1x16xi32>,
    %swap3A_175 = vector.shape_cast %swap3A_174 : vector<1x16xi32> to vector<16xi32>
    %swap3A_176 = vector.shape_cast %add3A_170 : vector<16xi32> to vector<1x16xi32>
    tpu.vector_store %arg5[%swap3A_172, %swap3A_173], %swap3A_176 {strides = array<i32>} : memref<4x128xi32, #tpu.memory_space<vmem>>, vector<1x16xi32>,
    %add3A_177 = arith.constant 128 : i32
    %add3A_178 = arith.addi %mul3A_2, %add3A_177 : i32
    %add3A_179 = arith.constant 48 : i32
    %add3A_180 = arith.addi %add3A_178, %add3A_179 : i32
    %add3A_181 = vector.broadcast %add3A_180 : i32 to vector<16xi32>
    %add3A_182 = arith.addi %add3A_181, %iota3A : vector<16xi32>
    %swap3A_183 = arith.constant 1 : i32
    %swap3A_184 = arith.index_cast %swap3A_183 : i32 to index
    %swap3A_185 = arith.constant 48 : index
    %swap3A_186 = tpu.vector_load %arg5[%swap3A_184, %swap3A_185] {strides = array<i32>} : memref<4x128xi32, #tpu.memory_space<vmem>>, vector<1x16xi32>,
    %swap3A_187 = vector.shape_cast %swap3A_186 : vector<1x16xi32> to vector<16xi32>
    %swap3A_188 = vector.shape_cast %add3A_182 : vector<16xi32> to vector<1x16xi32>
    tpu.vector_store %arg5[%swap3A_184, %swap3A_185], %swap3A_188 {strides = array<i32>} : memref<4x128xi32, #tpu.memory_space<vmem>>, vector<1x16xi32>,
    %add3A_189 = arith.constant 128 : i32
    %add3A_190 = arith.addi %mul3A_2, %add3A_189 : i32
    %add3A_191 = arith.constant 64 : i32
    %add3A_192 = arith.addi %add3A_190, %add3A_191 : i32
    %add3A_193 = vector.broadcast %add3A_192 : i32 to vector<16xi32>
    %add3A_194 = arith.addi %add3A_193, %iota3A : vector<16xi32>
    %swap3A_195 = arith.constant 1 : i32
    %swap3A_196 = arith.index_cast %swap3A_195 : i32 to index
    %swap3A_197 = arith.constant 64 : index
    %swap3A_198 = tpu.vector_load %arg5[%swap3A_196, %swap3A_197] {strides = array<i32>} : memref<4x128xi32, #tpu.memory_space<vmem>>, vector<1x16xi32>,
    %swap3A_199 = vector.shape_cast %swap3A_198 : vector<1x16xi32> to vector<16xi32>
    %swap3A_200 = vector.shape_cast %add3A_194 : vector<16xi32> to vector<1x16xi32>
    tpu.vector_store %arg5[%swap3A_196, %swap3A_197], %swap3A_200 {strides = array<i32>} : memref<4x128xi32, #tpu.memory_space<vmem>>, vector<1x16xi32>,
    %add3A_201 = arith.constant 128 : i32
    %add3A_202 = arith.addi %mul3A_2, %add3A_201 : i32
    %add3A_203 = arith.constant 80 : i32
    %add3A_204 = arith.addi %add3A_202, %add3A_203 : i32
    %add3A_205 = vector.broadcast %add3A_204 : i32 to vector<16xi32>
    %add3A_206 = arith.addi %add3A_205, %iota3A : vector<16xi32>
    %swap3A_207 = arith.constant 1 : i32
    %swap3A_208 = arith.index_cast %swap3A_207 : i32 to index
    %swap3A_209 = arith.constant 80 : index
    %swap3A_210 = tpu.vector_load %arg5[%swap3A_208, %swap3A_209] {strides = array<i32>} : memref<4x128xi32, #tpu.memory_space<vmem>>, vector<1x16xi32>,
    %swap3A_211 = vector.shape_cast %swap3A_210 : vector<1x16xi32> to vector<16xi32>
    %swap3A_212 = vector.shape_cast %add3A_206 : vector<16xi32> to vector<1x16xi32>
    tpu.vector_store %arg5[%swap3A_208, %swap3A_209], %swap3A_212 {strides = array<i32>} : memref<4x128xi32, #tpu.memory_space<vmem>>, vector<1x16xi32>,
    %add3A_213 = arith.constant 128 : i32
    %add3A_214 = arith.addi %mul3A_2, %add3A_213 : i32
    %add3A_215 = arith.constant 96 : i32
    %add3A_216 = arith.addi %add3A_214, %add3A_215 : i32
    %add3A_217 = vector.broadcast %add3A_216 : i32 to vector<16xi32>
    %add3A_218 = arith.addi %add3A_217, %iota3A : vector<16xi32>
    %swap3A_219 = arith.constant 1 : i32
    %swap3A_220 = arith.index_cast %swap3A_219 : i32 to index
    %swap3A_221 = arith.constant 96 : index
    %swap3A_222 = tpu.vector_load %arg5[%swap3A_220, %swap3A_221] {strides = array<i32>} : memref<4x128xi32, #tpu.memory_space<vmem>>, vector<1x16xi32>,
    %swap3A_223 = vector.shape_cast %swap3A_222 : vector<1x16xi32> to vector<16xi32>
    %swap3A_224 = vector.shape_cast %add3A_218 : vector<16xi32> to vector<1x16xi32>
    tpu.vector_store %arg5[%swap3A_220, %swap3A_221], %swap3A_224 {strides = array<i32>} : memref<4x128xi32, #tpu.memory_space<vmem>>, vector<1x16xi32>,
    %add3A_225 = arith.constant 128 : i32
    %add3A_226 = arith.addi %mul3A_2, %add3A_225 : i32
    %add3A_227 = arith.constant 112 : i32
    %add3A_228 = arith.addi %add3A_226, %add3A_227 : i32
    %add3A_229 = vector.broadcast %add3A_228 : i32 to vector<16xi32>
    %add3A_230 = arith.addi %add3A_229, %iota3A : vector<16xi32>
    %swap3A_231 = arith.constant 1 : i32
    %swap3A_232 = arith.index_cast %swap3A_231 : i32 to index
    %swap3A_233 = arith.constant 112 : index
    %swap3A_234 = tpu.vector_load %arg5[%swap3A_232, %swap3A_233] {strides = array<i32>} : memref<4x128xi32, #tpu.memory_space<vmem>>, vector<1x16xi32>,
    %swap3A_235 = vector.shape_cast %swap3A_234 : vector<1x16xi32> to vector<16xi32>
    %swap3A_236 = vector.shape_cast %add3A_230 : vector<16xi32> to vector<1x16xi32>
    tpu.vector_store %arg5[%swap3A_232, %swap3A_233], %swap3A_236 {strides = array<i32>} : memref<4x128xi32, #tpu.memory_space<vmem>>, vector<1x16xi32>,
    %add3A_237 = arith.constant 256 : i32
    %add3A_238 = arith.addi %mul3A_2, %add3A_237 : i32
    %add3A_239 = arith.constant 0 : i32
    %add3A_240 = arith.addi %add3A_238, %add3A_239 : i32
    %add3A_241 = vector.broadcast %add3A_240 : i32 to vector<16xi32>
    %add3A_242 = arith.addi %add3A_241, %iota3A : vector<16xi32>
    %swap3A_243 = arith.constant 2 : i32
    %swap3A_244 = arith.index_cast %swap3A_243 : i32 to index
    %swap3A_245 = arith.constant 0 : index
    %swap3A_246 = tpu.vector_load %arg5[%swap3A_244, %swap3A_245] {strides = array<i32>} : memref<4x128xi32, #tpu.memory_space<vmem>>, vector<1x16xi32>,
    %swap3A_247 = vector.shape_cast %swap3A_246 : vector<1x16xi32> to vector<16xi32>
    %swap3A_248 = vector.shape_cast %add3A_242 : vector<16xi32> to vector<1x16xi32>
    tpu.vector_store %arg5[%swap3A_244, %swap3A_245], %swap3A_248 {strides = array<i32>} : memref<4x128xi32, #tpu.memory_space<vmem>>, vector<1x16xi32>,
    %add3A_249 = arith.constant 256 : i32
    %add3A_250 = arith.addi %mul3A_2, %add3A_249 : i32
    %add3A_251 = arith.constant 16 : i32
    %add3A_252 = arith.addi %add3A_250, %add3A_251 : i32
    %add3A_253 = vector.broadcast %add3A_252 : i32 to vector<16xi32>
    %add3A_254 = arith.addi %add3A_253, %iota3A : vector<16xi32>
    %swap3A_255 = arith.constant 2 : i32
    %swap3A_256 = arith.index_cast %swap3A_255 : i32 to index
    %swap3A_257 = arith.constant 16 : index
    %swap3A_258 = tpu.vector_load %arg5[%swap3A_256, %swap3A_257] {strides = array<i32>} : memref<4x128xi32, #tpu.memory_space<vmem>>, vector<1x16xi32>,
    %swap3A_259 = vector.shape_cast %swap3A_258 : vector<1x16xi32> to vector<16xi32>
    %swap3A_260 = vector.shape_cast %add3A_254 : vector<16xi32> to vector<1x16xi32>
    tpu.vector_store %arg5[%swap3A_256, %swap3A_257], %swap3A_260 {strides = array<i32>} : memref<4x128xi32, #tpu.memory_space<vmem>>, vector<1x16xi32>,
    %add3A_261 = arith.constant 256 : i32
    %add3A_262 = arith.addi %mul3A_2, %add3A_261 : i32
    %add3A_263 = arith.constant 32 : i32
    %add3A_264 = arith.addi %add3A_262, %add3A_263 : i32
    %add3A_265 = vector.broadcast %add3A_264 : i32 to vector<16xi32>
    %add3A_266 = arith.addi %add3A_265, %iota3A : vector<16xi32>
    %swap3A_267 = arith.constant 2 : i32
    %swap3A_268 = arith.index_cast %swap3A_267 : i32 to index
    %swap3A_269 = arith.constant 32 : index
    %swap3A_270 = tpu.vector_load %arg5[%swap3A_268, %swap3A_269] {strides = array<i32>} : memref<4x128xi32, #tpu.memory_space<vmem>>, vector<1x16xi32>,
    %swap3A_271 = vector.shape_cast %swap3A_270 : vector<1x16xi32> to vector<16xi32>
    %swap3A_272 = vector.shape_cast %add3A_266 : vector<16xi32> to vector<1x16xi32>
    tpu.vector_store %arg5[%swap3A_268, %swap3A_269], %swap3A_272 {strides = array<i32>} : memref<4x128xi32, #tpu.memory_space<vmem>>, vector<1x16xi32>,
    %add3A_273 = arith.constant 256 : i32
    %add3A_274 = arith.addi %mul3A_2, %add3A_273 : i32
    %add3A_275 = arith.constant 48 : i32
    %add3A_276 = arith.addi %add3A_274, %add3A_275 : i32
    %add3A_277 = vector.broadcast %add3A_276 : i32 to vector<16xi32>
    %add3A_278 = arith.addi %add3A_277, %iota3A : vector<16xi32>
    %swap3A_279 = arith.constant 2 : i32
    %swap3A_280 = arith.index_cast %swap3A_279 : i32 to index
    %swap3A_281 = arith.constant 48 : index
    %swap3A_282 = tpu.vector_load %arg5[%swap3A_280, %swap3A_281] {strides = array<i32>} : memref<4x128xi32, #tpu.memory_space<vmem>>, vector<1x16xi32>,
    %swap3A_283 = vector.shape_cast %swap3A_282 : vector<1x16xi32> to vector<16xi32>
    %swap3A_284 = vector.shape_cast %add3A_278 : vector<16xi32> to vector<1x16xi32>
    tpu.vector_store %arg5[%swap3A_280, %swap3A_281], %swap3A_284 {strides = array<i32>} : memref<4x128xi32, #tpu.memory_space<vmem>>, vector<1x16xi32>,
    %add3A_285 = arith.constant 256 : i32
    %add3A_286 = arith.addi %mul3A_2, %add3A_285 : i32
    %add3A_287 = arith.constant 64 : i32
    %add3A_288 = arith.addi %add3A_286, %add3A_287 : i32
    %add3A_289 = vector.broadcast %add3A_288 : i32 to vector<16xi32>
    %add3A_290 = arith.addi %add3A_289, %iota3A : vector<16xi32>
    %swap3A_291 = arith.constant 2 : i32
    %swap3A_292 = arith.index_cast %swap3A_291 : i32 to index
    %swap3A_293 = arith.constant 64 : index
    %swap3A_294 = tpu.vector_load %arg5[%swap3A_292, %swap3A_293] {strides = array<i32>} : memref<4x128xi32, #tpu.memory_space<vmem>>, vector<1x16xi32>,
    %swap3A_295 = vector.shape_cast %swap3A_294 : vector<1x16xi32> to vector<16xi32>
    %swap3A_296 = vector.shape_cast %add3A_290 : vector<16xi32> to vector<1x16xi32>
    tpu.vector_store %arg5[%swap3A_292, %swap3A_293], %swap3A_296 {strides = array<i32>} : memref<4x128xi32, #tpu.memory_space<vmem>>, vector<1x16xi32>,
    %add3A_297 = arith.constant 256 : i32
    %add3A_298 = arith.addi %mul3A_2, %add3A_297 : i32
    %add3A_299 = arith.constant 80 : i32
    %add3A_300 = arith.addi %add3A_298, %add3A_299 : i32
    %add3A_301 = vector.broadcast %add3A_300 : i32 to vector<16xi32>
    %add3A_302 = arith.addi %add3A_301, %iota3A : vector<16xi32>
    %swap3A_303 = arith.constant 2 : i32
    %swap3A_304 = arith.index_cast %swap3A_303 : i32 to index
    %swap3A_305 = arith.constant 80 : index
    %swap3A_306 = tpu.vector_load %arg5[%swap3A_304, %swap3A_305] {strides = array<i32>} : memref<4x128xi32, #tpu.memory_space<vmem>>, vector<1x16xi32>,
    %swap3A_307 = vector.shape_cast %swap3A_306 : vector<1x16xi32> to vector<16xi32>
    %swap3A_308 = vector.shape_cast %add3A_302 : vector<16xi32> to vector<1x16xi32>
    tpu.vector_store %arg5[%swap3A_304, %swap3A_305], %swap3A_308 {strides = array<i32>} : memref<4x128xi32, #tpu.memory_space<vmem>>, vector<1x16xi32>,
    %add3A_309 = arith.constant 256 : i32
    %add3A_310 = arith.addi %mul3A_2, %add3A_309 : i32
    %add3A_311 = arith.constant 96 : i32
    %add3A_312 = arith.addi %add3A_310, %add3A_311 : i32
    %add3A_313 = vector.broadcast %add3A_312 : i32 to vector<16xi32>
    %add3A_314 = arith.addi %add3A_313, %iota3A : vector<16xi32>
    %swap3A_315 = arith.constant 2 : i32
    %swap3A_316 = arith.index_cast %swap3A_315 : i32 to index
    %swap3A_317 = arith.constant 96 : index
    %swap3A_318 = tpu.vector_load %arg5[%swap3A_316, %swap3A_317] {strides = array<i32>} : memref<4x128xi32, #tpu.memory_space<vmem>>, vector<1x16xi32>,
    %swap3A_319 = vector.shape_cast %swap3A_318 : vector<1x16xi32> to vector<16xi32>
    %swap3A_320 = vector.shape_cast %add3A_314 : vector<16xi32> to vector<1x16xi32>
    tpu.vector_store %arg5[%swap3A_316, %swap3A_317], %swap3A_320 {strides = array<i32>} : memref<4x128xi32, #tpu.memory_space<vmem>>, vector<1x16xi32>,
    %add3A_321 = arith.constant 256 : i32
    %add3A_322 = arith.addi %mul3A_2, %add3A_321 : i32
    %add3A_323 = arith.constant 112 : i32
    %add3A_324 = arith.addi %add3A_322, %add3A_323 : i32
    %add3A_325 = vector.broadcast %add3A_324 : i32 to vector<16xi32>
    %add3A_326 = arith.addi %add3A_325, %iota3A : vector<16xi32>
    %swap3A_327 = arith.constant 2 : i32
    %swap3A_328 = arith.index_cast %swap3A_327 : i32 to index
    %swap3A_329 = arith.constant 112 : index
    %swap3A_330 = tpu.vector_load %arg5[%swap3A_328, %swap3A_329] {strides = array<i32>} : memref<4x128xi32, #tpu.memory_space<vmem>>, vector<1x16xi32>,
    %swap3A_331 = vector.shape_cast %swap3A_330 : vector<1x16xi32> to vector<16xi32>
    %swap3A_332 = vector.shape_cast %add3A_326 : vector<16xi32> to vector<1x16xi32>
    tpu.vector_store %arg5[%swap3A_328, %swap3A_329], %swap3A_332 {strides = array<i32>} : memref<4x128xi32, #tpu.memory_space<vmem>>, vector<1x16xi32>,
    %add3A_333 = arith.constant 384 : i32
    %add3A_334 = arith.addi %mul3A_2, %add3A_333 : i32
    %add3A_335 = arith.constant 0 : i32
    %add3A_336 = arith.addi %add3A_334, %add3A_335 : i32
    %add3A_337 = vector.broadcast %add3A_336 : i32 to vector<16xi32>
    %add3A_338 = arith.addi %add3A_337, %iota3A : vector<16xi32>
    %swap3A_339 = arith.constant 3 : i32
    %swap3A_340 = arith.index_cast %swap3A_339 : i32 to index
    %swap3A_341 = arith.constant 0 : index
    %swap3A_342 = tpu.vector_load %arg5[%swap3A_340, %swap3A_341] {strides = array<i32>} : memref<4x128xi32, #tpu.memory_space<vmem>>, vector<1x16xi32>,
    %swap3A_343 = vector.shape_cast %swap3A_342 : vector<1x16xi32> to vector<16xi32>
    %swap3A_344 = vector.shape_cast %add3A_338 : vector<16xi32> to vector<1x16xi32>
    tpu.vector_store %arg5[%swap3A_340, %swap3A_341], %swap3A_344 {strides = array<i32>} : memref<4x128xi32, #tpu.memory_space<vmem>>, vector<1x16xi32>,
    %add3A_345 = arith.constant 384 : i32
    %add3A_346 = arith.addi %mul3A_2, %add3A_345 : i32
    %add3A_347 = arith.constant 16 : i32
    %add3A_348 = arith.addi %add3A_346, %add3A_347 : i32
    %add3A_349 = vector.broadcast %add3A_348 : i32 to vector<16xi32>
    %add3A_350 = arith.addi %add3A_349, %iota3A : vector<16xi32>
    %swap3A_351 = arith.constant 3 : i32
    %swap3A_352 = arith.index_cast %swap3A_351 : i32 to index
    %swap3A_353 = arith.constant 16 : index
    %swap3A_354 = tpu.vector_load %arg5[%swap3A_352, %swap3A_353] {strides = array<i32>} : memref<4x128xi32, #tpu.memory_space<vmem>>, vector<1x16xi32>,
    %swap3A_355 = vector.shape_cast %swap3A_354 : vector<1x16xi32> to vector<16xi32>
    %swap3A_356 = vector.shape_cast %add3A_350 : vector<16xi32> to vector<1x16xi32>
    tpu.vector_store %arg5[%swap3A_352, %swap3A_353], %swap3A_356 {strides = array<i32>} : memref<4x128xi32, #tpu.memory_space<vmem>>, vector<1x16xi32>,
    %add3A_357 = arith.constant 384 : i32
    %add3A_358 = arith.addi %mul3A_2, %add3A_357 : i32
    %add3A_359 = arith.constant 32 : i32
    %add3A_360 = arith.addi %add3A_358, %add3A_359 : i32
    %add3A_361 = vector.broadcast %add3A_360 : i32 to vector<16xi32>
    %add3A_362 = arith.addi %add3A_361, %iota3A : vector<16xi32>
    %swap3A_363 = arith.constant 3 : i32
    %swap3A_364 = arith.index_cast %swap3A_363 : i32 to index
    %swap3A_365 = arith.constant 32 : index
    %swap3A_366 = tpu.vector_load %arg5[%swap3A_364, %swap3A_365] {strides = array<i32>} : memref<4x128xi32, #tpu.memory_space<vmem>>, vector<1x16xi32>,
    %swap3A_367 = vector.shape_cast %swap3A_366 : vector<1x16xi32> to vector<16xi32>
    %swap3A_368 = vector.shape_cast %add3A_362 : vector<16xi32> to vector<1x16xi32>
    tpu.vector_store %arg5[%swap3A_364, %swap3A_365], %swap3A_368 {strides = array<i32>} : memref<4x128xi32, #tpu.memory_space<vmem>>, vector<1x16xi32>,
    %add3A_369 = arith.constant 384 : i32
    %add3A_370 = arith.addi %mul3A_2, %add3A_369 : i32
    %add3A_371 = arith.constant 48 : i32
    %add3A_372 = arith.addi %add3A_370, %add3A_371 : i32
    %add3A_373 = vector.broadcast %add3A_372 : i32 to vector<16xi32>
    %add3A_374 = arith.addi %add3A_373, %iota3A : vector<16xi32>
    %swap3A_375 = arith.constant 3 : i32
    %swap3A_376 = arith.index_cast %swap3A_375 : i32 to index
    %swap3A_377 = arith.constant 48 : index
    %swap3A_378 = tpu.vector_load %arg5[%swap3A_376, %swap3A_377] {strides = array<i32>} : memref<4x128xi32, #tpu.memory_space<vmem>>, vector<1x16xi32>,
    %swap3A_379 = vector.shape_cast %swap3A_378 : vector<1x16xi32> to vector<16xi32>
    %swap3A_380 = vector.shape_cast %add3A_374 : vector<16xi32> to vector<1x16xi32>
    tpu.vector_store %arg5[%swap3A_376, %swap3A_377], %swap3A_380 {strides = array<i32>} : memref<4x128xi32, #tpu.memory_space<vmem>>, vector<1x16xi32>,
    %add3A_381 = arith.constant 384 : i32
    %add3A_382 = arith.addi %mul3A_2, %add3A_381 : i32
    %add3A_383 = arith.constant 64 : i32
    %add3A_384 = arith.addi %add3A_382, %add3A_383 : i32
    %add3A_385 = vector.broadcast %add3A_384 : i32 to vector<16xi32>
    %add3A_386 = arith.addi %add3A_385, %iota3A : vector<16xi32>
    %swap3A_387 = arith.constant 3 : i32
    %swap3A_388 = arith.index_cast %swap3A_387 : i32 to index
    %swap3A_389 = arith.constant 64 : index
    %swap3A_390 = tpu.vector_load %arg5[%swap3A_388, %swap3A_389] {strides = array<i32>} : memref<4x128xi32, #tpu.memory_space<vmem>>, vector<1x16xi32>,
    %swap3A_391 = vector.shape_cast %swap3A_390 : vector<1x16xi32> to vector<16xi32>
    %swap3A_392 = vector.shape_cast %add3A_386 : vector<16xi32> to vector<1x16xi32>
    tpu.vector_store %arg5[%swap3A_388, %swap3A_389], %swap3A_392 {strides = array<i32>} : memref<4x128xi32, #tpu.memory_space<vmem>>, vector<1x16xi32>,
    %add3A_393 = arith.constant 384 : i32
    %add3A_394 = arith.addi %mul3A_2, %add3A_393 : i32
    %add3A_395 = arith.constant 80 : i32
    %add3A_396 = arith.addi %add3A_394, %add3A_395 : i32
    %add3A_397 = vector.broadcast %add3A_396 : i32 to vector<16xi32>
    %add3A_398 = arith.addi %add3A_397, %iota3A : vector<16xi32>
    %swap3A_399 = arith.constant 3 : i32
    %swap3A_400 = arith.index_cast %swap3A_399 : i32 to index
    %swap3A_401 = arith.constant 80 : index
    %swap3A_402 = tpu.vector_load %arg5[%swap3A_400, %swap3A_401] {strides = array<i32>} : memref<4x128xi32, #tpu.memory_space<vmem>>, vector<1x16xi32>,
    %swap3A_403 = vector.shape_cast %swap3A_402 : vector<1x16xi32> to vector<16xi32>
    %swap3A_404 = vector.shape_cast %add3A_398 : vector<16xi32> to vector<1x16xi32>
    tpu.vector_store %arg5[%swap3A_400, %swap3A_401], %swap3A_404 {strides = array<i32>} : memref<4x128xi32, #tpu.memory_space<vmem>>, vector<1x16xi32>,
    %add3A_405 = arith.constant 384 : i32
    %add3A_406 = arith.addi %mul3A_2, %add3A_405 : i32
    %add3A_407 = arith.constant 96 : i32
    %add3A_408 = arith.addi %add3A_406, %add3A_407 : i32
    %add3A_409 = vector.broadcast %add3A_408 : i32 to vector<16xi32>
    %add3A_410 = arith.addi %add3A_409, %iota3A : vector<16xi32>
    %swap3A_411 = arith.constant 3 : i32
    %swap3A_412 = arith.index_cast %swap3A_411 : i32 to index
    %swap3A_413 = arith.constant 96 : index
    %swap3A_414 = tpu.vector_load %arg5[%swap3A_412, %swap3A_413] {strides = array<i32>} : memref<4x128xi32, #tpu.memory_space<vmem>>, vector<1x16xi32>,
    %swap3A_415 = vector.shape_cast %swap3A_414 : vector<1x16xi32> to vector<16xi32>
    %swap3A_416 = vector.shape_cast %add3A_410 : vector<16xi32> to vector<1x16xi32>
    tpu.vector_store %arg5[%swap3A_412, %swap3A_413], %swap3A_416 {strides = array<i32>} : memref<4x128xi32, #tpu.memory_space<vmem>>, vector<1x16xi32>,
    %add3A_417 = arith.constant 384 : i32
    %add3A_418 = arith.addi %mul3A_2, %add3A_417 : i32
    %add3A_419 = arith.constant 112 : i32
    %add3A_420 = arith.addi %add3A_418, %add3A_419 : i32
    %add3A_421 = vector.broadcast %add3A_420 : i32 to vector<16xi32>
    %add3A_422 = arith.addi %add3A_421, %iota3A : vector<16xi32>
    %swap3A_423 = arith.constant 3 : i32
    %swap3A_424 = arith.index_cast %swap3A_423 : i32 to index
    %swap3A_425 = arith.constant 112 : index
    %swap3A_426 = tpu.vector_load %arg5[%swap3A_424, %swap3A_425] {strides = array<i32>} : memref<4x128xi32, #tpu.memory_space<vmem>>, vector<1x16xi32>,
    %swap3A_427 = vector.shape_cast %swap3A_426 : vector<1x16xi32> to vector<16xi32>
    %swap3A_428 = vector.shape_cast %add3A_422 : vector<16xi32> to vector<1x16xi32>
    tpu.vector_store %arg5[%swap3A_424, %swap3A_425], %swap3A_428 {strides = array<i32>} : memref<4x128xi32, #tpu.memory_space<vmem>>, vector<1x16xi32>,
    %dma_wait3A = arith.constant 0 : i32
    %dma_wait3A_429 = arith.constant 0 : i32
    %dma_wait3A_430 = tpu.memref_slice %arg4[%dma_wait3A, %dma_wait3A_429] : memref<4x128xi32, #tpu.memory_space<vmem>> -> memref<1x128xi32, #tpu.memory_space<vmem>>
    %dma_wait3A_431 = tpu.memref_squeeze %dma_wait3A_430 : memref<1x128xi32, #tpu.memory_space<vmem>> -> memref<128xi32, #tpu.memory_space<vmem>>
    %dma_wait3A_432 = tpu.memref_slice %arg2[%add3A_4] : memref<16384xi32, #tpu.memory_space<hbm>> -> memref<128xi32, #tpu.memory_space<hbm>>
    %dma_wait3A_433 = arith.constant 0 : i32
    %dma_wait3A_434 = tpu.memref_slice %arg4[%dma_wait3A, %dma_wait3A_433] : memref<4x128xi32, #tpu.memory_space<vmem>> -> memref<1x128xi32, #tpu.memory_space<vmem>>
    %dma_wait3A_435 = tpu.memref_squeeze %dma_wait3A_434 : memref<1x128xi32, #tpu.memory_space<vmem>> -> memref<128xi32, #tpu.memory_space<vmem>>
    %dma_wait3A_436 = tpu.memref_slice %arg2[%add3A_4] : memref<16384xi32, #tpu.memory_space<hbm>> -> memref<128xi32, #tpu.memory_space<hbm>>
    tpu.wait_dma2 semaphore(%arg6 : memref<!tpu.dma_semaphore, #tpu.memory_space<semaphore_mem>>) src(%dma_wait3A_436 : memref<128xi32, #tpu.memory_space<hbm>>) dst(%dma_wait3A_435 : memref<128xi32, #tpu.memory_space<vmem>>)
    %dma_wait3A_437 = arith.constant 1 : i32
    %dma_wait3A_438 = arith.constant 0 : i32
    %dma_wait3A_439 = tpu.memref_slice %arg4[%dma_wait3A_437, %dma_wait3A_438] : memref<4x128xi32, #tpu.memory_space<vmem>> -> memref<1x128xi32, #tpu.memory_space<vmem>>
    %dma_wait3A_440 = tpu.memref_squeeze %dma_wait3A_439 : memref<1x128xi32, #tpu.memory_space<vmem>> -> memref<128xi32, #tpu.memory_space<vmem>>
    %dma_wait3A_441 = tpu.memref_slice %arg2[%add3A_14] : memref<16384xi32, #tpu.memory_space<hbm>> -> memref<128xi32, #tpu.memory_space<hbm>>
    %dma_wait3A_442 = arith.constant 0 : i32
    %dma_wait3A_443 = tpu.memref_slice %arg4[%dma_wait3A_437, %dma_wait3A_442] : memref<4x128xi32, #tpu.memory_space<vmem>> -> memref<1x128xi32, #tpu.memory_space<vmem>>
    %dma_wait3A_444 = tpu.memref_squeeze %dma_wait3A_443 : memref<1x128xi32, #tpu.memory_space<vmem>> -> memref<128xi32, #tpu.memory_space<vmem>>
    %dma_wait3A_445 = tpu.memref_slice %arg2[%add3A_14] : memref<16384xi32, #tpu.memory_space<hbm>> -> memref<128xi32, #tpu.memory_space<hbm>>
    tpu.wait_dma2 semaphore(%arg6 : memref<!tpu.dma_semaphore, #tpu.memory_space<semaphore_mem>>) src(%dma_wait3A_445 : memref<128xi32, #tpu.memory_space<hbm>>) dst(%dma_wait3A_444 : memref<128xi32, #tpu.memory_space<vmem>>)
    %dma_wait3A_446 = arith.constant 2 : i32
    %dma_wait3A_447 = arith.constant 0 : i32
    %dma_wait3A_448 = tpu.memref_slice %arg4[%dma_wait3A_446, %dma_wait3A_447] : memref<4x128xi32, #tpu.memory_space<vmem>> -> memref<1x128xi32, #tpu.memory_space<vmem>>
    %dma_wait3A_449 = tpu.memref_squeeze %dma_wait3A_448 : memref<1x128xi32, #tpu.memory_space<vmem>> -> memref<128xi32, #tpu.memory_space<vmem>>
    %dma_wait3A_450 = tpu.memref_slice %arg2[%add3A_25] : memref<16384xi32, #tpu.memory_space<hbm>> -> memref<128xi32, #tpu.memory_space<hbm>>
    %dma_wait3A_451 = arith.constant 0 : i32
    %dma_wait3A_452 = tpu.memref_slice %arg4[%dma_wait3A_446, %dma_wait3A_451] : memref<4x128xi32, #tpu.memory_space<vmem>> -> memref<1x128xi32, #tpu.memory_space<vmem>>
    %dma_wait3A_453 = tpu.memref_squeeze %dma_wait3A_452 : memref<1x128xi32, #tpu.memory_space<vmem>> -> memref<128xi32, #tpu.memory_space<vmem>>
    %dma_wait3A_454 = tpu.memref_slice %arg2[%add3A_25] : memref<16384xi32, #tpu.memory_space<hbm>> -> memref<128xi32, #tpu.memory_space<hbm>>
    tpu.wait_dma2 semaphore(%arg6 : memref<!tpu.dma_semaphore, #tpu.memory_space<semaphore_mem>>) src(%dma_wait3A_454 : memref<128xi32, #tpu.memory_space<hbm>>) dst(%dma_wait3A_453 : memref<128xi32, #tpu.memory_space<vmem>>)
    %dma_wait3A_455 = arith.constant 3 : i32
    %dma_wait3A_456 = arith.constant 0 : i32
    %dma_wait3A_457 = tpu.memref_slice %arg4[%dma_wait3A_455, %dma_wait3A_456] : memref<4x128xi32, #tpu.memory_space<vmem>> -> memref<1x128xi32, #tpu.memory_space<vmem>>
    %dma_wait3A_458 = tpu.memref_squeeze %dma_wait3A_457 : memref<1x128xi32, #tpu.memory_space<vmem>> -> memref<128xi32, #tpu.memory_space<vmem>>
    %dma_wait3A_459 = tpu.memref_slice %arg2[%add3A_36] : memref<16384xi32, #tpu.memory_space<hbm>> -> memref<128xi32, #tpu.memory_space<hbm>>
    %dma_wait3A_460 = arith.constant 0 : i32
    %dma_wait3A_461 = tpu.memref_slice %arg4[%dma_wait3A_455, %dma_wait3A_460] : memref<4x128xi32, #tpu.memory_space<vmem>> -> memref<1x128xi32, #tpu.memory_space<vmem>>
    %dma_wait3A_462 = tpu.memref_squeeze %dma_wait3A_461 : memref<1x128xi32, #tpu.memory_space<vmem>> -> memref<128xi32, #tpu.memory_space<vmem>>
    %dma_wait3A_463 = tpu.memref_slice %arg2[%add3A_36] : memref<16384xi32, #tpu.memory_space<hbm>> -> memref<128xi32, #tpu.memory_space<hbm>>
    tpu.wait_dma2 semaphore(%arg6 : memref<!tpu.dma_semaphore, #tpu.memory_space<semaphore_mem>>) src(%dma_wait3A_463 : memref<128xi32, #tpu.memory_space<hbm>>) dst(%dma_wait3A_462 : memref<128xi32, #tpu.memory_space<vmem>>)
    %dma_start3A_464 = arith.constant 0 : i32
    %dma_start3A_465 = arith.constant 0 : i32
    %dma_start3A_466 = arith.constant 0 : i32
    %dma_start3A_467 = tpu.memref_slice %arg5[%dma_start3A_464, %dma_start3A_466] : memref<4x128xi32, #tpu.memory_space<vmem>> -> memref<1x128xi32, #tpu.memory_space<vmem>>
    %dma_start3A_468 = tpu.memref_squeeze %dma_start3A_467 : memref<1x128xi32, #tpu.memory_space<vmem>> -> memref<128xi32, #tpu.memory_space<vmem>>
    %dma_start3A_469 = arith.constant 0 : i32
    %dma_start3A_470 = tpu.memref_slice %arg4[%dma_start3A_465, %dma_start3A_469] : memref<4x128xi32, #tpu.memory_space<vmem>> -> memref<1x128xi32, #tpu.memory_space<vmem>>
    %dma_start3A_471 = tpu.memref_squeeze %dma_start3A_470 : memref<1x128xi32, #tpu.memory_space<vmem>> -> memref<128xi32, #tpu.memory_space<vmem>>
    %dma_start3A_472 = arith.constant 0 : i32
    %dma_start3A_473 = tpu.memref_slice %arg3[%dma_start3A_472] : memref<8192xi32, #tpu.memory_space<hbm>> -> memref<8192xi32, #tpu.memory_space<hbm>>
    %dma_start3A_474 = arith.constant -1 : i32
    tpu.enqueue_indirect_dma source(%dma_start3A_468 : memref<128xi32, #tpu.memory_space<vmem>>) target(%dma_start3A_473 : memref<8192xi32, #tpu.memory_space<hbm>>) offsets(%dma_start3A_471 : memref<128xi32, #tpu.memory_space<vmem>>) offset_filter(%dma_start3A_474) semaphore(%arg6 : memref<!tpu.dma_semaphore, #tpu.memory_space<semaphore_mem>>)
    %dma_start3A_475 = arith.constant 1 : i32
    %dma_start3A_476 = arith.constant 1 : i32
    %dma_start3A_477 = arith.constant 0 : i32
    %dma_start3A_478 = tpu.memref_slice %arg5[%dma_start3A_475, %dma_start3A_477] : memref<4x128xi32, #tpu.memory_space<vmem>> -> memref<1x128xi32, #tpu.memory_space<vmem>>
    %dma_start3A_479 = tpu.memref_squeeze %dma_start3A_478 : memref<1x128xi32, #tpu.memory_space<vmem>> -> memref<128xi32, #tpu.memory_space<vmem>>
    %dma_start3A_480 = arith.constant 0 : i32
    %dma_start3A_481 = tpu.memref_slice %arg4[%dma_start3A_476, %dma_start3A_480] : memref<4x128xi32, #tpu.memory_space<vmem>> -> memref<1x128xi32, #tpu.memory_space<vmem>>
    %dma_start3A_482 = tpu.memref_squeeze %dma_start3A_481 : memref<1x128xi32, #tpu.memory_space<vmem>> -> memref<128xi32, #tpu.memory_space<vmem>>
    %dma_start3A_483 = arith.constant 0 : i32
    %dma_start3A_484 = tpu.memref_slice %arg3[%dma_start3A_483] : memref<8192xi32, #tpu.memory_space<hbm>> -> memref<8192xi32, #tpu.memory_space<hbm>>
    %dma_start3A_485 = arith.constant -1 : i32
    tpu.enqueue_indirect_dma source(%dma_start3A_479 : memref<128xi32, #tpu.memory_space<vmem>>) target(%dma_start3A_484 : memref<8192xi32, #tpu.memory_space<hbm>>) offsets(%dma_start3A_482 : memref<128xi32, #tpu.memory_space<vmem>>) offset_filter(%dma_start3A_485) semaphore(%arg6 : memref<!tpu.dma_semaphore, #tpu.memory_space<semaphore_mem>>)
    %dma_start3A_486 = arith.constant 2 : i32
    %dma_start3A_487 = arith.constant 2 : i32
    %dma_start3A_488 = arith.constant 0 : i32
    %dma_start3A_489 = tpu.memref_slice %arg5[%dma_start3A_486, %dma_start3A_488] : memref<4x128xi32, #tpu.memory_space<vmem>> -> memref<1x128xi32, #tpu.memory_space<vmem>>
    %dma_start3A_490 = tpu.memref_squeeze %dma_start3A_489 : memref<1x128xi32, #tpu.memory_space<vmem>> -> memref<128xi32, #tpu.memory_space<vmem>>
    %dma_start3A_491 = arith.constant 0 : i32
    %dma_start3A_492 = tpu.memref_slice %arg4[%dma_start3A_487, %dma_start3A_491] : memref<4x128xi32, #tpu.memory_space<vmem>> -> memref<1x128xi32, #tpu.memory_space<vmem>>
    %dma_start3A_493 = tpu.memref_squeeze %dma_start3A_492 : memref<1x128xi32, #tpu.memory_space<vmem>> -> memref<128xi32, #tpu.memory_space<vmem>>
    %dma_start3A_494 = arith.constant 0 : i32
    %dma_start3A_495 = tpu.memref_slice %arg3[%dma_start3A_494] : memref<8192xi32, #tpu.memory_space<hbm>> -> memref<8192xi32, #tpu.memory_space<hbm>>
    %dma_start3A_496 = arith.constant -1 : i32
    tpu.enqueue_indirect_dma source(%dma_start3A_490 : memref<128xi32, #tpu.memory_space<vmem>>) target(%dma_start3A_495 : memref<8192xi32, #tpu.memory_space<hbm>>) offsets(%dma_start3A_493 : memref<128xi32, #tpu.memory_space<vmem>>) offset_filter(%dma_start3A_496) semaphore(%arg6 : memref<!tpu.dma_semaphore, #tpu.memory_space<semaphore_mem>>)
    %dma_start3A_497 = arith.constant 3 : i32
    %dma_start3A_498 = arith.constant 3 : i32
    %dma_start3A_499 = arith.constant 0 : i32
    %dma_start3A_500 = tpu.memref_slice %arg5[%dma_start3A_497, %dma_start3A_499] : memref<4x128xi32, #tpu.memory_space<vmem>> -> memref<1x128xi32, #tpu.memory_space<vmem>>
    %dma_start3A_501 = tpu.memref_squeeze %dma_start3A_500 : memref<1x128xi32, #tpu.memory_space<vmem>> -> memref<128xi32, #tpu.memory_space<vmem>>
    %dma_start3A_502 = arith.constant 0 : i32
    %dma_start3A_503 = tpu.memref_slice %arg4[%dma_start3A_498, %dma_start3A_502] : memref<4x128xi32, #tpu.memory_space<vmem>> -> memref<1x128xi32, #tpu.memory_space<vmem>>
    %dma_start3A_504 = tpu.memref_squeeze %dma_start3A_503 : memref<1x128xi32, #tpu.memory_space<vmem>> -> memref<128xi32, #tpu.memory_space<vmem>>
    %dma_start3A_505 = arith.constant 0 : i32
    %dma_start3A_506 = tpu.memref_slice %arg3[%dma_start3A_505] : memref<8192xi32, #tpu.memory_space<hbm>> -> memref<8192xi32, #tpu.memory_space<hbm>>
    %dma_start3A_507 = arith.constant -1 : i32
    tpu.enqueue_indirect_dma source(%dma_start3A_501 : memref<128xi32, #tpu.memory_space<vmem>>) target(%dma_start3A_506 : memref<8192xi32, #tpu.memory_space<hbm>>) offsets(%dma_start3A_504 : memref<128xi32, #tpu.memory_space<vmem>>) offset_filter(%dma_start3A_507) semaphore(%arg6 : memref<!tpu.dma_semaphore, #tpu.memory_space<semaphore_mem>>)
    %dma_wait3A_508 = arith.constant 0 : i32
    %dma_wait3A_509 = arith.constant 0 : i32
    %dma_wait3A_510 = arith.constant 0 : i32
    %dma_wait3A_511 = tpu.memref_slice %arg5[%dma_wait3A_508, %dma_wait3A_510] : memref<4x128xi32, #tpu.memory_space<vmem>> -> memref<1x128xi32, #tpu.memory_space<vmem>>
    %dma_wait3A_512 = tpu.memref_squeeze %dma_wait3A_511 : memref<1x128xi32, #tpu.memory_space<vmem>> -> memref<128xi32, #tpu.memory_space<vmem>>
    %dma_wait3A_513 = arith.constant 0 : i32
    %dma_wait3A_514 = tpu.memref_slice %arg4[%dma_wait3A_509, %dma_wait3A_513] : memref<4x128xi32, #tpu.memory_space<vmem>> -> memref<1x128xi32, #tpu.memory_space<vmem>>
    %dma_wait3A_515 = tpu.memref_squeeze %dma_wait3A_514 : memref<1x128xi32, #tpu.memory_space<vmem>> -> memref<128xi32, #tpu.memory_space<vmem>>
    %dma_wait3A_516 = arith.constant 0 : i32
    %dma_wait3A_517 = tpu.memref_slice %arg3[%dma_wait3A_516] : memref<8192xi32, #tpu.memory_space<hbm>> -> memref<8192xi32, #tpu.memory_space<hbm>>
    tpu.wait_indirect_dma semaphore(%arg6 : memref<!tpu.dma_semaphore, #tpu.memory_space<semaphore_mem>>) src(%dma_wait3A_512 : memref<128xi32, #tpu.memory_space<vmem>>) dst(%dma_wait3A_517 : memref<8192xi32, #tpu.memory_space<hbm>>)
    %dma_wait3A_518 = arith.constant 1 : i32
    %dma_wait3A_519 = arith.constant 1 : i32
    %dma_wait3A_520 = arith.constant 0 : i32
    %dma_wait3A_521 = tpu.memref_slice %arg5[%dma_wait3A_518, %dma_wait3A_520] : memref<4x128xi32, #tpu.memory_space<vmem>> -> memref<1x128xi32, #tpu.memory_space<vmem>>
    %dma_wait3A_522 = tpu.memref_squeeze %dma_wait3A_521 : memref<1x128xi32, #tpu.memory_space<vmem>> -> memref<128xi32, #tpu.memory_space<vmem>>
    %dma_wait3A_523 = arith.constant 0 : i32
    %dma_wait3A_524 = tpu.memref_slice %arg4[%dma_wait3A_519, %dma_wait3A_523] : memref<4x128xi32, #tpu.memory_space<vmem>> -> memref<1x128xi32, #tpu.memory_space<vmem>>
    %dma_wait3A_525 = tpu.memref_squeeze %dma_wait3A_524 : memref<1x128xi32, #tpu.memory_space<vmem>> -> memref<128xi32, #tpu.memory_space<vmem>>
    %dma_wait3A_526 = arith.constant 0 : i32
    %dma_wait3A_527 = tpu.memref_slice %arg3[%dma_wait3A_526] : memref<8192xi32, #tpu.memory_space<hbm>> -> memref<8192xi32, #tpu.memory_space<hbm>>
    tpu.wait_indirect_dma semaphore(%arg6 : memref<!tpu.dma_semaphore, #tpu.memory_space<semaphore_mem>>) src(%dma_wait3A_522 : memref<128xi32, #tpu.memory_space<vmem>>) dst(%dma_wait3A_527 : memref<8192xi32, #tpu.memory_space<hbm>>)
    %dma_wait3A_528 = arith.constant 2 : i32
    %dma_wait3A_529 = arith.constant 2 : i32
    %dma_wait3A_530 = arith.constant 0 : i32
    %dma_wait3A_531 = tpu.memref_slice %arg5[%dma_wait3A_528, %dma_wait3A_530] : memref<4x128xi32, #tpu.memory_space<vmem>> -> memref<1x128xi32, #tpu.memory_space<vmem>>
    %dma_wait3A_532 = tpu.memref_squeeze %dma_wait3A_531 : memref<1x128xi32, #tpu.memory_space<vmem>> -> memref<128xi32, #tpu.memory_space<vmem>>
    %dma_wait3A_533 = arith.constant 0 : i32
    %dma_wait3A_534 = tpu.memref_slice %arg4[%dma_wait3A_529, %dma_wait3A_533] : memref<4x128xi32, #tpu.memory_space<vmem>> -> memref<1x128xi32, #tpu.memory_space<vmem>>
    %dma_wait3A_535 = tpu.memref_squeeze %dma_wait3A_534 : memref<1x128xi32, #tpu.memory_space<vmem>> -> memref<128xi32, #tpu.memory_space<vmem>>
    %dma_wait3A_536 = arith.constant 0 : i32
    %dma_wait3A_537 = tpu.memref_slice %arg3[%dma_wait3A_536] : memref<8192xi32, #tpu.memory_space<hbm>> -> memref<8192xi32, #tpu.memory_space<hbm>>
    tpu.wait_indirect_dma semaphore(%arg6 : memref<!tpu.dma_semaphore, #tpu.memory_space<semaphore_mem>>) src(%dma_wait3A_532 : memref<128xi32, #tpu.memory_space<vmem>>) dst(%dma_wait3A_537 : memref<8192xi32, #tpu.memory_space<hbm>>)
    %dma_wait3A_538 = arith.constant 3 : i32
    %dma_wait3A_539 = arith.constant 3 : i32
    %dma_wait3A_540 = arith.constant 0 : i32
    %dma_wait3A_541 = tpu.memref_slice %arg5[%dma_wait3A_538, %dma_wait3A_540] : memref<4x128xi32, #tpu.memory_space<vmem>> -> memref<1x128xi32, #tpu.memory_space<vmem>>
    %dma_wait3A_542 = tpu.memref_squeeze %dma_wait3A_541 : memref<1x128xi32, #tpu.memory_space<vmem>> -> memref<128xi32, #tpu.memory_space<vmem>>
    %dma_wait3A_543 = arith.constant 0 : i32
    %dma_wait3A_544 = tpu.memref_slice %arg4[%dma_wait3A_539, %dma_wait3A_543] : memref<4x128xi32, #tpu.memory_space<vmem>> -> memref<1x128xi32, #tpu.memory_space<vmem>>
    %dma_wait3A_545 = tpu.memref_squeeze %dma_wait3A_544 : memref<1x128xi32, #tpu.memory_space<vmem>> -> memref<128xi32, #tpu.memory_space<vmem>>
    %dma_wait3A_546 = arith.constant 0 : i32
    %dma_wait3A_547 = tpu.memref_slice %arg3[%dma_wait3A_546] : memref<8192xi32, #tpu.memory_space<hbm>> -> memref<8192xi32, #tpu.memory_space<hbm>>
    tpu.wait_indirect_dma semaphore(%arg6 : memref<!tpu.dma_semaphore, #tpu.memory_space<semaphore_mem>>) src(%dma_wait3A_542 : memref<128xi32, #tpu.memory_space<vmem>>) dst(%dma_wait3A_547 : memref<8192xi32, #tpu.memory_space<hbm>>)
    return
  }
}

#map = affine_map<(d0, d1) -> (0)>
#map1 = affine_map<(d0, d1) -> (0, 0)>
module attributes {stable_mosaic.version = 14 : i64} {
  func.func @_body(%arg0: i32, %arg1: i32, %arg2: memref<8192xi32, #tpu.memory_space<hbm>>, %arg3: memref<16384x1024xf32, #tpu.memory_space<hbm>>, %arg4: memref<8192xi32, #tpu.memory_space<hbm>>, %arg5: memref<8192x1024xf32, #tpu.memory_space<hbm>>, %arg6: memref<8x32xi32, #tpu.memory_space<vmem>>, %arg7: memref<8x32xi32, #tpu.memory_space<vmem>>, %arg8: memref<32x1024xf32, #tpu.memory_space<vmem>>, %arg9: memref<32x1024xf32, #tpu.memory_space<vmem>>, %arg10: memref<!tpu.dma_semaphore, #tpu.memory_space<semaphore_mem>>, %arg11: memref<!tpu.dma_semaphore, #tpu.memory_space<semaphore_mem>>) attributes {dimension_semantics = [#tpu.dimension_semantics<core_parallel>, #tpu.dimension_semantics<subcore_parallel>], iteration_bounds = array<i64: 2, 16>, scalar_prefetch = 0 : i64, scratch_operands = 6 : i64, tpu.core_type = #tpu.core_type<sc_vector_subcore>, window_params = [{transform_indices = #map}, {transform_indices = #map1}, {transform_indices = #map}, {transform_indices = #map1}]} {
    %mul3A = arith.constant 2 : i32
    %mul3A_0 = arith.muli %arg1, %mul3A : i32
    %add3A = arith.addi %mul3A_0, %arg0 : i32
    %mul3A_1 = arith.constant 256 : i32
    %mul3A_2 = arith.muli %add3A, %mul3A_1 : i32
    %jit3A = arith.constant 8 : i32
    %div3A = arith.divsi %add3A, %jit3A : i32
    %sign3A = arith.constant 0 : i32
    %sign3A_3 = arith.cmpi sgt, %add3A, %sign3A : i32
    %sign3A_4 = arith.extui %sign3A_3 : i1 to i32
    %sign3A_5 = arith.constant 0 : i32
    %sign3A_6 = arith.cmpi slt, %add3A, %sign3A_5 : i32
    %sign3A_7 = arith.extui %sign3A_6 : i1 to i32
    %sign3A_8 = arith.subi %sign3A_4, %sign3A_7 : i32
    %sign3A_9 = arith.constant 0 : i32
    %sign3A_10 = arith.cmpi sgt, %jit3A, %sign3A_9 : i32
    %sign3A_11 = arith.extui %sign3A_10 : i1 to i32
    %sign3A_12 = arith.constant 0 : i32
    %sign3A_13 = arith.cmpi slt, %jit3A, %sign3A_12 : i32
    %sign3A_14 = arith.extui %sign3A_13 : i1 to i32
    %sign3A_15 = arith.subi %sign3A_11, %sign3A_14 : i32
    %ne3A = arith.cmpi ne, %sign3A_8, %sign3A_15 : i32
    %rem3A = arith.remsi %add3A, %jit3A : i32
    %ne3A_16 = arith.constant 0 : i32
    %ne3A_17 = arith.cmpi ne, %rem3A, %ne3A_16 : i32
    %and3A = arith.andi %ne3A, %ne3A_17 : i1
    %sub3A = arith.constant 1 : i32
    %sub3A_18 = arith.subi %div3A, %sub3A : i32
    %select_n3A = arith.select %and3A, %sub3A_18, %div3A : i32
    %mul3A_19 = arith.constant 4096 : i32
    %mul3A_20 = arith.muli %select_n3A, %mul3A_19 : i32
    %add3A_21 = arith.constant 0 : i32
    %add3A_22 = arith.addi %mul3A_2, %add3A_21 : i32
    %run_scoped3A = arith.constant 0 : i32
    "tpu.region"() ({
      %run_scoped3A_400 = tpu.sem_alloc : memref<!tpu.dma_semaphore, #tpu.memory_space<semaphore_mem>>
      %dma_start3A_401 = arith.constant 0 : i32
      %dma_start3A_402 = tpu.memref_slice %arg6[%run_scoped3A, %dma_start3A_401] : memref<8x32xi32, #tpu.memory_space<vmem>> -> memref<1x32xi32, #tpu.memory_space<vmem>>
      %dma_start3A_403 = tpu.memref_squeeze %dma_start3A_402 : memref<1x32xi32, #tpu.memory_space<vmem>> -> memref<32xi32, #tpu.memory_space<vmem>>
      %dma_start3A_404 = tpu.memref_slice %arg2[%add3A_22] : memref<8192xi32, #tpu.memory_space<hbm>> -> memref<32xi32, #tpu.memory_space<hbm>>
      %dma_start3A_405 = arith.constant 0 : i32
      %dma_start3A_406 = tpu.memref_slice %arg6[%run_scoped3A, %dma_start3A_405] : memref<8x32xi32, #tpu.memory_space<vmem>> -> memref<1x32xi32, #tpu.memory_space<vmem>>
      %dma_start3A_407 = tpu.memref_squeeze %dma_start3A_406 : memref<1x32xi32, #tpu.memory_space<vmem>> -> memref<32xi32, #tpu.memory_space<vmem>>
      %dma_start3A_408 = tpu.memref_slice %arg2[%add3A_22] : memref<8192xi32, #tpu.memory_space<hbm>> -> memref<32xi32, #tpu.memory_space<hbm>>
      tpu.enqueue_dma source(%dma_start3A_408 : memref<32xi32, #tpu.memory_space<hbm>>) target(%dma_start3A_407 : memref<32xi32, #tpu.memory_space<vmem>>) target_semaphore(%run_scoped3A_400 : memref<!tpu.dma_semaphore, #tpu.memory_space<semaphore_mem>>)
      %dma_wait3A_409 = arith.constant 0 : i32
      %dma_wait3A_410 = tpu.memref_slice %arg6[%run_scoped3A, %dma_wait3A_409] : memref<8x32xi32, #tpu.memory_space<vmem>> -> memref<1x32xi32, #tpu.memory_space<vmem>>
      %dma_wait3A_411 = tpu.memref_squeeze %dma_wait3A_410 : memref<1x32xi32, #tpu.memory_space<vmem>> -> memref<32xi32, #tpu.memory_space<vmem>>
      %dma_wait3A_412 = tpu.memref_slice %arg2[%add3A_22] : memref<8192xi32, #tpu.memory_space<hbm>> -> memref<32xi32, #tpu.memory_space<hbm>>
      %dma_wait3A_413 = arith.constant 0 : i32
      %dma_wait3A_414 = tpu.memref_slice %arg6[%run_scoped3A, %dma_wait3A_413] : memref<8x32xi32, #tpu.memory_space<vmem>> -> memref<1x32xi32, #tpu.memory_space<vmem>>
      %dma_wait3A_415 = tpu.memref_squeeze %dma_wait3A_414 : memref<1x32xi32, #tpu.memory_space<vmem>> -> memref<32xi32, #tpu.memory_space<vmem>>
      %dma_wait3A_416 = tpu.memref_slice %arg2[%add3A_22] : memref<8192xi32, #tpu.memory_space<hbm>> -> memref<32xi32, #tpu.memory_space<hbm>>
      tpu.wait_dma2 semaphore(%run_scoped3A_400 : memref<!tpu.dma_semaphore, #tpu.memory_space<semaphore_mem>>) src(%dma_wait3A_416 : memref<32xi32, #tpu.memory_space<hbm>>) dst(%dma_wait3A_415 : memref<32xi32, #tpu.memory_space<vmem>>)
      tpu.yield
    }) : () -> ()
    %add3A_23 = arith.constant 32 : i32
    %add3A_24 = arith.addi %mul3A_2, %add3A_23 : i32
    %run_scoped3A_25 = arith.constant 1 : i32
    "tpu.region"() ({
      %run_scoped3A_400 = tpu.sem_alloc : memref<!tpu.dma_semaphore, #tpu.memory_space<semaphore_mem>>
      %dma_start3A_401 = arith.constant 0 : i32
      %dma_start3A_402 = tpu.memref_slice %arg6[%run_scoped3A_25, %dma_start3A_401] : memref<8x32xi32, #tpu.memory_space<vmem>> -> memref<1x32xi32, #tpu.memory_space<vmem>>
      %dma_start3A_403 = tpu.memref_squeeze %dma_start3A_402 : memref<1x32xi32, #tpu.memory_space<vmem>> -> memref<32xi32, #tpu.memory_space<vmem>>
      %dma_start3A_404 = tpu.memref_slice %arg2[%add3A_24] : memref<8192xi32, #tpu.memory_space<hbm>> -> memref<32xi32, #tpu.memory_space<hbm>>
      %dma_start3A_405 = arith.constant 0 : i32
      %dma_start3A_406 = tpu.memref_slice %arg6[%run_scoped3A_25, %dma_start3A_405] : memref<8x32xi32, #tpu.memory_space<vmem>> -> memref<1x32xi32, #tpu.memory_space<vmem>>
      %dma_start3A_407 = tpu.memref_squeeze %dma_start3A_406 : memref<1x32xi32, #tpu.memory_space<vmem>> -> memref<32xi32, #tpu.memory_space<vmem>>
      %dma_start3A_408 = tpu.memref_slice %arg2[%add3A_24] : memref<8192xi32, #tpu.memory_space<hbm>> -> memref<32xi32, #tpu.memory_space<hbm>>
      tpu.enqueue_dma source(%dma_start3A_408 : memref<32xi32, #tpu.memory_space<hbm>>) target(%dma_start3A_407 : memref<32xi32, #tpu.memory_space<vmem>>) target_semaphore(%run_scoped3A_400 : memref<!tpu.dma_semaphore, #tpu.memory_space<semaphore_mem>>)
      %dma_wait3A_409 = arith.constant 0 : i32
      %dma_wait3A_410 = tpu.memref_slice %arg6[%run_scoped3A_25, %dma_wait3A_409] : memref<8x32xi32, #tpu.memory_space<vmem>> -> memref<1x32xi32, #tpu.memory_space<vmem>>
      %dma_wait3A_411 = tpu.memref_squeeze %dma_wait3A_410 : memref<1x32xi32, #tpu.memory_space<vmem>> -> memref<32xi32, #tpu.memory_space<vmem>>
      %dma_wait3A_412 = tpu.memref_slice %arg2[%add3A_24] : memref<8192xi32, #tpu.memory_space<hbm>> -> memref<32xi32, #tpu.memory_space<hbm>>
      %dma_wait3A_413 = arith.constant 0 : i32
      %dma_wait3A_414 = tpu.memref_slice %arg6[%run_scoped3A_25, %dma_wait3A_413] : memref<8x32xi32, #tpu.memory_space<vmem>> -> memref<1x32xi32, #tpu.memory_space<vmem>>
      %dma_wait3A_415 = tpu.memref_squeeze %dma_wait3A_414 : memref<1x32xi32, #tpu.memory_space<vmem>> -> memref<32xi32, #tpu.memory_space<vmem>>
      %dma_wait3A_416 = tpu.memref_slice %arg2[%add3A_24] : memref<8192xi32, #tpu.memory_space<hbm>> -> memref<32xi32, #tpu.memory_space<hbm>>
      tpu.wait_dma2 semaphore(%run_scoped3A_400 : memref<!tpu.dma_semaphore, #tpu.memory_space<semaphore_mem>>) src(%dma_wait3A_416 : memref<32xi32, #tpu.memory_space<hbm>>) dst(%dma_wait3A_415 : memref<32xi32, #tpu.memory_space<vmem>>)
      tpu.yield
    }) : () -> ()
    %add3A_26 = arith.constant 64 : i32
    %add3A_27 = arith.addi %mul3A_2, %add3A_26 : i32
    %run_scoped3A_28 = arith.constant 2 : i32
    "tpu.region"() ({
      %run_scoped3A_400 = tpu.sem_alloc : memref<!tpu.dma_semaphore, #tpu.memory_space<semaphore_mem>>
      %dma_start3A_401 = arith.constant 0 : i32
      %dma_start3A_402 = tpu.memref_slice %arg6[%run_scoped3A_28, %dma_start3A_401] : memref<8x32xi32, #tpu.memory_space<vmem>> -> memref<1x32xi32, #tpu.memory_space<vmem>>
      %dma_start3A_403 = tpu.memref_squeeze %dma_start3A_402 : memref<1x32xi32, #tpu.memory_space<vmem>> -> memref<32xi32, #tpu.memory_space<vmem>>
      %dma_start3A_404 = tpu.memref_slice %arg2[%add3A_27] : memref<8192xi32, #tpu.memory_space<hbm>> -> memref<32xi32, #tpu.memory_space<hbm>>
      %dma_start3A_405 = arith.constant 0 : i32
      %dma_start3A_406 = tpu.memref_slice %arg6[%run_scoped3A_28, %dma_start3A_405] : memref<8x32xi32, #tpu.memory_space<vmem>> -> memref<1x32xi32, #tpu.memory_space<vmem>>
      %dma_start3A_407 = tpu.memref_squeeze %dma_start3A_406 : memref<1x32xi32, #tpu.memory_space<vmem>> -> memref<32xi32, #tpu.memory_space<vmem>>
      %dma_start3A_408 = tpu.memref_slice %arg2[%add3A_27] : memref<8192xi32, #tpu.memory_space<hbm>> -> memref<32xi32, #tpu.memory_space<hbm>>
      tpu.enqueue_dma source(%dma_start3A_408 : memref<32xi32, #tpu.memory_space<hbm>>) target(%dma_start3A_407 : memref<32xi32, #tpu.memory_space<vmem>>) target_semaphore(%run_scoped3A_400 : memref<!tpu.dma_semaphore, #tpu.memory_space<semaphore_mem>>)
      %dma_wait3A_409 = arith.constant 0 : i32
      %dma_wait3A_410 = tpu.memref_slice %arg6[%run_scoped3A_28, %dma_wait3A_409] : memref<8x32xi32, #tpu.memory_space<vmem>> -> memref<1x32xi32, #tpu.memory_space<vmem>>
      %dma_wait3A_411 = tpu.memref_squeeze %dma_wait3A_410 : memref<1x32xi32, #tpu.memory_space<vmem>> -> memref<32xi32, #tpu.memory_space<vmem>>
      %dma_wait3A_412 = tpu.memref_slice %arg2[%add3A_27] : memref<8192xi32, #tpu.memory_space<hbm>> -> memref<32xi32, #tpu.memory_space<hbm>>
      %dma_wait3A_413 = arith.constant 0 : i32
      %dma_wait3A_414 = tpu.memref_slice %arg6[%run_scoped3A_28, %dma_wait3A_413] : memref<8x32xi32, #tpu.memory_space<vmem>> -> memref<1x32xi32, #tpu.memory_space<vmem>>
      %dma_wait3A_415 = tpu.memref_squeeze %dma_wait3A_414 : memref<1x32xi32, #tpu.memory_space<vmem>> -> memref<32xi32, #tpu.memory_space<vmem>>
      %dma_wait3A_416 = tpu.memref_slice %arg2[%add3A_27] : memref<8192xi32, #tpu.memory_space<hbm>> -> memref<32xi32, #tpu.memory_space<hbm>>
      tpu.wait_dma2 semaphore(%run_scoped3A_400 : memref<!tpu.dma_semaphore, #tpu.memory_space<semaphore_mem>>) src(%dma_wait3A_416 : memref<32xi32, #tpu.memory_space<hbm>>) dst(%dma_wait3A_415 : memref<32xi32, #tpu.memory_space<vmem>>)
      tpu.yield
    }) : () -> ()
    %add3A_29 = arith.constant 96 : i32
    %add3A_30 = arith.addi %mul3A_2, %add3A_29 : i32
    %run_scoped3A_31 = arith.constant 3 : i32
    "tpu.region"() ({
      %run_scoped3A_400 = tpu.sem_alloc : memref<!tpu.dma_semaphore, #tpu.memory_space<semaphore_mem>>
      %dma_start3A_401 = arith.constant 0 : i32
      %dma_start3A_402 = tpu.memref_slice %arg6[%run_scoped3A_31, %dma_start3A_401] : memref<8x32xi32, #tpu.memory_space<vmem>> -> memref<1x32xi32, #tpu.memory_space<vmem>>
      %dma_start3A_403 = tpu.memref_squeeze %dma_start3A_402 : memref<1x32xi32, #tpu.memory_space<vmem>> -> memref<32xi32, #tpu.memory_space<vmem>>
      %dma_start3A_404 = tpu.memref_slice %arg2[%add3A_30] : memref<8192xi32, #tpu.memory_space<hbm>> -> memref<32xi32, #tpu.memory_space<hbm>>
      %dma_start3A_405 = arith.constant 0 : i32
      %dma_start3A_406 = tpu.memref_slice %arg6[%run_scoped3A_31, %dma_start3A_405] : memref<8x32xi32, #tpu.memory_space<vmem>> -> memref<1x32xi32, #tpu.memory_space<vmem>>
      %dma_start3A_407 = tpu.memref_squeeze %dma_start3A_406 : memref<1x32xi32, #tpu.memory_space<vmem>> -> memref<32xi32, #tpu.memory_space<vmem>>
      %dma_start3A_408 = tpu.memref_slice %arg2[%add3A_30] : memref<8192xi32, #tpu.memory_space<hbm>> -> memref<32xi32, #tpu.memory_space<hbm>>
      tpu.enqueue_dma source(%dma_start3A_408 : memref<32xi32, #tpu.memory_space<hbm>>) target(%dma_start3A_407 : memref<32xi32, #tpu.memory_space<vmem>>) target_semaphore(%run_scoped3A_400 : memref<!tpu.dma_semaphore, #tpu.memory_space<semaphore_mem>>)
      %dma_wait3A_409 = arith.constant 0 : i32
      %dma_wait3A_410 = tpu.memref_slice %arg6[%run_scoped3A_31, %dma_wait3A_409] : memref<8x32xi32, #tpu.memory_space<vmem>> -> memref<1x32xi32, #tpu.memory_space<vmem>>
      %dma_wait3A_411 = tpu.memref_squeeze %dma_wait3A_410 : memref<1x32xi32, #tpu.memory_space<vmem>> -> memref<32xi32, #tpu.memory_space<vmem>>
      %dma_wait3A_412 = tpu.memref_slice %arg2[%add3A_30] : memref<8192xi32, #tpu.memory_space<hbm>> -> memref<32xi32, #tpu.memory_space<hbm>>
      %dma_wait3A_413 = arith.constant 0 : i32
      %dma_wait3A_414 = tpu.memref_slice %arg6[%run_scoped3A_31, %dma_wait3A_413] : memref<8x32xi32, #tpu.memory_space<vmem>> -> memref<1x32xi32, #tpu.memory_space<vmem>>
      %dma_wait3A_415 = tpu.memref_squeeze %dma_wait3A_414 : memref<1x32xi32, #tpu.memory_space<vmem>> -> memref<32xi32, #tpu.memory_space<vmem>>
      %dma_wait3A_416 = tpu.memref_slice %arg2[%add3A_30] : memref<8192xi32, #tpu.memory_space<hbm>> -> memref<32xi32, #tpu.memory_space<hbm>>
      tpu.wait_dma2 semaphore(%run_scoped3A_400 : memref<!tpu.dma_semaphore, #tpu.memory_space<semaphore_mem>>) src(%dma_wait3A_416 : memref<32xi32, #tpu.memory_space<hbm>>) dst(%dma_wait3A_415 : memref<32xi32, #tpu.memory_space<vmem>>)
      tpu.yield
    }) : () -> ()
    %add3A_32 = arith.constant 128 : i32
    %add3A_33 = arith.addi %mul3A_2, %add3A_32 : i32
    %run_scoped3A_34 = arith.constant 4 : i32
    "tpu.region"() ({
      %run_scoped3A_400 = tpu.sem_alloc : memref<!tpu.dma_semaphore, #tpu.memory_space<semaphore_mem>>
      %dma_start3A_401 = arith.constant 0 : i32
      %dma_start3A_402 = tpu.memref_slice %arg6[%run_scoped3A_34, %dma_start3A_401] : memref<8x32xi32, #tpu.memory_space<vmem>> -> memref<1x32xi32, #tpu.memory_space<vmem>>
      %dma_start3A_403 = tpu.memref_squeeze %dma_start3A_402 : memref<1x32xi32, #tpu.memory_space<vmem>> -> memref<32xi32, #tpu.memory_space<vmem>>
      %dma_start3A_404 = tpu.memref_slice %arg2[%add3A_33] : memref<8192xi32, #tpu.memory_space<hbm>> -> memref<32xi32, #tpu.memory_space<hbm>>
      %dma_start3A_405 = arith.constant 0 : i32
      %dma_start3A_406 = tpu.memref_slice %arg6[%run_scoped3A_34, %dma_start3A_405] : memref<8x32xi32, #tpu.memory_space<vmem>> -> memref<1x32xi32, #tpu.memory_space<vmem>>
      %dma_start3A_407 = tpu.memref_squeeze %dma_start3A_406 : memref<1x32xi32, #tpu.memory_space<vmem>> -> memref<32xi32, #tpu.memory_space<vmem>>
      %dma_start3A_408 = tpu.memref_slice %arg2[%add3A_33] : memref<8192xi32, #tpu.memory_space<hbm>> -> memref<32xi32, #tpu.memory_space<hbm>>
      tpu.enqueue_dma source(%dma_start3A_408 : memref<32xi32, #tpu.memory_space<hbm>>) target(%dma_start3A_407 : memref<32xi32, #tpu.memory_space<vmem>>) target_semaphore(%run_scoped3A_400 : memref<!tpu.dma_semaphore, #tpu.memory_space<semaphore_mem>>)
      %dma_wait3A_409 = arith.constant 0 : i32
      %dma_wait3A_410 = tpu.memref_slice %arg6[%run_scoped3A_34, %dma_wait3A_409] : memref<8x32xi32, #tpu.memory_space<vmem>> -> memref<1x32xi32, #tpu.memory_space<vmem>>
      %dma_wait3A_411 = tpu.memref_squeeze %dma_wait3A_410 : memref<1x32xi32, #tpu.memory_space<vmem>> -> memref<32xi32, #tpu.memory_space<vmem>>
      %dma_wait3A_412 = tpu.memref_slice %arg2[%add3A_33] : memref<8192xi32, #tpu.memory_space<hbm>> -> memref<32xi32, #tpu.memory_space<hbm>>
      %dma_wait3A_413 = arith.constant 0 : i32
      %dma_wait3A_414 = tpu.memref_slice %arg6[%run_scoped3A_34, %dma_wait3A_413] : memref<8x32xi32, #tpu.memory_space<vmem>> -> memref<1x32xi32, #tpu.memory_space<vmem>>
      %dma_wait3A_415 = tpu.memref_squeeze %dma_wait3A_414 : memref<1x32xi32, #tpu.memory_space<vmem>> -> memref<32xi32, #tpu.memory_space<vmem>>
      %dma_wait3A_416 = tpu.memref_slice %arg2[%add3A_33] : memref<8192xi32, #tpu.memory_space<hbm>> -> memref<32xi32, #tpu.memory_space<hbm>>
      tpu.wait_dma2 semaphore(%run_scoped3A_400 : memref<!tpu.dma_semaphore, #tpu.memory_space<semaphore_mem>>) src(%dma_wait3A_416 : memref<32xi32, #tpu.memory_space<hbm>>) dst(%dma_wait3A_415 : memref<32xi32, #tpu.memory_space<vmem>>)
      tpu.yield
    }) : () -> ()
    %add3A_35 = arith.constant 160 : i32
    %add3A_36 = arith.addi %mul3A_2, %add3A_35 : i32
    %run_scoped3A_37 = arith.constant 5 : i32
    "tpu.region"() ({
      %run_scoped3A_400 = tpu.sem_alloc : memref<!tpu.dma_semaphore, #tpu.memory_space<semaphore_mem>>
      %dma_start3A_401 = arith.constant 0 : i32
      %dma_start3A_402 = tpu.memref_slice %arg6[%run_scoped3A_37, %dma_start3A_401] : memref<8x32xi32, #tpu.memory_space<vmem>> -> memref<1x32xi32, #tpu.memory_space<vmem>>
      %dma_start3A_403 = tpu.memref_squeeze %dma_start3A_402 : memref<1x32xi32, #tpu.memory_space<vmem>> -> memref<32xi32, #tpu.memory_space<vmem>>
      %dma_start3A_404 = tpu.memref_slice %arg2[%add3A_36] : memref<8192xi32, #tpu.memory_space<hbm>> -> memref<32xi32, #tpu.memory_space<hbm>>
      %dma_start3A_405 = arith.constant 0 : i32
      %dma_start3A_406 = tpu.memref_slice %arg6[%run_scoped3A_37, %dma_start3A_405] : memref<8x32xi32, #tpu.memory_space<vmem>> -> memref<1x32xi32, #tpu.memory_space<vmem>>
      %dma_start3A_407 = tpu.memref_squeeze %dma_start3A_406 : memref<1x32xi32, #tpu.memory_space<vmem>> -> memref<32xi32, #tpu.memory_space<vmem>>
      %dma_start3A_408 = tpu.memref_slice %arg2[%add3A_36] : memref<8192xi32, #tpu.memory_space<hbm>> -> memref<32xi32, #tpu.memory_space<hbm>>
      tpu.enqueue_dma source(%dma_start3A_408 : memref<32xi32, #tpu.memory_space<hbm>>) target(%dma_start3A_407 : memref<32xi32, #tpu.memory_space<vmem>>) target_semaphore(%run_scoped3A_400 : memref<!tpu.dma_semaphore, #tpu.memory_space<semaphore_mem>>)
      %dma_wait3A_409 = arith.constant 0 : i32
      %dma_wait3A_410 = tpu.memref_slice %arg6[%run_scoped3A_37, %dma_wait3A_409] : memref<8x32xi32, #tpu.memory_space<vmem>> -> memref<1x32xi32, #tpu.memory_space<vmem>>
      %dma_wait3A_411 = tpu.memref_squeeze %dma_wait3A_410 : memref<1x32xi32, #tpu.memory_space<vmem>> -> memref<32xi32, #tpu.memory_space<vmem>>
      %dma_wait3A_412 = tpu.memref_slice %arg2[%add3A_36] : memref<8192xi32, #tpu.memory_space<hbm>> -> memref<32xi32, #tpu.memory_space<hbm>>
      %dma_wait3A_413 = arith.constant 0 : i32
      %dma_wait3A_414 = tpu.memref_slice %arg6[%run_scoped3A_37, %dma_wait3A_413] : memref<8x32xi32, #tpu.memory_space<vmem>> -> memref<1x32xi32, #tpu.memory_space<vmem>>
      %dma_wait3A_415 = tpu.memref_squeeze %dma_wait3A_414 : memref<1x32xi32, #tpu.memory_space<vmem>> -> memref<32xi32, #tpu.memory_space<vmem>>
      %dma_wait3A_416 = tpu.memref_slice %arg2[%add3A_36] : memref<8192xi32, #tpu.memory_space<hbm>> -> memref<32xi32, #tpu.memory_space<hbm>>
      tpu.wait_dma2 semaphore(%run_scoped3A_400 : memref<!tpu.dma_semaphore, #tpu.memory_space<semaphore_mem>>) src(%dma_wait3A_416 : memref<32xi32, #tpu.memory_space<hbm>>) dst(%dma_wait3A_415 : memref<32xi32, #tpu.memory_space<vmem>>)
      tpu.yield
    }) : () -> ()
    %add3A_38 = arith.constant 192 : i32
    %add3A_39 = arith.addi %mul3A_2, %add3A_38 : i32
    %run_scoped3A_40 = arith.constant 6 : i32
    "tpu.region"() ({
      %run_scoped3A_400 = tpu.sem_alloc : memref<!tpu.dma_semaphore, #tpu.memory_space<semaphore_mem>>
      %dma_start3A_401 = arith.constant 0 : i32
      %dma_start3A_402 = tpu.memref_slice %arg6[%run_scoped3A_40, %dma_start3A_401] : memref<8x32xi32, #tpu.memory_space<vmem>> -> memref<1x32xi32, #tpu.memory_space<vmem>>
      %dma_start3A_403 = tpu.memref_squeeze %dma_start3A_402 : memref<1x32xi32, #tpu.memory_space<vmem>> -> memref<32xi32, #tpu.memory_space<vmem>>
      %dma_start3A_404 = tpu.memref_slice %arg2[%add3A_39] : memref<8192xi32, #tpu.memory_space<hbm>> -> memref<32xi32, #tpu.memory_space<hbm>>
      %dma_start3A_405 = arith.constant 0 : i32
      %dma_start3A_406 = tpu.memref_slice %arg6[%run_scoped3A_40, %dma_start3A_405] : memref<8x32xi32, #tpu.memory_space<vmem>> -> memref<1x32xi32, #tpu.memory_space<vmem>>
      %dma_start3A_407 = tpu.memref_squeeze %dma_start3A_406 : memref<1x32xi32, #tpu.memory_space<vmem>> -> memref<32xi32, #tpu.memory_space<vmem>>
      %dma_start3A_408 = tpu.memref_slice %arg2[%add3A_39] : memref<8192xi32, #tpu.memory_space<hbm>> -> memref<32xi32, #tpu.memory_space<hbm>>
      tpu.enqueue_dma source(%dma_start3A_408 : memref<32xi32, #tpu.memory_space<hbm>>) target(%dma_start3A_407 : memref<32xi32, #tpu.memory_space<vmem>>) target_semaphore(%run_scoped3A_400 : memref<!tpu.dma_semaphore, #tpu.memory_space<semaphore_mem>>)
      %dma_wait3A_409 = arith.constant 0 : i32
      %dma_wait3A_410 = tpu.memref_slice %arg6[%run_scoped3A_40, %dma_wait3A_409] : memref<8x32xi32, #tpu.memory_space<vmem>> -> memref<1x32xi32, #tpu.memory_space<vmem>>
      %dma_wait3A_411 = tpu.memref_squeeze %dma_wait3A_410 : memref<1x32xi32, #tpu.memory_space<vmem>> -> memref<32xi32, #tpu.memory_space<vmem>>
      %dma_wait3A_412 = tpu.memref_slice %arg2[%add3A_39] : memref<8192xi32, #tpu.memory_space<hbm>> -> memref<32xi32, #tpu.memory_space<hbm>>
      %dma_wait3A_413 = arith.constant 0 : i32
      %dma_wait3A_414 = tpu.memref_slice %arg6[%run_scoped3A_40, %dma_wait3A_413] : memref<8x32xi32, #tpu.memory_space<vmem>> -> memref<1x32xi32, #tpu.memory_space<vmem>>
      %dma_wait3A_415 = tpu.memref_squeeze %dma_wait3A_414 : memref<1x32xi32, #tpu.memory_space<vmem>> -> memref<32xi32, #tpu.memory_space<vmem>>
      %dma_wait3A_416 = tpu.memref_slice %arg2[%add3A_39] : memref<8192xi32, #tpu.memory_space<hbm>> -> memref<32xi32, #tpu.memory_space<hbm>>
      tpu.wait_dma2 semaphore(%run_scoped3A_400 : memref<!tpu.dma_semaphore, #tpu.memory_space<semaphore_mem>>) src(%dma_wait3A_416 : memref<32xi32, #tpu.memory_space<hbm>>) dst(%dma_wait3A_415 : memref<32xi32, #tpu.memory_space<vmem>>)
      tpu.yield
    }) : () -> ()
    %add3A_41 = arith.constant 224 : i32
    %add3A_42 = arith.addi %mul3A_2, %add3A_41 : i32
    %run_scoped3A_43 = arith.constant 7 : i32
    "tpu.region"() ({
      %run_scoped3A_400 = tpu.sem_alloc : memref<!tpu.dma_semaphore, #tpu.memory_space<semaphore_mem>>
      %dma_start3A_401 = arith.constant 0 : i32
      %dma_start3A_402 = tpu.memref_slice %arg6[%run_scoped3A_43, %dma_start3A_401] : memref<8x32xi32, #tpu.memory_space<vmem>> -> memref<1x32xi32, #tpu.memory_space<vmem>>
      %dma_start3A_403 = tpu.memref_squeeze %dma_start3A_402 : memref<1x32xi32, #tpu.memory_space<vmem>> -> memref<32xi32, #tpu.memory_space<vmem>>
      %dma_start3A_404 = tpu.memref_slice %arg2[%add3A_42] : memref<8192xi32, #tpu.memory_space<hbm>> -> memref<32xi32, #tpu.memory_space<hbm>>
      %dma_start3A_405 = arith.constant 0 : i32
      %dma_start3A_406 = tpu.memref_slice %arg6[%run_scoped3A_43, %dma_start3A_405] : memref<8x32xi32, #tpu.memory_space<vmem>> -> memref<1x32xi32, #tpu.memory_space<vmem>>
      %dma_start3A_407 = tpu.memref_squeeze %dma_start3A_406 : memref<1x32xi32, #tpu.memory_space<vmem>> -> memref<32xi32, #tpu.memory_space<vmem>>
      %dma_start3A_408 = tpu.memref_slice %arg2[%add3A_42] : memref<8192xi32, #tpu.memory_space<hbm>> -> memref<32xi32, #tpu.memory_space<hbm>>
      tpu.enqueue_dma source(%dma_start3A_408 : memref<32xi32, #tpu.memory_space<hbm>>) target(%dma_start3A_407 : memref<32xi32, #tpu.memory_space<vmem>>) target_semaphore(%run_scoped3A_400 : memref<!tpu.dma_semaphore, #tpu.memory_space<semaphore_mem>>)
      %dma_wait3A_409 = arith.constant 0 : i32
      %dma_wait3A_410 = tpu.memref_slice %arg6[%run_scoped3A_43, %dma_wait3A_409] : memref<8x32xi32, #tpu.memory_space<vmem>> -> memref<1x32xi32, #tpu.memory_space<vmem>>
      %dma_wait3A_411 = tpu.memref_squeeze %dma_wait3A_410 : memref<1x32xi32, #tpu.memory_space<vmem>> -> memref<32xi32, #tpu.memory_space<vmem>>
      %dma_wait3A_412 = tpu.memref_slice %arg2[%add3A_42] : memref<8192xi32, #tpu.memory_space<hbm>> -> memref<32xi32, #tpu.memory_space<hbm>>
      %dma_wait3A_413 = arith.constant 0 : i32
      %dma_wait3A_414 = tpu.memref_slice %arg6[%run_scoped3A_43, %dma_wait3A_413] : memref<8x32xi32, #tpu.memory_space<vmem>> -> memref<1x32xi32, #tpu.memory_space<vmem>>
      %dma_wait3A_415 = tpu.memref_squeeze %dma_wait3A_414 : memref<1x32xi32, #tpu.memory_space<vmem>> -> memref<32xi32, #tpu.memory_space<vmem>>
      %dma_wait3A_416 = tpu.memref_slice %arg2[%add3A_42] : memref<8192xi32, #tpu.memory_space<hbm>> -> memref<32xi32, #tpu.memory_space<hbm>>
      tpu.wait_dma2 semaphore(%run_scoped3A_400 : memref<!tpu.dma_semaphore, #tpu.memory_space<semaphore_mem>>) src(%dma_wait3A_416 : memref<32xi32, #tpu.memory_space<hbm>>) dst(%dma_wait3A_415 : memref<32xi32, #tpu.memory_space<vmem>>)
      tpu.yield
    }) : () -> ()
    %get3A = arith.constant 0 : i32
    %get3A_44 = arith.index_cast %get3A : i32 to index
    %get3A_45 = arith.constant 0 : index
    %get3A_46 = tpu.vector_load %arg6[%get3A_44, %get3A_45] {strides = array<i32>} : memref<8x32xi32, #tpu.memory_space<vmem>>, vector<1x16xi32>,
    %get3A_47 = vector.shape_cast %get3A_46 : vector<1x16xi32> to vector<16xi32>
    %sub3A_48 = vector.broadcast %mul3A_20 : i32 to vector<16xi32>
    %sub3A_49 = arith.subi %get3A_47, %sub3A_48 : vector<16xi32>
    %swap3A = arith.constant 0 : i32
    %swap3A_50 = arith.index_cast %swap3A : i32 to index
    %swap3A_51 = arith.constant 0 : index
    %swap3A_52 = tpu.vector_load %arg7[%swap3A_50, %swap3A_51] {strides = array<i32>} : memref<8x32xi32, #tpu.memory_space<vmem>>, vector<1x16xi32>,
    %swap3A_53 = vector.shape_cast %swap3A_52 : vector<1x16xi32> to vector<16xi32>
    %swap3A_54 = vector.shape_cast %sub3A_49 : vector<16xi32> to vector<1x16xi32>
    tpu.vector_store %arg7[%swap3A_50, %swap3A_51], %swap3A_54 {strides = array<i32>} : memref<8x32xi32, #tpu.memory_space<vmem>>, vector<1x16xi32>,
    %get3A_55 = arith.constant 0 : i32
    %get3A_56 = arith.index_cast %get3A_55 : i32 to index
    %get3A_57 = arith.constant 16 : index
    %get3A_58 = tpu.vector_load %arg6[%get3A_56, %get3A_57] {strides = array<i32>} : memref<8x32xi32, #tpu.memory_space<vmem>>, vector<1x16xi32>,
    %get3A_59 = vector.shape_cast %get3A_58 : vector<1x16xi32> to vector<16xi32>
    %sub3A_60 = vector.broadcast %mul3A_20 : i32 to vector<16xi32>
    %sub3A_61 = arith.subi %get3A_59, %sub3A_60 : vector<16xi32>
    %swap3A_62 = arith.constant 0 : i32
    %swap3A_63 = arith.index_cast %swap3A_62 : i32 to index
    %swap3A_64 = arith.constant 16 : index
    %swap3A_65 = tpu.vector_load %arg7[%swap3A_63, %swap3A_64] {strides = array<i32>} : memref<8x32xi32, #tpu.memory_space<vmem>>, vector<1x16xi32>,
    %swap3A_66 = vector.shape_cast %swap3A_65 : vector<1x16xi32> to vector<16xi32>
    %swap3A_67 = vector.shape_cast %sub3A_61 : vector<16xi32> to vector<1x16xi32>
    tpu.vector_store %arg7[%swap3A_63, %swap3A_64], %swap3A_67 {strides = array<i32>} : memref<8x32xi32, #tpu.memory_space<vmem>>, vector<1x16xi32>,
    %get3A_68 = arith.constant 1 : i32
    %get3A_69 = arith.index_cast %get3A_68 : i32 to index
    %get3A_70 = arith.constant 0 : index
    %get3A_71 = tpu.vector_load %arg6[%get3A_69, %get3A_70] {strides = array<i32>} : memref<8x32xi32, #tpu.memory_space<vmem>>, vector<1x16xi32>,
    %get3A_72 = vector.shape_cast %get3A_71 : vector<1x16xi32> to vector<16xi32>
    %sub3A_73 = vector.broadcast %mul3A_20 : i32 to vector<16xi32>
    %sub3A_74 = arith.subi %get3A_72, %sub3A_73 : vector<16xi32>
    %swap3A_75 = arith.constant 1 : i32
    %swap3A_76 = arith.index_cast %swap3A_75 : i32 to index
    %swap3A_77 = arith.constant 0 : index
    %swap3A_78 = tpu.vector_load %arg7[%swap3A_76, %swap3A_77] {strides = array<i32>} : memref<8x32xi32, #tpu.memory_space<vmem>>, vector<1x16xi32>,
    %swap3A_79 = vector.shape_cast %swap3A_78 : vector<1x16xi32> to vector<16xi32>
    %swap3A_80 = vector.shape_cast %sub3A_74 : vector<16xi32> to vector<1x16xi32>
    tpu.vector_store %arg7[%swap3A_76, %swap3A_77], %swap3A_80 {strides = array<i32>} : memref<8x32xi32, #tpu.memory_space<vmem>>, vector<1x16xi32>,
    %get3A_81 = arith.constant 1 : i32
    %get3A_82 = arith.index_cast %get3A_81 : i32 to index
    %get3A_83 = arith.constant 16 : index
    %get3A_84 = tpu.vector_load %arg6[%get3A_82, %get3A_83] {strides = array<i32>} : memref<8x32xi32, #tpu.memory_space<vmem>>, vector<1x16xi32>,
    %get3A_85 = vector.shape_cast %get3A_84 : vector<1x16xi32> to vector<16xi32>
    %sub3A_86 = vector.broadcast %mul3A_20 : i32 to vector<16xi32>
    %sub3A_87 = arith.subi %get3A_85, %sub3A_86 : vector<16xi32>
    %swap3A_88 = arith.constant 1 : i32
    %swap3A_89 = arith.index_cast %swap3A_88 : i32 to index
    %swap3A_90 = arith.constant 16 : index
    %swap3A_91 = tpu.vector_load %arg7[%swap3A_89, %swap3A_90] {strides = array<i32>} : memref<8x32xi32, #tpu.memory_space<vmem>>, vector<1x16xi32>,
    %swap3A_92 = vector.shape_cast %swap3A_91 : vector<1x16xi32> to vector<16xi32>
    %swap3A_93 = vector.shape_cast %sub3A_87 : vector<16xi32> to vector<1x16xi32>
    tpu.vector_store %arg7[%swap3A_89, %swap3A_90], %swap3A_93 {strides = array<i32>} : memref<8x32xi32, #tpu.memory_space<vmem>>, vector<1x16xi32>,
    %get3A_94 = arith.constant 2 : i32
    %get3A_95 = arith.index_cast %get3A_94 : i32 to index
    %get3A_96 = arith.constant 0 : index
    %get3A_97 = tpu.vector_load %arg6[%get3A_95, %get3A_96] {strides = array<i32>} : memref<8x32xi32, #tpu.memory_space<vmem>>, vector<1x16xi32>,
    %get3A_98 = vector.shape_cast %get3A_97 : vector<1x16xi32> to vector<16xi32>
    %sub3A_99 = vector.broadcast %mul3A_20 : i32 to vector<16xi32>
    %sub3A_100 = arith.subi %get3A_98, %sub3A_99 : vector<16xi32>
    %swap3A_101 = arith.constant 2 : i32
    %swap3A_102 = arith.index_cast %swap3A_101 : i32 to index
    %swap3A_103 = arith.constant 0 : index
    %swap3A_104 = tpu.vector_load %arg7[%swap3A_102, %swap3A_103] {strides = array<i32>} : memref<8x32xi32, #tpu.memory_space<vmem>>, vector<1x16xi32>,
    %swap3A_105 = vector.shape_cast %swap3A_104 : vector<1x16xi32> to vector<16xi32>
    %swap3A_106 = vector.shape_cast %sub3A_100 : vector<16xi32> to vector<1x16xi32>
    tpu.vector_store %arg7[%swap3A_102, %swap3A_103], %swap3A_106 {strides = array<i32>} : memref<8x32xi32, #tpu.memory_space<vmem>>, vector<1x16xi32>,
    %get3A_107 = arith.constant 2 : i32
    %get3A_108 = arith.index_cast %get3A_107 : i32 to index
    %get3A_109 = arith.constant 16 : index
    %get3A_110 = tpu.vector_load %arg6[%get3A_108, %get3A_109] {strides = array<i32>} : memref<8x32xi32, #tpu.memory_space<vmem>>, vector<1x16xi32>,
    %get3A_111 = vector.shape_cast %get3A_110 : vector<1x16xi32> to vector<16xi32>
    %sub3A_112 = vector.broadcast %mul3A_20 : i32 to vector<16xi32>
    %sub3A_113 = arith.subi %get3A_111, %sub3A_112 : vector<16xi32>
    %swap3A_114 = arith.constant 2 : i32
    %swap3A_115 = arith.index_cast %swap3A_114 : i32 to index
    %swap3A_116 = arith.constant 16 : index
    %swap3A_117 = tpu.vector_load %arg7[%swap3A_115, %swap3A_116] {strides = array<i32>} : memref<8x32xi32, #tpu.memory_space<vmem>>, vector<1x16xi32>,
    %swap3A_118 = vector.shape_cast %swap3A_117 : vector<1x16xi32> to vector<16xi32>
    %swap3A_119 = vector.shape_cast %sub3A_113 : vector<16xi32> to vector<1x16xi32>
    tpu.vector_store %arg7[%swap3A_115, %swap3A_116], %swap3A_119 {strides = array<i32>} : memref<8x32xi32, #tpu.memory_space<vmem>>, vector<1x16xi32>,
    %get3A_120 = arith.constant 3 : i32
    %get3A_121 = arith.index_cast %get3A_120 : i32 to index
    %get3A_122 = arith.constant 0 : index
    %get3A_123 = tpu.vector_load %arg6[%get3A_121, %get3A_122] {strides = array<i32>} : memref<8x32xi32, #tpu.memory_space<vmem>>, vector<1x16xi32>,
    %get3A_124 = vector.shape_cast %get3A_123 : vector<1x16xi32> to vector<16xi32>
    %sub3A_125 = vector.broadcast %mul3A_20 : i32 to vector<16xi32>
    %sub3A_126 = arith.subi %get3A_124, %sub3A_125 : vector<16xi32>
    %swap3A_127 = arith.constant 3 : i32
    %swap3A_128 = arith.index_cast %swap3A_127 : i32 to index
    %swap3A_129 = arith.constant 0 : index
    %swap3A_130 = tpu.vector_load %arg7[%swap3A_128, %swap3A_129] {strides = array<i32>} : memref<8x32xi32, #tpu.memory_space<vmem>>, vector<1x16xi32>,
    %swap3A_131 = vector.shape_cast %swap3A_130 : vector<1x16xi32> to vector<16xi32>
    %swap3A_132 = vector.shape_cast %sub3A_126 : vector<16xi32> to vector<1x16xi32>
    tpu.vector_store %arg7[%swap3A_128, %swap3A_129], %swap3A_132 {strides = array<i32>} : memref<8x32xi32, #tpu.memory_space<vmem>>, vector<1x16xi32>,
    %get3A_133 = arith.constant 3 : i32
    %get3A_134 = arith.index_cast %get3A_133 : i32 to index
    %get3A_135 = arith.constant 16 : index
    %get3A_136 = tpu.vector_load %arg6[%get3A_134, %get3A_135] {strides = array<i32>} : memref<8x32xi32, #tpu.memory_space<vmem>>, vector<1x16xi32>,
    %get3A_137 = vector.shape_cast %get3A_136 : vector<1x16xi32> to vector<16xi32>
    %sub3A_138 = vector.broadcast %mul3A_20 : i32 to vector<16xi32>
    %sub3A_139 = arith.subi %get3A_137, %sub3A_138 : vector<16xi32>
    %swap3A_140 = arith.constant 3 : i32
    %swap3A_141 = arith.index_cast %swap3A_140 : i32 to index
    %swap3A_142 = arith.constant 16 : index
    %swap3A_143 = tpu.vector_load %arg7[%swap3A_141, %swap3A_142] {strides = array<i32>} : memref<8x32xi32, #tpu.memory_space<vmem>>, vector<1x16xi32>,
    %swap3A_144 = vector.shape_cast %swap3A_143 : vector<1x16xi32> to vector<16xi32>
    %swap3A_145 = vector.shape_cast %sub3A_139 : vector<16xi32> to vector<1x16xi32>
    tpu.vector_store %arg7[%swap3A_141, %swap3A_142], %swap3A_145 {strides = array<i32>} : memref<8x32xi32, #tpu.memory_space<vmem>>, vector<1x16xi32>,
    %get3A_146 = arith.constant 4 : i32
    %get3A_147 = arith.index_cast %get3A_146 : i32 to index
    %get3A_148 = arith.constant 0 : index
    %get3A_149 = tpu.vector_load %arg6[%get3A_147, %get3A_148] {strides = array<i32>} : memref<8x32xi32, #tpu.memory_space<vmem>>, vector<1x16xi32>,
    %get3A_150 = vector.shape_cast %get3A_149 : vector<1x16xi32> to vector<16xi32>
    %sub3A_151 = vector.broadcast %mul3A_20 : i32 to vector<16xi32>
    %sub3A_152 = arith.subi %get3A_150, %sub3A_151 : vector<16xi32>
    %swap3A_153 = arith.constant 4 : i32
    %swap3A_154 = arith.index_cast %swap3A_153 : i32 to index
    %swap3A_155 = arith.constant 0 : index
    %swap3A_156 = tpu.vector_load %arg7[%swap3A_154, %swap3A_155] {strides = array<i32>} : memref<8x32xi32, #tpu.memory_space<vmem>>, vector<1x16xi32>,
    %swap3A_157 = vector.shape_cast %swap3A_156 : vector<1x16xi32> to vector<16xi32>
    %swap3A_158 = vector.shape_cast %sub3A_152 : vector<16xi32> to vector<1x16xi32>
    tpu.vector_store %arg7[%swap3A_154, %swap3A_155], %swap3A_158 {strides = array<i32>} : memref<8x32xi32, #tpu.memory_space<vmem>>, vector<1x16xi32>,
    %get3A_159 = arith.constant 4 : i32
    %get3A_160 = arith.index_cast %get3A_159 : i32 to index
    %get3A_161 = arith.constant 16 : index
    %get3A_162 = tpu.vector_load %arg6[%get3A_160, %get3A_161] {strides = array<i32>} : memref<8x32xi32, #tpu.memory_space<vmem>>, vector<1x16xi32>,
    %get3A_163 = vector.shape_cast %get3A_162 : vector<1x16xi32> to vector<16xi32>
    %sub3A_164 = vector.broadcast %mul3A_20 : i32 to vector<16xi32>
    %sub3A_165 = arith.subi %get3A_163, %sub3A_164 : vector<16xi32>
    %swap3A_166 = arith.constant 4 : i32
    %swap3A_167 = arith.index_cast %swap3A_166 : i32 to index
    %swap3A_168 = arith.constant 16 : index
    %swap3A_169 = tpu.vector_load %arg7[%swap3A_167, %swap3A_168] {strides = array<i32>} : memref<8x32xi32, #tpu.memory_space<vmem>>, vector<1x16xi32>,
    %swap3A_170 = vector.shape_cast %swap3A_169 : vector<1x16xi32> to vector<16xi32>
    %swap3A_171 = vector.shape_cast %sub3A_165 : vector<16xi32> to vector<1x16xi32>
    tpu.vector_store %arg7[%swap3A_167, %swap3A_168], %swap3A_171 {strides = array<i32>} : memref<8x32xi32, #tpu.memory_space<vmem>>, vector<1x16xi32>,
    %get3A_172 = arith.constant 5 : i32
    %get3A_173 = arith.index_cast %get3A_172 : i32 to index
    %get3A_174 = arith.constant 0 : index
    %get3A_175 = tpu.vector_load %arg6[%get3A_173, %get3A_174] {strides = array<i32>} : memref<8x32xi32, #tpu.memory_space<vmem>>, vector<1x16xi32>,
    %get3A_176 = vector.shape_cast %get3A_175 : vector<1x16xi32> to vector<16xi32>
    %sub3A_177 = vector.broadcast %mul3A_20 : i32 to vector<16xi32>
    %sub3A_178 = arith.subi %get3A_176, %sub3A_177 : vector<16xi32>
    %swap3A_179 = arith.constant 5 : i32
    %swap3A_180 = arith.index_cast %swap3A_179 : i32 to index
    %swap3A_181 = arith.constant 0 : index
    %swap3A_182 = tpu.vector_load %arg7[%swap3A_180, %swap3A_181] {strides = array<i32>} : memref<8x32xi32, #tpu.memory_space<vmem>>, vector<1x16xi32>,
    %swap3A_183 = vector.shape_cast %swap3A_182 : vector<1x16xi32> to vector<16xi32>
    %swap3A_184 = vector.shape_cast %sub3A_178 : vector<16xi32> to vector<1x16xi32>
    tpu.vector_store %arg7[%swap3A_180, %swap3A_181], %swap3A_184 {strides = array<i32>} : memref<8x32xi32, #tpu.memory_space<vmem>>, vector<1x16xi32>,
    %get3A_185 = arith.constant 5 : i32
    %get3A_186 = arith.index_cast %get3A_185 : i32 to index
    %get3A_187 = arith.constant 16 : index
    %get3A_188 = tpu.vector_load %arg6[%get3A_186, %get3A_187] {strides = array<i32>} : memref<8x32xi32, #tpu.memory_space<vmem>>, vector<1x16xi32>,
    %get3A_189 = vector.shape_cast %get3A_188 : vector<1x16xi32> to vector<16xi32>
    %sub3A_190 = vector.broadcast %mul3A_20 : i32 to vector<16xi32>
    %sub3A_191 = arith.subi %get3A_189, %sub3A_190 : vector<16xi32>
    %swap3A_192 = arith.constant 5 : i32
    %swap3A_193 = arith.index_cast %swap3A_192 : i32 to index
    %swap3A_194 = arith.constant 16 : index
    %swap3A_195 = tpu.vector_load %arg7[%swap3A_193, %swap3A_194] {strides = array<i32>} : memref<8x32xi32, #tpu.memory_space<vmem>>, vector<1x16xi32>,
    %swap3A_196 = vector.shape_cast %swap3A_195 : vector<1x16xi32> to vector<16xi32>
    %swap3A_197 = vector.shape_cast %sub3A_191 : vector<16xi32> to vector<1x16xi32>
    tpu.vector_store %arg7[%swap3A_193, %swap3A_194], %swap3A_197 {strides = array<i32>} : memref<8x32xi32, #tpu.memory_space<vmem>>, vector<1x16xi32>,
    %get3A_198 = arith.constant 6 : i32
    %get3A_199 = arith.index_cast %get3A_198 : i32 to index
    %get3A_200 = arith.constant 0 : index
    %get3A_201 = tpu.vector_load %arg6[%get3A_199, %get3A_200] {strides = array<i32>} : memref<8x32xi32, #tpu.memory_space<vmem>>, vector<1x16xi32>,
    %get3A_202 = vector.shape_cast %get3A_201 : vector<1x16xi32> to vector<16xi32>
    %sub3A_203 = vector.broadcast %mul3A_20 : i32 to vector<16xi32>
    %sub3A_204 = arith.subi %get3A_202, %sub3A_203 : vector<16xi32>
    %swap3A_205 = arith.constant 6 : i32
    %swap3A_206 = arith.index_cast %swap3A_205 : i32 to index
    %swap3A_207 = arith.constant 0 : index
    %swap3A_208 = tpu.vector_load %arg7[%swap3A_206, %swap3A_207] {strides = array<i32>} : memref<8x32xi32, #tpu.memory_space<vmem>>, vector<1x16xi32>,
    %swap3A_209 = vector.shape_cast %swap3A_208 : vector<1x16xi32> to vector<16xi32>
    %swap3A_210 = vector.shape_cast %sub3A_204 : vector<16xi32> to vector<1x16xi32>
    tpu.vector_store %arg7[%swap3A_206, %swap3A_207], %swap3A_210 {strides = array<i32>} : memref<8x32xi32, #tpu.memory_space<vmem>>, vector<1x16xi32>,
    %get3A_211 = arith.constant 6 : i32
    %get3A_212 = arith.index_cast %get3A_211 : i32 to index
    %get3A_213 = arith.constant 16 : index
    %get3A_214 = tpu.vector_load %arg6[%get3A_212, %get3A_213] {strides = array<i32>} : memref<8x32xi32, #tpu.memory_space<vmem>>, vector<1x16xi32>,
    %get3A_215 = vector.shape_cast %get3A_214 : vector<1x16xi32> to vector<16xi32>
    %sub3A_216 = vector.broadcast %mul3A_20 : i32 to vector<16xi32>
    %sub3A_217 = arith.subi %get3A_215, %sub3A_216 : vector<16xi32>
    %swap3A_218 = arith.constant 6 : i32
    %swap3A_219 = arith.index_cast %swap3A_218 : i32 to index
    %swap3A_220 = arith.constant 16 : index
    %swap3A_221 = tpu.vector_load %arg7[%swap3A_219, %swap3A_220] {strides = array<i32>} : memref<8x32xi32, #tpu.memory_space<vmem>>, vector<1x16xi32>,
    %swap3A_222 = vector.shape_cast %swap3A_221 : vector<1x16xi32> to vector<16xi32>
    %swap3A_223 = vector.shape_cast %sub3A_217 : vector<16xi32> to vector<1x16xi32>
    tpu.vector_store %arg7[%swap3A_219, %swap3A_220], %swap3A_223 {strides = array<i32>} : memref<8x32xi32, #tpu.memory_space<vmem>>, vector<1x16xi32>,
    %get3A_224 = arith.constant 7 : i32
    %get3A_225 = arith.index_cast %get3A_224 : i32 to index
    %get3A_226 = arith.constant 0 : index
    %get3A_227 = tpu.vector_load %arg6[%get3A_225, %get3A_226] {strides = array<i32>} : memref<8x32xi32, #tpu.memory_space<vmem>>, vector<1x16xi32>,
    %get3A_228 = vector.shape_cast %get3A_227 : vector<1x16xi32> to vector<16xi32>
    %sub3A_229 = vector.broadcast %mul3A_20 : i32 to vector<16xi32>
    %sub3A_230 = arith.subi %get3A_228, %sub3A_229 : vector<16xi32>
    %swap3A_231 = arith.constant 7 : i32
    %swap3A_232 = arith.index_cast %swap3A_231 : i32 to index
    %swap3A_233 = arith.constant 0 : index
    %swap3A_234 = tpu.vector_load %arg7[%swap3A_232, %swap3A_233] {strides = array<i32>} : memref<8x32xi32, #tpu.memory_space<vmem>>, vector<1x16xi32>,
    %swap3A_235 = vector.shape_cast %swap3A_234 : vector<1x16xi32> to vector<16xi32>
    %swap3A_236 = vector.shape_cast %sub3A_230 : vector<16xi32> to vector<1x16xi32>
    tpu.vector_store %arg7[%swap3A_232, %swap3A_233], %swap3A_236 {strides = array<i32>} : memref<8x32xi32, #tpu.memory_space<vmem>>, vector<1x16xi32>,
    %get3A_237 = arith.constant 7 : i32
    %get3A_238 = arith.index_cast %get3A_237 : i32 to index
    %get3A_239 = arith.constant 16 : index
    %get3A_240 = tpu.vector_load %arg6[%get3A_238, %get3A_239] {strides = array<i32>} : memref<8x32xi32, #tpu.memory_space<vmem>>, vector<1x16xi32>,
    %get3A_241 = vector.shape_cast %get3A_240 : vector<1x16xi32> to vector<16xi32>
    %sub3A_242 = vector.broadcast %mul3A_20 : i32 to vector<16xi32>
    %sub3A_243 = arith.subi %get3A_241, %sub3A_242 : vector<16xi32>
    %swap3A_244 = arith.constant 7 : i32
    %swap3A_245 = arith.index_cast %swap3A_244 : i32 to index
    %swap3A_246 = arith.constant 16 : index
    %swap3A_247 = tpu.vector_load %arg7[%swap3A_245, %swap3A_246] {strides = array<i32>} : memref<8x32xi32, #tpu.memory_space<vmem>>, vector<1x16xi32>,
    %swap3A_248 = vector.shape_cast %swap3A_247 : vector<1x16xi32> to vector<16xi32>
    %swap3A_249 = vector.shape_cast %sub3A_243 : vector<16xi32> to vector<1x16xi32>
    tpu.vector_store %arg7[%swap3A_245, %swap3A_246], %swap3A_249 {strides = array<i32>} : memref<8x32xi32, #tpu.memory_space<vmem>>, vector<1x16xi32>,
    %add3A_250 = arith.constant 0 : i32
    %add3A_251 = arith.addi %mul3A_2, %add3A_250 : i32
    %run_scoped3A_252 = arith.constant 0 : i32
    "tpu.region"() ({
      %run_scoped3A_400 = tpu.sem_alloc : memref<!tpu.dma_semaphore, #tpu.memory_space<semaphore_mem>>
      %dma_start3A_401 = arith.constant 0 : i32
      %dma_start3A_402 = tpu.memref_slice %arg7[%run_scoped3A_252, %dma_start3A_401] : memref<8x32xi32, #tpu.memory_space<vmem>> -> memref<1x32xi32, #tpu.memory_space<vmem>>
      %dma_start3A_403 = tpu.memref_squeeze %dma_start3A_402 : memref<1x32xi32, #tpu.memory_space<vmem>> -> memref<32xi32, #tpu.memory_space<vmem>>
      %dma_start3A_404 = tpu.memref_slice %arg4[%add3A_251] : memref<8192xi32, #tpu.memory_space<hbm>> -> memref<32xi32, #tpu.memory_space<hbm>>
      %dma_start3A_405 = tpu.memref_slice %arg4[%add3A_251] : memref<8192xi32, #tpu.memory_space<hbm>> -> memref<32xi32, #tpu.memory_space<hbm>>
      %dma_start3A_406 = arith.constant 0 : i32
      %dma_start3A_407 = tpu.memref_slice %arg7[%run_scoped3A_252, %dma_start3A_406] : memref<8x32xi32, #tpu.memory_space<vmem>> -> memref<1x32xi32, #tpu.memory_space<vmem>>
      %dma_start3A_408 = tpu.memref_squeeze %dma_start3A_407 : memref<1x32xi32, #tpu.memory_space<vmem>> -> memref<32xi32, #tpu.memory_space<vmem>>
      tpu.enqueue_dma source(%dma_start3A_408 : memref<32xi32, #tpu.memory_space<vmem>>) target(%dma_start3A_405 : memref<32xi32, #tpu.memory_space<hbm>>) target_semaphore(%run_scoped3A_400 : memref<!tpu.dma_semaphore, #tpu.memory_space<semaphore_mem>>)
      %dma_wait3A_409 = arith.constant 0 : i32
      %dma_wait3A_410 = tpu.memref_slice %arg7[%run_scoped3A_252, %dma_wait3A_409] : memref<8x32xi32, #tpu.memory_space<vmem>> -> memref<1x32xi32, #tpu.memory_space<vmem>>
      %dma_wait3A_411 = tpu.memref_squeeze %dma_wait3A_410 : memref<1x32xi32, #tpu.memory_space<vmem>> -> memref<32xi32, #tpu.memory_space<vmem>>
      %dma_wait3A_412 = tpu.memref_slice %arg4[%add3A_251] : memref<8192xi32, #tpu.memory_space<hbm>> -> memref<32xi32, #tpu.memory_space<hbm>>
      %dma_wait3A_413 = tpu.memref_slice %arg4[%add3A_251] : memref<8192xi32, #tpu.memory_space<hbm>> -> memref<32xi32, #tpu.memory_space<hbm>>
      %dma_wait3A_414 = arith.constant 0 : i32
      %dma_wait3A_415 = tpu.memref_slice %arg7[%run_scoped3A_252, %dma_wait3A_414] : memref<8x32xi32, #tpu.memory_space<vmem>> -> memref<1x32xi32, #tpu.memory_space<vmem>>
      %dma_wait3A_416 = tpu.memref_squeeze %dma_wait3A_415 : memref<1x32xi32, #tpu.memory_space<vmem>> -> memref<32xi32, #tpu.memory_space<vmem>>
      tpu.wait_dma2 semaphore(%run_scoped3A_400 : memref<!tpu.dma_semaphore, #tpu.memory_space<semaphore_mem>>) src(%dma_wait3A_416 : memref<32xi32, #tpu.memory_space<vmem>>) dst(%dma_wait3A_413 : memref<32xi32, #tpu.memory_space<hbm>>)
      tpu.yield
    }) : () -> ()
    %add3A_253 = arith.constant 32 : i32
    %add3A_254 = arith.addi %mul3A_2, %add3A_253 : i32
    %run_scoped3A_255 = arith.constant 1 : i32
    "tpu.region"() ({
      %run_scoped3A_400 = tpu.sem_alloc : memref<!tpu.dma_semaphore, #tpu.memory_space<semaphore_mem>>
      %dma_start3A_401 = arith.constant 0 : i32
      %dma_start3A_402 = tpu.memref_slice %arg7[%run_scoped3A_255, %dma_start3A_401] : memref<8x32xi32, #tpu.memory_space<vmem>> -> memref<1x32xi32, #tpu.memory_space<vmem>>
      %dma_start3A_403 = tpu.memref_squeeze %dma_start3A_402 : memref<1x32xi32, #tpu.memory_space<vmem>> -> memref<32xi32, #tpu.memory_space<vmem>>
      %dma_start3A_404 = tpu.memref_slice %arg4[%add3A_254] : memref<8192xi32, #tpu.memory_space<hbm>> -> memref<32xi32, #tpu.memory_space<hbm>>
      %dma_start3A_405 = tpu.memref_slice %arg4[%add3A_254] : memref<8192xi32, #tpu.memory_space<hbm>> -> memref<32xi32, #tpu.memory_space<hbm>>
      %dma_start3A_406 = arith.constant 0 : i32
      %dma_start3A_407 = tpu.memref_slice %arg7[%run_scoped3A_255, %dma_start3A_406] : memref<8x32xi32, #tpu.memory_space<vmem>> -> memref<1x32xi32, #tpu.memory_space<vmem>>
      %dma_start3A_408 = tpu.memref_squeeze %dma_start3A_407 : memref<1x32xi32, #tpu.memory_space<vmem>> -> memref<32xi32, #tpu.memory_space<vmem>>
      tpu.enqueue_dma source(%dma_start3A_408 : memref<32xi32, #tpu.memory_space<vmem>>) target(%dma_start3A_405 : memref<32xi32, #tpu.memory_space<hbm>>) target_semaphore(%run_scoped3A_400 : memref<!tpu.dma_semaphore, #tpu.memory_space<semaphore_mem>>)
      %dma_wait3A_409 = arith.constant 0 : i32
      %dma_wait3A_410 = tpu.memref_slice %arg7[%run_scoped3A_255, %dma_wait3A_409] : memref<8x32xi32, #tpu.memory_space<vmem>> -> memref<1x32xi32, #tpu.memory_space<vmem>>
      %dma_wait3A_411 = tpu.memref_squeeze %dma_wait3A_410 : memref<1x32xi32, #tpu.memory_space<vmem>> -> memref<32xi32, #tpu.memory_space<vmem>>
      %dma_wait3A_412 = tpu.memref_slice %arg4[%add3A_254] : memref<8192xi32, #tpu.memory_space<hbm>> -> memref<32xi32, #tpu.memory_space<hbm>>
      %dma_wait3A_413 = tpu.memref_slice %arg4[%add3A_254] : memref<8192xi32, #tpu.memory_space<hbm>> -> memref<32xi32, #tpu.memory_space<hbm>>
      %dma_wait3A_414 = arith.constant 0 : i32
      %dma_wait3A_415 = tpu.memref_slice %arg7[%run_scoped3A_255, %dma_wait3A_414] : memref<8x32xi32, #tpu.memory_space<vmem>> -> memref<1x32xi32, #tpu.memory_space<vmem>>
      %dma_wait3A_416 = tpu.memref_squeeze %dma_wait3A_415 : memref<1x32xi32, #tpu.memory_space<vmem>> -> memref<32xi32, #tpu.memory_space<vmem>>
      tpu.wait_dma2 semaphore(%run_scoped3A_400 : memref<!tpu.dma_semaphore, #tpu.memory_space<semaphore_mem>>) src(%dma_wait3A_416 : memref<32xi32, #tpu.memory_space<vmem>>) dst(%dma_wait3A_413 : memref<32xi32, #tpu.memory_space<hbm>>)
      tpu.yield
    }) : () -> ()
    %add3A_256 = arith.constant 64 : i32
    %add3A_257 = arith.addi %mul3A_2, %add3A_256 : i32
    %run_scoped3A_258 = arith.constant 2 : i32
    "tpu.region"() ({
      %run_scoped3A_400 = tpu.sem_alloc : memref<!tpu.dma_semaphore, #tpu.memory_space<semaphore_mem>>
      %dma_start3A_401 = arith.constant 0 : i32
      %dma_start3A_402 = tpu.memref_slice %arg7[%run_scoped3A_258, %dma_start3A_401] : memref<8x32xi32, #tpu.memory_space<vmem>> -> memref<1x32xi32, #tpu.memory_space<vmem>>
      %dma_start3A_403 = tpu.memref_squeeze %dma_start3A_402 : memref<1x32xi32, #tpu.memory_space<vmem>> -> memref<32xi32, #tpu.memory_space<vmem>>
      %dma_start3A_404 = tpu.memref_slice %arg4[%add3A_257] : memref<8192xi32, #tpu.memory_space<hbm>> -> memref<32xi32, #tpu.memory_space<hbm>>
      %dma_start3A_405 = tpu.memref_slice %arg4[%add3A_257] : memref<8192xi32, #tpu.memory_space<hbm>> -> memref<32xi32, #tpu.memory_space<hbm>>
      %dma_start3A_406 = arith.constant 0 : i32
      %dma_start3A_407 = tpu.memref_slice %arg7[%run_scoped3A_258, %dma_start3A_406] : memref<8x32xi32, #tpu.memory_space<vmem>> -> memref<1x32xi32, #tpu.memory_space<vmem>>
      %dma_start3A_408 = tpu.memref_squeeze %dma_start3A_407 : memref<1x32xi32, #tpu.memory_space<vmem>> -> memref<32xi32, #tpu.memory_space<vmem>>
      tpu.enqueue_dma source(%dma_start3A_408 : memref<32xi32, #tpu.memory_space<vmem>>) target(%dma_start3A_405 : memref<32xi32, #tpu.memory_space<hbm>>) target_semaphore(%run_scoped3A_400 : memref<!tpu.dma_semaphore, #tpu.memory_space<semaphore_mem>>)
      %dma_wait3A_409 = arith.constant 0 : i32
      %dma_wait3A_410 = tpu.memref_slice %arg7[%run_scoped3A_258, %dma_wait3A_409] : memref<8x32xi32, #tpu.memory_space<vmem>> -> memref<1x32xi32, #tpu.memory_space<vmem>>
      %dma_wait3A_411 = tpu.memref_squeeze %dma_wait3A_410 : memref<1x32xi32, #tpu.memory_space<vmem>> -> memref<32xi32, #tpu.memory_space<vmem>>
      %dma_wait3A_412 = tpu.memref_slice %arg4[%add3A_257] : memref<8192xi32, #tpu.memory_space<hbm>> -> memref<32xi32, #tpu.memory_space<hbm>>
      %dma_wait3A_413 = tpu.memref_slice %arg4[%add3A_257] : memref<8192xi32, #tpu.memory_space<hbm>> -> memref<32xi32, #tpu.memory_space<hbm>>
      %dma_wait3A_414 = arith.constant 0 : i32
      %dma_wait3A_415 = tpu.memref_slice %arg7[%run_scoped3A_258, %dma_wait3A_414] : memref<8x32xi32, #tpu.memory_space<vmem>> -> memref<1x32xi32, #tpu.memory_space<vmem>>
      %dma_wait3A_416 = tpu.memref_squeeze %dma_wait3A_415 : memref<1x32xi32, #tpu.memory_space<vmem>> -> memref<32xi32, #tpu.memory_space<vmem>>
      tpu.wait_dma2 semaphore(%run_scoped3A_400 : memref<!tpu.dma_semaphore, #tpu.memory_space<semaphore_mem>>) src(%dma_wait3A_416 : memref<32xi32, #tpu.memory_space<vmem>>) dst(%dma_wait3A_413 : memref<32xi32, #tpu.memory_space<hbm>>)
      tpu.yield
    }) : () -> ()
    %add3A_259 = arith.constant 96 : i32
    %add3A_260 = arith.addi %mul3A_2, %add3A_259 : i32
    %run_scoped3A_261 = arith.constant 3 : i32
    "tpu.region"() ({
      %run_scoped3A_400 = tpu.sem_alloc : memref<!tpu.dma_semaphore, #tpu.memory_space<semaphore_mem>>
      %dma_start3A_401 = arith.constant 0 : i32
      %dma_start3A_402 = tpu.memref_slice %arg7[%run_scoped3A_261, %dma_start3A_401] : memref<8x32xi32, #tpu.memory_space<vmem>> -> memref<1x32xi32, #tpu.memory_space<vmem>>
      %dma_start3A_403 = tpu.memref_squeeze %dma_start3A_402 : memref<1x32xi32, #tpu.memory_space<vmem>> -> memref<32xi32, #tpu.memory_space<vmem>>
      %dma_start3A_404 = tpu.memref_slice %arg4[%add3A_260] : memref<8192xi32, #tpu.memory_space<hbm>> -> memref<32xi32, #tpu.memory_space<hbm>>
      %dma_start3A_405 = tpu.memref_slice %arg4[%add3A_260] : memref<8192xi32, #tpu.memory_space<hbm>> -> memref<32xi32, #tpu.memory_space<hbm>>
      %dma_start3A_406 = arith.constant 0 : i32
      %dma_start3A_407 = tpu.memref_slice %arg7[%run_scoped3A_261, %dma_start3A_406] : memref<8x32xi32, #tpu.memory_space<vmem>> -> memref<1x32xi32, #tpu.memory_space<vmem>>
      %dma_start3A_408 = tpu.memref_squeeze %dma_start3A_407 : memref<1x32xi32, #tpu.memory_space<vmem>> -> memref<32xi32, #tpu.memory_space<vmem>>
      tpu.enqueue_dma source(%dma_start3A_408 : memref<32xi32, #tpu.memory_space<vmem>>) target(%dma_start3A_405 : memref<32xi32, #tpu.memory_space<hbm>>) target_semaphore(%run_scoped3A_400 : memref<!tpu.dma_semaphore, #tpu.memory_space<semaphore_mem>>)
      %dma_wait3A_409 = arith.constant 0 : i32
      %dma_wait3A_410 = tpu.memref_slice %arg7[%run_scoped3A_261, %dma_wait3A_409] : memref<8x32xi32, #tpu.memory_space<vmem>> -> memref<1x32xi32, #tpu.memory_space<vmem>>
      %dma_wait3A_411 = tpu.memref_squeeze %dma_wait3A_410 : memref<1x32xi32, #tpu.memory_space<vmem>> -> memref<32xi32, #tpu.memory_space<vmem>>
      %dma_wait3A_412 = tpu.memref_slice %arg4[%add3A_260] : memref<8192xi32, #tpu.memory_space<hbm>> -> memref<32xi32, #tpu.memory_space<hbm>>
      %dma_wait3A_413 = tpu.memref_slice %arg4[%add3A_260] : memref<8192xi32, #tpu.memory_space<hbm>> -> memref<32xi32, #tpu.memory_space<hbm>>
      %dma_wait3A_414 = arith.constant 0 : i32
      %dma_wait3A_415 = tpu.memref_slice %arg7[%run_scoped3A_261, %dma_wait3A_414] : memref<8x32xi32, #tpu.memory_space<vmem>> -> memref<1x32xi32, #tpu.memory_space<vmem>>
      %dma_wait3A_416 = tpu.memref_squeeze %dma_wait3A_415 : memref<1x32xi32, #tpu.memory_space<vmem>> -> memref<32xi32, #tpu.memory_space<vmem>>
      tpu.wait_dma2 semaphore(%run_scoped3A_400 : memref<!tpu.dma_semaphore, #tpu.memory_space<semaphore_mem>>) src(%dma_wait3A_416 : memref<32xi32, #tpu.memory_space<vmem>>) dst(%dma_wait3A_413 : memref<32xi32, #tpu.memory_space<hbm>>)
      tpu.yield
    }) : () -> ()
    %add3A_262 = arith.constant 128 : i32
    %add3A_263 = arith.addi %mul3A_2, %add3A_262 : i32
    %run_scoped3A_264 = arith.constant 4 : i32
    "tpu.region"() ({
      %run_scoped3A_400 = tpu.sem_alloc : memref<!tpu.dma_semaphore, #tpu.memory_space<semaphore_mem>>
      %dma_start3A_401 = arith.constant 0 : i32
      %dma_start3A_402 = tpu.memref_slice %arg7[%run_scoped3A_264, %dma_start3A_401] : memref<8x32xi32, #tpu.memory_space<vmem>> -> memref<1x32xi32, #tpu.memory_space<vmem>>
      %dma_start3A_403 = tpu.memref_squeeze %dma_start3A_402 : memref<1x32xi32, #tpu.memory_space<vmem>> -> memref<32xi32, #tpu.memory_space<vmem>>
      %dma_start3A_404 = tpu.memref_slice %arg4[%add3A_263] : memref<8192xi32, #tpu.memory_space<hbm>> -> memref<32xi32, #tpu.memory_space<hbm>>
      %dma_start3A_405 = tpu.memref_slice %arg4[%add3A_263] : memref<8192xi32, #tpu.memory_space<hbm>> -> memref<32xi32, #tpu.memory_space<hbm>>
      %dma_start3A_406 = arith.constant 0 : i32
      %dma_start3A_407 = tpu.memref_slice %arg7[%run_scoped3A_264, %dma_start3A_406] : memref<8x32xi32, #tpu.memory_space<vmem>> -> memref<1x32xi32, #tpu.memory_space<vmem>>
      %dma_start3A_408 = tpu.memref_squeeze %dma_start3A_407 : memref<1x32xi32, #tpu.memory_space<vmem>> -> memref<32xi32, #tpu.memory_space<vmem>>
      tpu.enqueue_dma source(%dma_start3A_408 : memref<32xi32, #tpu.memory_space<vmem>>) target(%dma_start3A_405 : memref<32xi32, #tpu.memory_space<hbm>>) target_semaphore(%run_scoped3A_400 : memref<!tpu.dma_semaphore, #tpu.memory_space<semaphore_mem>>)
      %dma_wait3A_409 = arith.constant 0 : i32
      %dma_wait3A_410 = tpu.memref_slice %arg7[%run_scoped3A_264, %dma_wait3A_409] : memref<8x32xi32, #tpu.memory_space<vmem>> -> memref<1x32xi32, #tpu.memory_space<vmem>>
      %dma_wait3A_411 = tpu.memref_squeeze %dma_wait3A_410 : memref<1x32xi32, #tpu.memory_space<vmem>> -> memref<32xi32, #tpu.memory_space<vmem>>
      %dma_wait3A_412 = tpu.memref_slice %arg4[%add3A_263] : memref<8192xi32, #tpu.memory_space<hbm>> -> memref<32xi32, #tpu.memory_space<hbm>>
      %dma_wait3A_413 = tpu.memref_slice %arg4[%add3A_263] : memref<8192xi32, #tpu.memory_space<hbm>> -> memref<32xi32, #tpu.memory_space<hbm>>
      %dma_wait3A_414 = arith.constant 0 : i32
      %dma_wait3A_415 = tpu.memref_slice %arg7[%run_scoped3A_264, %dma_wait3A_414] : memref<8x32xi32, #tpu.memory_space<vmem>> -> memref<1x32xi32, #tpu.memory_space<vmem>>
      %dma_wait3A_416 = tpu.memref_squeeze %dma_wait3A_415 : memref<1x32xi32, #tpu.memory_space<vmem>> -> memref<32xi32, #tpu.memory_space<vmem>>
      tpu.wait_dma2 semaphore(%run_scoped3A_400 : memref<!tpu.dma_semaphore, #tpu.memory_space<semaphore_mem>>) src(%dma_wait3A_416 : memref<32xi32, #tpu.memory_space<vmem>>) dst(%dma_wait3A_413 : memref<32xi32, #tpu.memory_space<hbm>>)
      tpu.yield
    }) : () -> ()
    %add3A_265 = arith.constant 160 : i32
    %add3A_266 = arith.addi %mul3A_2, %add3A_265 : i32
    %run_scoped3A_267 = arith.constant 5 : i32
    "tpu.region"() ({
      %run_scoped3A_400 = tpu.sem_alloc : memref<!tpu.dma_semaphore, #tpu.memory_space<semaphore_mem>>
      %dma_start3A_401 = arith.constant 0 : i32
      %dma_start3A_402 = tpu.memref_slice %arg7[%run_scoped3A_267, %dma_start3A_401] : memref<8x32xi32, #tpu.memory_space<vmem>> -> memref<1x32xi32, #tpu.memory_space<vmem>>
      %dma_start3A_403 = tpu.memref_squeeze %dma_start3A_402 : memref<1x32xi32, #tpu.memory_space<vmem>> -> memref<32xi32, #tpu.memory_space<vmem>>
      %dma_start3A_404 = tpu.memref_slice %arg4[%add3A_266] : memref<8192xi32, #tpu.memory_space<hbm>> -> memref<32xi32, #tpu.memory_space<hbm>>
      %dma_start3A_405 = tpu.memref_slice %arg4[%add3A_266] : memref<8192xi32, #tpu.memory_space<hbm>> -> memref<32xi32, #tpu.memory_space<hbm>>
      %dma_start3A_406 = arith.constant 0 : i32
      %dma_start3A_407 = tpu.memref_slice %arg7[%run_scoped3A_267, %dma_start3A_406] : memref<8x32xi32, #tpu.memory_space<vmem>> -> memref<1x32xi32, #tpu.memory_space<vmem>>
      %dma_start3A_408 = tpu.memref_squeeze %dma_start3A_407 : memref<1x32xi32, #tpu.memory_space<vmem>> -> memref<32xi32, #tpu.memory_space<vmem>>
      tpu.enqueue_dma source(%dma_start3A_408 : memref<32xi32, #tpu.memory_space<vmem>>) target(%dma_start3A_405 : memref<32xi32, #tpu.memory_space<hbm>>) target_semaphore(%run_scoped3A_400 : memref<!tpu.dma_semaphore, #tpu.memory_space<semaphore_mem>>)
      %dma_wait3A_409 = arith.constant 0 : i32
      %dma_wait3A_410 = tpu.memref_slice %arg7[%run_scoped3A_267, %dma_wait3A_409] : memref<8x32xi32, #tpu.memory_space<vmem>> -> memref<1x32xi32, #tpu.memory_space<vmem>>
      %dma_wait3A_411 = tpu.memref_squeeze %dma_wait3A_410 : memref<1x32xi32, #tpu.memory_space<vmem>> -> memref<32xi32, #tpu.memory_space<vmem>>
      %dma_wait3A_412 = tpu.memref_slice %arg4[%add3A_266] : memref<8192xi32, #tpu.memory_space<hbm>> -> memref<32xi32, #tpu.memory_space<hbm>>
      %dma_wait3A_413 = tpu.memref_slice %arg4[%add3A_266] : memref<8192xi32, #tpu.memory_space<hbm>> -> memref<32xi32, #tpu.memory_space<hbm>>
      %dma_wait3A_414 = arith.constant 0 : i32
      %dma_wait3A_415 = tpu.memref_slice %arg7[%run_scoped3A_267, %dma_wait3A_414] : memref<8x32xi32, #tpu.memory_space<vmem>> -> memref<1x32xi32, #tpu.memory_space<vmem>>
      %dma_wait3A_416 = tpu.memref_squeeze %dma_wait3A_415 : memref<1x32xi32, #tpu.memory_space<vmem>> -> memref<32xi32, #tpu.memory_space<vmem>>
      tpu.wait_dma2 semaphore(%run_scoped3A_400 : memref<!tpu.dma_semaphore, #tpu.memory_space<semaphore_mem>>) src(%dma_wait3A_416 : memref<32xi32, #tpu.memory_space<vmem>>) dst(%dma_wait3A_413 : memref<32xi32, #tpu.memory_space<hbm>>)
      tpu.yield
    }) : () -> ()
    %add3A_268 = arith.constant 192 : i32
    %add3A_269 = arith.addi %mul3A_2, %add3A_268 : i32
    %run_scoped3A_270 = arith.constant 6 : i32
    "tpu.region"() ({
      %run_scoped3A_400 = tpu.sem_alloc : memref<!tpu.dma_semaphore, #tpu.memory_space<semaphore_mem>>
      %dma_start3A_401 = arith.constant 0 : i32
      %dma_start3A_402 = tpu.memref_slice %arg7[%run_scoped3A_270, %dma_start3A_401] : memref<8x32xi32, #tpu.memory_space<vmem>> -> memref<1x32xi32, #tpu.memory_space<vmem>>
      %dma_start3A_403 = tpu.memref_squeeze %dma_start3A_402 : memref<1x32xi32, #tpu.memory_space<vmem>> -> memref<32xi32, #tpu.memory_space<vmem>>
      %dma_start3A_404 = tpu.memref_slice %arg4[%add3A_269] : memref<8192xi32, #tpu.memory_space<hbm>> -> memref<32xi32, #tpu.memory_space<hbm>>
      %dma_start3A_405 = tpu.memref_slice %arg4[%add3A_269] : memref<8192xi32, #tpu.memory_space<hbm>> -> memref<32xi32, #tpu.memory_space<hbm>>
      %dma_start3A_406 = arith.constant 0 : i32
      %dma_start3A_407 = tpu.memref_slice %arg7[%run_scoped3A_270, %dma_start3A_406] : memref<8x32xi32, #tpu.memory_space<vmem>> -> memref<1x32xi32, #tpu.memory_space<vmem>>
      %dma_start3A_408 = tpu.memref_squeeze %dma_start3A_407 : memref<1x32xi32, #tpu.memory_space<vmem>> -> memref<32xi32, #tpu.memory_space<vmem>>
      tpu.enqueue_dma source(%dma_start3A_408 : memref<32xi32, #tpu.memory_space<vmem>>) target(%dma_start3A_405 : memref<32xi32, #tpu.memory_space<hbm>>) target_semaphore(%run_scoped3A_400 : memref<!tpu.dma_semaphore, #tpu.memory_space<semaphore_mem>>)
      %dma_wait3A_409 = arith.constant 0 : i32
      %dma_wait3A_410 = tpu.memref_slice %arg7[%run_scoped3A_270, %dma_wait3A_409] : memref<8x32xi32, #tpu.memory_space<vmem>> -> memref<1x32xi32, #tpu.memory_space<vmem>>
      %dma_wait3A_411 = tpu.memref_squeeze %dma_wait3A_410 : memref<1x32xi32, #tpu.memory_space<vmem>> -> memref<32xi32, #tpu.memory_space<vmem>>
      %dma_wait3A_412 = tpu.memref_slice %arg4[%add3A_269] : memref<8192xi32, #tpu.memory_space<hbm>> -> memref<32xi32, #tpu.memory_space<hbm>>
      %dma_wait3A_413 = tpu.memref_slice %arg4[%add3A_269] : memref<8192xi32, #tpu.memory_space<hbm>> -> memref<32xi32, #tpu.memory_space<hbm>>
      %dma_wait3A_414 = arith.constant 0 : i32
      %dma_wait3A_415 = tpu.memref_slice %arg7[%run_scoped3A_270, %dma_wait3A_414] : memref<8x32xi32, #tpu.memory_space<vmem>> -> memref<1x32xi32, #tpu.memory_space<vmem>>
      %dma_wait3A_416 = tpu.memref_squeeze %dma_wait3A_415 : memref<1x32xi32, #tpu.memory_space<vmem>> -> memref<32xi32, #tpu.memory_space<vmem>>
      tpu.wait_dma2 semaphore(%run_scoped3A_400 : memref<!tpu.dma_semaphore, #tpu.memory_space<semaphore_mem>>) src(%dma_wait3A_416 : memref<32xi32, #tpu.memory_space<vmem>>) dst(%dma_wait3A_413 : memref<32xi32, #tpu.memory_space<hbm>>)
      tpu.yield
    }) : () -> ()
    %add3A_271 = arith.constant 224 : i32
    %add3A_272 = arith.addi %mul3A_2, %add3A_271 : i32
    %run_scoped3A_273 = arith.constant 7 : i32
    "tpu.region"() ({
      %run_scoped3A_400 = tpu.sem_alloc : memref<!tpu.dma_semaphore, #tpu.memory_space<semaphore_mem>>
      %dma_start3A_401 = arith.constant 0 : i32
      %dma_start3A_402 = tpu.memref_slice %arg7[%run_scoped3A_273, %dma_start3A_401] : memref<8x32xi32, #tpu.memory_space<vmem>> -> memref<1x32xi32, #tpu.memory_space<vmem>>
      %dma_start3A_403 = tpu.memref_squeeze %dma_start3A_402 : memref<1x32xi32, #tpu.memory_space<vmem>> -> memref<32xi32, #tpu.memory_space<vmem>>
      %dma_start3A_404 = tpu.memref_slice %arg4[%add3A_272] : memref<8192xi32, #tpu.memory_space<hbm>> -> memref<32xi32, #tpu.memory_space<hbm>>
      %dma_start3A_405 = tpu.memref_slice %arg4[%add3A_272] : memref<8192xi32, #tpu.memory_space<hbm>> -> memref<32xi32, #tpu.memory_space<hbm>>
      %dma_start3A_406 = arith.constant 0 : i32
      %dma_start3A_407 = tpu.memref_slice %arg7[%run_scoped3A_273, %dma_start3A_406] : memref<8x32xi32, #tpu.memory_space<vmem>> -> memref<1x32xi32, #tpu.memory_space<vmem>>
      %dma_start3A_408 = tpu.memref_squeeze %dma_start3A_407 : memref<1x32xi32, #tpu.memory_space<vmem>> -> memref<32xi32, #tpu.memory_space<vmem>>
      tpu.enqueue_dma source(%dma_start3A_408 : memref<32xi32, #tpu.memory_space<vmem>>) target(%dma_start3A_405 : memref<32xi32, #tpu.memory_space<hbm>>) target_semaphore(%run_scoped3A_400 : memref<!tpu.dma_semaphore, #tpu.memory_space<semaphore_mem>>)
      %dma_wait3A_409 = arith.constant 0 : i32
      %dma_wait3A_410 = tpu.memref_slice %arg7[%run_scoped3A_273, %dma_wait3A_409] : memref<8x32xi32, #tpu.memory_space<vmem>> -> memref<1x32xi32, #tpu.memory_space<vmem>>
      %dma_wait3A_411 = tpu.memref_squeeze %dma_wait3A_410 : memref<1x32xi32, #tpu.memory_space<vmem>> -> memref<32xi32, #tpu.memory_space<vmem>>
      %dma_wait3A_412 = tpu.memref_slice %arg4[%add3A_272] : memref<8192xi32, #tpu.memory_space<hbm>> -> memref<32xi32, #tpu.memory_space<hbm>>
      %dma_wait3A_413 = tpu.memref_slice %arg4[%add3A_272] : memref<8192xi32, #tpu.memory_space<hbm>> -> memref<32xi32, #tpu.memory_space<hbm>>
      %dma_wait3A_414 = arith.constant 0 : i32
      %dma_wait3A_415 = tpu.memref_slice %arg7[%run_scoped3A_273, %dma_wait3A_414] : memref<8x32xi32, #tpu.memory_space<vmem>> -> memref<1x32xi32, #tpu.memory_space<vmem>>
      %dma_wait3A_416 = tpu.memref_squeeze %dma_wait3A_415 : memref<1x32xi32, #tpu.memory_space<vmem>> -> memref<32xi32, #tpu.memory_space<vmem>>
      tpu.wait_dma2 semaphore(%run_scoped3A_400 : memref<!tpu.dma_semaphore, #tpu.memory_space<semaphore_mem>>) src(%dma_wait3A_416 : memref<32xi32, #tpu.memory_space<vmem>>) dst(%dma_wait3A_413 : memref<32xi32, #tpu.memory_space<hbm>>)
      tpu.yield
    }) : () -> ()
    %dma_start3A = arith.constant 0 : i32
    %dma_start3A_274 = arith.constant 0 : i32
    %dma_start3A_275 = tpu.memref_slice %arg6[%dma_start3A, %dma_start3A_274] : memref<8x32xi32, #tpu.memory_space<vmem>> -> memref<1x32xi32, #tpu.memory_space<vmem>>
    %dma_start3A_276 = tpu.memref_squeeze %dma_start3A_275 : memref<1x32xi32, #tpu.memory_space<vmem>> -> memref<32xi32, #tpu.memory_space<vmem>>
    %dma_start3A_277 = arith.constant 0 : i32
    %dma_start3A_278 = arith.constant 0 : i32
    %dma_start3A_279 = tpu.memref_slice %arg3[%dma_start3A_277, %dma_start3A_278] : memref<16384x1024xf32, #tpu.memory_space<hbm>> -> memref<16384x1024xf32, #tpu.memory_space<hbm>>
    tpu.enqueue_indirect_dma source(%dma_start3A_279 : memref<16384x1024xf32, #tpu.memory_space<hbm>>) target(%arg8 : memref<32x1024xf32, #tpu.memory_space<vmem>>) offsets(%dma_start3A_276 : memref<32xi32, #tpu.memory_space<vmem>>) semaphore(%arg10 : memref<!tpu.dma_semaphore, #tpu.memory_space<semaphore_mem>>)
    %dma_start3A_280 = arith.constant 1 : i32
    %dma_start3A_281 = arith.constant 0 : i32
    %dma_start3A_282 = tpu.memref_slice %arg6[%dma_start3A_280, %dma_start3A_281] : memref<8x32xi32, #tpu.memory_space<vmem>> -> memref<1x32xi32, #tpu.memory_space<vmem>>
    %dma_start3A_283 = tpu.memref_squeeze %dma_start3A_282 : memref<1x32xi32, #tpu.memory_space<vmem>> -> memref<32xi32, #tpu.memory_space<vmem>>
    %dma_start3A_284 = arith.constant 0 : i32
    %dma_start3A_285 = arith.constant 0 : i32
    %dma_start3A_286 = tpu.memref_slice %arg3[%dma_start3A_284, %dma_start3A_285] : memref<16384x1024xf32, #tpu.memory_space<hbm>> -> memref<16384x1024xf32, #tpu.memory_space<hbm>>
    tpu.enqueue_indirect_dma source(%dma_start3A_286 : memref<16384x1024xf32, #tpu.memory_space<hbm>>) target(%arg9 : memref<32x1024xf32, #tpu.memory_space<vmem>>) offsets(%dma_start3A_283 : memref<32xi32, #tpu.memory_space<vmem>>) semaphore(%arg11 : memref<!tpu.dma_semaphore, #tpu.memory_space<semaphore_mem>>)
    %dma_wait3A = arith.constant 0 : i32
    %dma_wait3A_287 = arith.constant 0 : i32
    %dma_wait3A_288 = tpu.memref_slice %arg6[%dma_wait3A, %dma_wait3A_287] : memref<8x32xi32, #tpu.memory_space<vmem>> -> memref<1x32xi32, #tpu.memory_space<vmem>>
    %dma_wait3A_289 = tpu.memref_squeeze %dma_wait3A_288 : memref<1x32xi32, #tpu.memory_space<vmem>> -> memref<32xi32, #tpu.memory_space<vmem>>
    %dma_wait3A_290 = arith.constant 0 : i32
    %dma_wait3A_291 = arith.constant 0 : i32
    %dma_wait3A_292 = tpu.memref_slice %arg3[%dma_wait3A_290, %dma_wait3A_291] : memref<16384x1024xf32, #tpu.memory_space<hbm>> -> memref<16384x1024xf32, #tpu.memory_space<hbm>>
    tpu.wait_indirect_dma semaphore(%arg10 : memref<!tpu.dma_semaphore, #tpu.memory_space<semaphore_mem>>) src(%dma_wait3A_292 : memref<16384x1024xf32, #tpu.memory_space<hbm>>) dst(%arg8 : memref<32x1024xf32, #tpu.memory_space<vmem>>)
    %add3A_293 = arith.constant 0 : i32
    %add3A_294 = arith.addi %mul3A_2, %add3A_293 : i32
    "tpu.region"() ({
      %run_scoped3A_400 = tpu.sem_alloc : memref<!tpu.dma_semaphore, #tpu.memory_space<semaphore_mem>>
      %dma_start3A_401 = arith.constant 0 : i32
      %dma_start3A_402 = tpu.memref_slice %arg5[%add3A_294, %dma_start3A_401] : memref<8192x1024xf32, #tpu.memory_space<hbm>> -> memref<32x1024xf32, #tpu.memory_space<hbm>>
      %dma_start3A_403 = arith.constant 0 : i32
      %dma_start3A_404 = tpu.memref_slice %arg5[%add3A_294, %dma_start3A_403] : memref<8192x1024xf32, #tpu.memory_space<hbm>> -> memref<32x1024xf32, #tpu.memory_space<hbm>>
      tpu.enqueue_dma source(%arg8 : memref<32x1024xf32, #tpu.memory_space<vmem>>) target(%dma_start3A_404 : memref<32x1024xf32, #tpu.memory_space<hbm>>) target_semaphore(%run_scoped3A_400 : memref<!tpu.dma_semaphore, #tpu.memory_space<semaphore_mem>>)
      %dma_wait3A_405 = arith.constant 0 : i32
      %dma_wait3A_406 = tpu.memref_slice %arg5[%add3A_294, %dma_wait3A_405] : memref<8192x1024xf32, #tpu.memory_space<hbm>> -> memref<32x1024xf32, #tpu.memory_space<hbm>>
      %dma_wait3A_407 = arith.constant 0 : i32
      %dma_wait3A_408 = tpu.memref_slice %arg5[%add3A_294, %dma_wait3A_407] : memref<8192x1024xf32, #tpu.memory_space<hbm>> -> memref<32x1024xf32, #tpu.memory_space<hbm>>
      tpu.wait_dma2 semaphore(%run_scoped3A_400 : memref<!tpu.dma_semaphore, #tpu.memory_space<semaphore_mem>>) src(%arg8 : memref<32x1024xf32, #tpu.memory_space<vmem>>) dst(%dma_wait3A_408 : memref<32x1024xf32, #tpu.memory_space<hbm>>)
      tpu.yield
    }) : () -> ()
    %dma_start3A_295 = arith.constant 2 : i32
    %dma_start3A_296 = arith.constant 0 : i32
    %dma_start3A_297 = tpu.memref_slice %arg6[%dma_start3A_295, %dma_start3A_296] : memref<8x32xi32, #tpu.memory_space<vmem>> -> memref<1x32xi32, #tpu.memory_space<vmem>>
    %dma_start3A_298 = tpu.memref_squeeze %dma_start3A_297 : memref<1x32xi32, #tpu.memory_space<vmem>> -> memref<32xi32, #tpu.memory_space<vmem>>
    %dma_start3A_299 = arith.constant 0 : i32
    %dma_start3A_300 = arith.constant 0 : i32
    %dma_start3A_301 = tpu.memref_slice %arg3[%dma_start3A_299, %dma_start3A_300] : memref<16384x1024xf32, #tpu.memory_space<hbm>> -> memref<16384x1024xf32, #tpu.memory_space<hbm>>
    tpu.enqueue_indirect_dma source(%dma_start3A_301 : memref<16384x1024xf32, #tpu.memory_space<hbm>>) target(%arg8 : memref<32x1024xf32, #tpu.memory_space<vmem>>) offsets(%dma_start3A_298 : memref<32xi32, #tpu.memory_space<vmem>>) semaphore(%arg10 : memref<!tpu.dma_semaphore, #tpu.memory_space<semaphore_mem>>)
    %dma_wait3A_302 = arith.constant 1 : i32
    %dma_wait3A_303 = arith.constant 0 : i32
    %dma_wait3A_304 = tpu.memref_slice %arg6[%dma_wait3A_302, %dma_wait3A_303] : memref<8x32xi32, #tpu.memory_space<vmem>> -> memref<1x32xi32, #tpu.memory_space<vmem>>
    %dma_wait3A_305 = tpu.memref_squeeze %dma_wait3A_304 : memref<1x32xi32, #tpu.memory_space<vmem>> -> memref<32xi32, #tpu.memory_space<vmem>>
    %dma_wait3A_306 = arith.constant 0 : i32
    %dma_wait3A_307 = arith.constant 0 : i32
    %dma_wait3A_308 = tpu.memref_slice %arg3[%dma_wait3A_306, %dma_wait3A_307] : memref<16384x1024xf32, #tpu.memory_space<hbm>> -> memref<16384x1024xf32, #tpu.memory_space<hbm>>
    tpu.wait_indirect_dma semaphore(%arg11 : memref<!tpu.dma_semaphore, #tpu.memory_space<semaphore_mem>>) src(%dma_wait3A_308 : memref<16384x1024xf32, #tpu.memory_space<hbm>>) dst(%arg9 : memref<32x1024xf32, #tpu.memory_space<vmem>>)
    %add3A_309 = arith.constant 32 : i32
    %add3A_310 = arith.addi %mul3A_2, %add3A_309 : i32
    "tpu.region"() ({
      %run_scoped3A_400 = tpu.sem_alloc : memref<!tpu.dma_semaphore, #tpu.memory_space<semaphore_mem>>
      %dma_start3A_401 = arith.constant 0 : i32
      %dma_start3A_402 = tpu.memref_slice %arg5[%add3A_310, %dma_start3A_401] : memref<8192x1024xf32, #tpu.memory_space<hbm>> -> memref<32x1024xf32, #tpu.memory_space<hbm>>
      %dma_start3A_403 = arith.constant 0 : i32
      %dma_start3A_404 = tpu.memref_slice %arg5[%add3A_310, %dma_start3A_403] : memref<8192x1024xf32, #tpu.memory_space<hbm>> -> memref<32x1024xf32, #tpu.memory_space<hbm>>
      tpu.enqueue_dma source(%arg9 : memref<32x1024xf32, #tpu.memory_space<vmem>>) target(%dma_start3A_404 : memref<32x1024xf32, #tpu.memory_space<hbm>>) target_semaphore(%run_scoped3A_400 : memref<!tpu.dma_semaphore, #tpu.memory_space<semaphore_mem>>)
      %dma_wait3A_405 = arith.constant 0 : i32
      %dma_wait3A_406 = tpu.memref_slice %arg5[%add3A_310, %dma_wait3A_405] : memref<8192x1024xf32, #tpu.memory_space<hbm>> -> memref<32x1024xf32, #tpu.memory_space<hbm>>
      %dma_wait3A_407 = arith.constant 0 : i32
      %dma_wait3A_408 = tpu.memref_slice %arg5[%add3A_310, %dma_wait3A_407] : memref<8192x1024xf32, #tpu.memory_space<hbm>> -> memref<32x1024xf32, #tpu.memory_space<hbm>>
      tpu.wait_dma2 semaphore(%run_scoped3A_400 : memref<!tpu.dma_semaphore, #tpu.memory_space<semaphore_mem>>) src(%arg9 : memref<32x1024xf32, #tpu.memory_space<vmem>>) dst(%dma_wait3A_408 : memref<32x1024xf32, #tpu.memory_space<hbm>>)
      tpu.yield
    }) : () -> ()
    %dma_start3A_311 = arith.constant 3 : i32
    %dma_start3A_312 = arith.constant 0 : i32
    %dma_start3A_313 = tpu.memref_slice %arg6[%dma_start3A_311, %dma_start3A_312] : memref<8x32xi32, #tpu.memory_space<vmem>> -> memref<1x32xi32, #tpu.memory_space<vmem>>
    %dma_start3A_314 = tpu.memref_squeeze %dma_start3A_313 : memref<1x32xi32, #tpu.memory_space<vmem>> -> memref<32xi32, #tpu.memory_space<vmem>>
    %dma_start3A_315 = arith.constant 0 : i32
    %dma_start3A_316 = arith.constant 0 : i32
    %dma_start3A_317 = tpu.memref_slice %arg3[%dma_start3A_315, %dma_start3A_316] : memref<16384x1024xf32, #tpu.memory_space<hbm>> -> memref<16384x1024xf32, #tpu.memory_space<hbm>>
    tpu.enqueue_indirect_dma source(%dma_start3A_317 : memref<16384x1024xf32, #tpu.memory_space<hbm>>) target(%arg9 : memref<32x1024xf32, #tpu.memory_space<vmem>>) offsets(%dma_start3A_314 : memref<32xi32, #tpu.memory_space<vmem>>) semaphore(%arg11 : memref<!tpu.dma_semaphore, #tpu.memory_space<semaphore_mem>>)
    %dma_wait3A_318 = arith.constant 2 : i32
    %dma_wait3A_319 = arith.constant 0 : i32
    %dma_wait3A_320 = tpu.memref_slice %arg6[%dma_wait3A_318, %dma_wait3A_319] : memref<8x32xi32, #tpu.memory_space<vmem>> -> memref<1x32xi32, #tpu.memory_space<vmem>>
    %dma_wait3A_321 = tpu.memref_squeeze %dma_wait3A_320 : memref<1x32xi32, #tpu.memory_space<vmem>> -> memref<32xi32, #tpu.memory_space<vmem>>
    %dma_wait3A_322 = arith.constant 0 : i32
    %dma_wait3A_323 = arith.constant 0 : i32
    %dma_wait3A_324 = tpu.memref_slice %arg3[%dma_wait3A_322, %dma_wait3A_323] : memref<16384x1024xf32, #tpu.memory_space<hbm>> -> memref<16384x1024xf32, #tpu.memory_space<hbm>>
    tpu.wait_indirect_dma semaphore(%arg10 : memref<!tpu.dma_semaphore, #tpu.memory_space<semaphore_mem>>) src(%dma_wait3A_324 : memref<16384x1024xf32, #tpu.memory_space<hbm>>) dst(%arg8 : memref<32x1024xf32, #tpu.memory_space<vmem>>)
    %add3A_325 = arith.constant 64 : i32
    %add3A_326 = arith.addi %mul3A_2, %add3A_325 : i32
    "tpu.region"() ({
      %run_scoped3A_400 = tpu.sem_alloc : memref<!tpu.dma_semaphore, #tpu.memory_space<semaphore_mem>>
      %dma_start3A_401 = arith.constant 0 : i32
      %dma_start3A_402 = tpu.memref_slice %arg5[%add3A_326, %dma_start3A_401] : memref<8192x1024xf32, #tpu.memory_space<hbm>> -> memref<32x1024xf32, #tpu.memory_space<hbm>>
      %dma_start3A_403 = arith.constant 0 : i32
      %dma_start3A_404 = tpu.memref_slice %arg5[%add3A_326, %dma_start3A_403] : memref<8192x1024xf32, #tpu.memory_space<hbm>> -> memref<32x1024xf32, #tpu.memory_space<hbm>>
      tpu.enqueue_dma source(%arg8 : memref<32x1024xf32, #tpu.memory_space<vmem>>) target(%dma_start3A_404 : memref<32x1024xf32, #tpu.memory_space<hbm>>) target_semaphore(%run_scoped3A_400 : memref<!tpu.dma_semaphore, #tpu.memory_space<semaphore_mem>>)
      %dma_wait3A_405 = arith.constant 0 : i32
      %dma_wait3A_406 = tpu.memref_slice %arg5[%add3A_326, %dma_wait3A_405] : memref<8192x1024xf32, #tpu.memory_space<hbm>> -> memref<32x1024xf32, #tpu.memory_space<hbm>>
      %dma_wait3A_407 = arith.constant 0 : i32
      %dma_wait3A_408 = tpu.memref_slice %arg5[%add3A_326, %dma_wait3A_407] : memref<8192x1024xf32, #tpu.memory_space<hbm>> -> memref<32x1024xf32, #tpu.memory_space<hbm>>
      tpu.wait_dma2 semaphore(%run_scoped3A_400 : memref<!tpu.dma_semaphore, #tpu.memory_space<semaphore_mem>>) src(%arg8 : memref<32x1024xf32, #tpu.memory_space<vmem>>) dst(%dma_wait3A_408 : memref<32x1024xf32, #tpu.memory_space<hbm>>)
      tpu.yield
    }) : () -> ()
    %dma_start3A_327 = arith.constant 4 : i32
    %dma_start3A_328 = arith.constant 0 : i32
    %dma_start3A_329 = tpu.memref_slice %arg6[%dma_start3A_327, %dma_start3A_328] : memref<8x32xi32, #tpu.memory_space<vmem>> -> memref<1x32xi32, #tpu.memory_space<vmem>>
    %dma_start3A_330 = tpu.memref_squeeze %dma_start3A_329 : memref<1x32xi32, #tpu.memory_space<vmem>> -> memref<32xi32, #tpu.memory_space<vmem>>
    %dma_start3A_331 = arith.constant 0 : i32
    %dma_start3A_332 = arith.constant 0 : i32
    %dma_start3A_333 = tpu.memref_slice %arg3[%dma_start3A_331, %dma_start3A_332] : memref<16384x1024xf32, #tpu.memory_space<hbm>> -> memref<16384x1024xf32, #tpu.memory_space<hbm>>
    tpu.enqueue_indirect_dma source(%dma_start3A_333 : memref<16384x1024xf32, #tpu.memory_space<hbm>>) target(%arg8 : memref<32x1024xf32, #tpu.memory_space<vmem>>) offsets(%dma_start3A_330 : memref<32xi32, #tpu.memory_space<vmem>>) semaphore(%arg10 : memref<!tpu.dma_semaphore, #tpu.memory_space<semaphore_mem>>)
    %dma_wait3A_334 = arith.constant 3 : i32
    %dma_wait3A_335 = arith.constant 0 : i32
    %dma_wait3A_336 = tpu.memref_slice %arg6[%dma_wait3A_334, %dma_wait3A_335] : memref<8x32xi32, #tpu.memory_space<vmem>> -> memref<1x32xi32, #tpu.memory_space<vmem>>
    %dma_wait3A_337 = tpu.memref_squeeze %dma_wait3A_336 : memref<1x32xi32, #tpu.memory_space<vmem>> -> memref<32xi32, #tpu.memory_space<vmem>>
    %dma_wait3A_338 = arith.constant 0 : i32
    %dma_wait3A_339 = arith.constant 0 : i32
    %dma_wait3A_340 = tpu.memref_slice %arg3[%dma_wait3A_338, %dma_wait3A_339] : memref<16384x1024xf32, #tpu.memory_space<hbm>> -> memref<16384x1024xf32, #tpu.memory_space<hbm>>
    tpu.wait_indirect_dma semaphore(%arg11 : memref<!tpu.dma_semaphore, #tpu.memory_space<semaphore_mem>>) src(%dma_wait3A_340 : memref<16384x1024xf32, #tpu.memory_space<hbm>>) dst(%arg9 : memref<32x1024xf32, #tpu.memory_space<vmem>>)
    %add3A_341 = arith.constant 96 : i32
    %add3A_342 = arith.addi %mul3A_2, %add3A_341 : i32
    "tpu.region"() ({
      %run_scoped3A_400 = tpu.sem_alloc : memref<!tpu.dma_semaphore, #tpu.memory_space<semaphore_mem>>
      %dma_start3A_401 = arith.constant 0 : i32
      %dma_start3A_402 = tpu.memref_slice %arg5[%add3A_342, %dma_start3A_401] : memref<8192x1024xf32, #tpu.memory_space<hbm>> -> memref<32x1024xf32, #tpu.memory_space<hbm>>
      %dma_start3A_403 = arith.constant 0 : i32
      %dma_start3A_404 = tpu.memref_slice %arg5[%add3A_342, %dma_start3A_403] : memref<8192x1024xf32, #tpu.memory_space<hbm>> -> memref<32x1024xf32, #tpu.memory_space<hbm>>
      tpu.enqueue_dma source(%arg9 : memref<32x1024xf32, #tpu.memory_space<vmem>>) target(%dma_start3A_404 : memref<32x1024xf32, #tpu.memory_space<hbm>>) target_semaphore(%run_scoped3A_400 : memref<!tpu.dma_semaphore, #tpu.memory_space<semaphore_mem>>)
      %dma_wait3A_405 = arith.constant 0 : i32
      %dma_wait3A_406 = tpu.memref_slice %arg5[%add3A_342, %dma_wait3A_405] : memref<8192x1024xf32, #tpu.memory_space<hbm>> -> memref<32x1024xf32, #tpu.memory_space<hbm>>
      %dma_wait3A_407 = arith.constant 0 : i32
      %dma_wait3A_408 = tpu.memref_slice %arg5[%add3A_342, %dma_wait3A_407] : memref<8192x1024xf32, #tpu.memory_space<hbm>> -> memref<32x1024xf32, #tpu.memory_space<hbm>>
      tpu.wait_dma2 semaphore(%run_scoped3A_400 : memref<!tpu.dma_semaphore, #tpu.memory_space<semaphore_mem>>) src(%arg9 : memref<32x1024xf32, #tpu.memory_space<vmem>>) dst(%dma_wait3A_408 : memref<32x1024xf32, #tpu.memory_space<hbm>>)
      tpu.yield
    }) : () -> ()
    %dma_start3A_343 = arith.constant 5 : i32
    %dma_start3A_344 = arith.constant 0 : i32
    %dma_start3A_345 = tpu.memref_slice %arg6[%dma_start3A_343, %dma_start3A_344] : memref<8x32xi32, #tpu.memory_space<vmem>> -> memref<1x32xi32, #tpu.memory_space<vmem>>
    %dma_start3A_346 = tpu.memref_squeeze %dma_start3A_345 : memref<1x32xi32, #tpu.memory_space<vmem>> -> memref<32xi32, #tpu.memory_space<vmem>>
    %dma_start3A_347 = arith.constant 0 : i32
    %dma_start3A_348 = arith.constant 0 : i32
    %dma_start3A_349 = tpu.memref_slice %arg3[%dma_start3A_347, %dma_start3A_348] : memref<16384x1024xf32, #tpu.memory_space<hbm>> -> memref<16384x1024xf32, #tpu.memory_space<hbm>>
    tpu.enqueue_indirect_dma source(%dma_start3A_349 : memref<16384x1024xf32, #tpu.memory_space<hbm>>) target(%arg9 : memref<32x1024xf32, #tpu.memory_space<vmem>>) offsets(%dma_start3A_346 : memref<32xi32, #tpu.memory_space<vmem>>) semaphore(%arg11 : memref<!tpu.dma_semaphore, #tpu.memory_space<semaphore_mem>>)
    %dma_wait3A_350 = arith.constant 4 : i32
    %dma_wait3A_351 = arith.constant 0 : i32
    %dma_wait3A_352 = tpu.memref_slice %arg6[%dma_wait3A_350, %dma_wait3A_351] : memref<8x32xi32, #tpu.memory_space<vmem>> -> memref<1x32xi32, #tpu.memory_space<vmem>>
    %dma_wait3A_353 = tpu.memref_squeeze %dma_wait3A_352 : memref<1x32xi32, #tpu.memory_space<vmem>> -> memref<32xi32, #tpu.memory_space<vmem>>
    %dma_wait3A_354 = arith.constant 0 : i32
    %dma_wait3A_355 = arith.constant 0 : i32
    %dma_wait3A_356 = tpu.memref_slice %arg3[%dma_wait3A_354, %dma_wait3A_355] : memref<16384x1024xf32, #tpu.memory_space<hbm>> -> memref<16384x1024xf32, #tpu.memory_space<hbm>>
    tpu.wait_indirect_dma semaphore(%arg10 : memref<!tpu.dma_semaphore, #tpu.memory_space<semaphore_mem>>) src(%dma_wait3A_356 : memref<16384x1024xf32, #tpu.memory_space<hbm>>) dst(%arg8 : memref<32x1024xf32, #tpu.memory_space<vmem>>)
    %add3A_357 = arith.constant 128 : i32
    %add3A_358 = arith.addi %mul3A_2, %add3A_357 : i32
    "tpu.region"() ({
      %run_scoped3A_400 = tpu.sem_alloc : memref<!tpu.dma_semaphore, #tpu.memory_space<semaphore_mem>>
      %dma_start3A_401 = arith.constant 0 : i32
      %dma_start3A_402 = tpu.memref_slice %arg5[%add3A_358, %dma_start3A_401] : memref<8192x1024xf32, #tpu.memory_space<hbm>> -> memref<32x1024xf32, #tpu.memory_space<hbm>>
      %dma_start3A_403 = arith.constant 0 : i32
      %dma_start3A_404 = tpu.memref_slice %arg5[%add3A_358, %dma_start3A_403] : memref<8192x1024xf32, #tpu.memory_space<hbm>> -> memref<32x1024xf32, #tpu.memory_space<hbm>>
      tpu.enqueue_dma source(%arg8 : memref<32x1024xf32, #tpu.memory_space<vmem>>) target(%dma_start3A_404 : memref<32x1024xf32, #tpu.memory_space<hbm>>) target_semaphore(%run_scoped3A_400 : memref<!tpu.dma_semaphore, #tpu.memory_space<semaphore_mem>>)
      %dma_wait3A_405 = arith.constant 0 : i32
      %dma_wait3A_406 = tpu.memref_slice %arg5[%add3A_358, %dma_wait3A_405] : memref<8192x1024xf32, #tpu.memory_space<hbm>> -> memref<32x1024xf32, #tpu.memory_space<hbm>>
      %dma_wait3A_407 = arith.constant 0 : i32
      %dma_wait3A_408 = tpu.memref_slice %arg5[%add3A_358, %dma_wait3A_407] : memref<8192x1024xf32, #tpu.memory_space<hbm>> -> memref<32x1024xf32, #tpu.memory_space<hbm>>
      tpu.wait_dma2 semaphore(%run_scoped3A_400 : memref<!tpu.dma_semaphore, #tpu.memory_space<semaphore_mem>>) src(%arg8 : memref<32x1024xf32, #tpu.memory_space<vmem>>) dst(%dma_wait3A_408 : memref<32x1024xf32, #tpu.memory_space<hbm>>)
      tpu.yield
    }) : () -> ()
    %dma_start3A_359 = arith.constant 6 : i32
    %dma_start3A_360 = arith.constant 0 : i32
    %dma_start3A_361 = tpu.memref_slice %arg6[%dma_start3A_359, %dma_start3A_360] : memref<8x32xi32, #tpu.memory_space<vmem>> -> memref<1x32xi32, #tpu.memory_space<vmem>>
    %dma_start3A_362 = tpu.memref_squeeze %dma_start3A_361 : memref<1x32xi32, #tpu.memory_space<vmem>> -> memref<32xi32, #tpu.memory_space<vmem>>
    %dma_start3A_363 = arith.constant 0 : i32
    %dma_start3A_364 = arith.constant 0 : i32
    %dma_start3A_365 = tpu.memref_slice %arg3[%dma_start3A_363, %dma_start3A_364] : memref<16384x1024xf32, #tpu.memory_space<hbm>> -> memref<16384x1024xf32, #tpu.memory_space<hbm>>
    tpu.enqueue_indirect_dma source(%dma_start3A_365 : memref<16384x1024xf32, #tpu.memory_space<hbm>>) target(%arg8 : memref<32x1024xf32, #tpu.memory_space<vmem>>) offsets(%dma_start3A_362 : memref<32xi32, #tpu.memory_space<vmem>>) semaphore(%arg10 : memref<!tpu.dma_semaphore, #tpu.memory_space<semaphore_mem>>)
    %dma_wait3A_366 = arith.constant 5 : i32
    %dma_wait3A_367 = arith.constant 0 : i32
    %dma_wait3A_368 = tpu.memref_slice %arg6[%dma_wait3A_366, %dma_wait3A_367] : memref<8x32xi32, #tpu.memory_space<vmem>> -> memref<1x32xi32, #tpu.memory_space<vmem>>
    %dma_wait3A_369 = tpu.memref_squeeze %dma_wait3A_368 : memref<1x32xi32, #tpu.memory_space<vmem>> -> memref<32xi32, #tpu.memory_space<vmem>>
    %dma_wait3A_370 = arith.constant 0 : i32
    %dma_wait3A_371 = arith.constant 0 : i32
    %dma_wait3A_372 = tpu.memref_slice %arg3[%dma_wait3A_370, %dma_wait3A_371] : memref<16384x1024xf32, #tpu.memory_space<hbm>> -> memref<16384x1024xf32, #tpu.memory_space<hbm>>
    tpu.wait_indirect_dma semaphore(%arg11 : memref<!tpu.dma_semaphore, #tpu.memory_space<semaphore_mem>>) src(%dma_wait3A_372 : memref<16384x1024xf32, #tpu.memory_space<hbm>>) dst(%arg9 : memref<32x1024xf32, #tpu.memory_space<vmem>>)
    %add3A_373 = arith.constant 160 : i32
    %add3A_374 = arith.addi %mul3A_2, %add3A_373 : i32
    "tpu.region"() ({
      %run_scoped3A_400 = tpu.sem_alloc : memref<!tpu.dma_semaphore, #tpu.memory_space<semaphore_mem>>
      %dma_start3A_401 = arith.constant 0 : i32
      %dma_start3A_402 = tpu.memref_slice %arg5[%add3A_374, %dma_start3A_401] : memref<8192x1024xf32, #tpu.memory_space<hbm>> -> memref<32x1024xf32, #tpu.memory_space<hbm>>
      %dma_start3A_403 = arith.constant 0 : i32
      %dma_start3A_404 = tpu.memref_slice %arg5[%add3A_374, %dma_start3A_403] : memref<8192x1024xf32, #tpu.memory_space<hbm>> -> memref<32x1024xf32, #tpu.memory_space<hbm>>
      tpu.enqueue_dma source(%arg9 : memref<32x1024xf32, #tpu.memory_space<vmem>>) target(%dma_start3A_404 : memref<32x1024xf32, #tpu.memory_space<hbm>>) target_semaphore(%run_scoped3A_400 : memref<!tpu.dma_semaphore, #tpu.memory_space<semaphore_mem>>)
      %dma_wait3A_405 = arith.constant 0 : i32
      %dma_wait3A_406 = tpu.memref_slice %arg5[%add3A_374, %dma_wait3A_405] : memref<8192x1024xf32, #tpu.memory_space<hbm>> -> memref<32x1024xf32, #tpu.memory_space<hbm>>
      %dma_wait3A_407 = arith.constant 0 : i32
      %dma_wait3A_408 = tpu.memref_slice %arg5[%add3A_374, %dma_wait3A_407] : memref<8192x1024xf32, #tpu.memory_space<hbm>> -> memref<32x1024xf32, #tpu.memory_space<hbm>>
      tpu.wait_dma2 semaphore(%run_scoped3A_400 : memref<!tpu.dma_semaphore, #tpu.memory_space<semaphore_mem>>) src(%arg9 : memref<32x1024xf32, #tpu.memory_space<vmem>>) dst(%dma_wait3A_408 : memref<32x1024xf32, #tpu.memory_space<hbm>>)
      tpu.yield
    }) : () -> ()
    %dma_start3A_375 = arith.constant 7 : i32
    %dma_start3A_376 = arith.constant 0 : i32
    %dma_start3A_377 = tpu.memref_slice %arg6[%dma_start3A_375, %dma_start3A_376] : memref<8x32xi32, #tpu.memory_space<vmem>> -> memref<1x32xi32, #tpu.memory_space<vmem>>
    %dma_start3A_378 = tpu.memref_squeeze %dma_start3A_377 : memref<1x32xi32, #tpu.memory_space<vmem>> -> memref<32xi32, #tpu.memory_space<vmem>>
    %dma_start3A_379 = arith.constant 0 : i32
    %dma_start3A_380 = arith.constant 0 : i32
    %dma_start3A_381 = tpu.memref_slice %arg3[%dma_start3A_379, %dma_start3A_380] : memref<16384x1024xf32, #tpu.memory_space<hbm>> -> memref<16384x1024xf32, #tpu.memory_space<hbm>>
    tpu.enqueue_indirect_dma source(%dma_start3A_381 : memref<16384x1024xf32, #tpu.memory_space<hbm>>) target(%arg9 : memref<32x1024xf32, #tpu.memory_space<vmem>>) offsets(%dma_start3A_378 : memref<32xi32, #tpu.memory_space<vmem>>) semaphore(%arg11 : memref<!tpu.dma_semaphore, #tpu.memory_space<semaphore_mem>>)
    %dma_wait3A_382 = arith.constant 6 : i32
    %dma_wait3A_383 = arith.constant 0 : i32
    %dma_wait3A_384 = tpu.memref_slice %arg6[%dma_wait3A_382, %dma_wait3A_383] : memref<8x32xi32, #tpu.memory_space<vmem>> -> memref<1x32xi32, #tpu.memory_space<vmem>>
    %dma_wait3A_385 = tpu.memref_squeeze %dma_wait3A_384 : memref<1x32xi32, #tpu.memory_space<vmem>> -> memref<32xi32, #tpu.memory_space<vmem>>
    %dma_wait3A_386 = arith.constant 0 : i32
    %dma_wait3A_387 = arith.constant 0 : i32
    %dma_wait3A_388 = tpu.memref_slice %arg3[%dma_wait3A_386, %dma_wait3A_387] : memref<16384x1024xf32, #tpu.memory_space<hbm>> -> memref<16384x1024xf32, #tpu.memory_space<hbm>>
    tpu.wait_indirect_dma semaphore(%arg10 : memref<!tpu.dma_semaphore, #tpu.memory_space<semaphore_mem>>) src(%dma_wait3A_388 : memref<16384x1024xf32, #tpu.memory_space<hbm>>) dst(%arg8 : memref<32x1024xf32, #tpu.memory_space<vmem>>)
    %add3A_389 = arith.constant 192 : i32
    %add3A_390 = arith.addi %mul3A_2, %add3A_389 : i32
    "tpu.region"() ({
      %run_scoped3A_400 = tpu.sem_alloc : memref<!tpu.dma_semaphore, #tpu.memory_space<semaphore_mem>>
      %dma_start3A_401 = arith.constant 0 : i32
      %dma_start3A_402 = tpu.memref_slice %arg5[%add3A_390, %dma_start3A_401] : memref<8192x1024xf32, #tpu.memory_space<hbm>> -> memref<32x1024xf32, #tpu.memory_space<hbm>>
      %dma_start3A_403 = arith.constant 0 : i32
      %dma_start3A_404 = tpu.memref_slice %arg5[%add3A_390, %dma_start3A_403] : memref<8192x1024xf32, #tpu.memory_space<hbm>> -> memref<32x1024xf32, #tpu.memory_space<hbm>>
      tpu.enqueue_dma source(%arg8 : memref<32x1024xf32, #tpu.memory_space<vmem>>) target(%dma_start3A_404 : memref<32x1024xf32, #tpu.memory_space<hbm>>) target_semaphore(%run_scoped3A_400 : memref<!tpu.dma_semaphore, #tpu.memory_space<semaphore_mem>>)
      %dma_wait3A_405 = arith.constant 0 : i32
      %dma_wait3A_406 = tpu.memref_slice %arg5[%add3A_390, %dma_wait3A_405] : memref<8192x1024xf32, #tpu.memory_space<hbm>> -> memref<32x1024xf32, #tpu.memory_space<hbm>>
      %dma_wait3A_407 = arith.constant 0 : i32
      %dma_wait3A_408 = tpu.memref_slice %arg5[%add3A_390, %dma_wait3A_407] : memref<8192x1024xf32, #tpu.memory_space<hbm>> -> memref<32x1024xf32, #tpu.memory_space<hbm>>
      tpu.wait_dma2 semaphore(%run_scoped3A_400 : memref<!tpu.dma_semaphore, #tpu.memory_space<semaphore_mem>>) src(%arg8 : memref<32x1024xf32, #tpu.memory_space<vmem>>) dst(%dma_wait3A_408 : memref<32x1024xf32, #tpu.memory_space<hbm>>)
      tpu.yield
    }) : () -> ()
    %dma_wait3A_391 = arith.constant 7 : i32
    %dma_wait3A_392 = arith.constant 0 : i32
    %dma_wait3A_393 = tpu.memref_slice %arg6[%dma_wait3A_391, %dma_wait3A_392] : memref<8x32xi32, #tpu.memory_space<vmem>> -> memref<1x32xi32, #tpu.memory_space<vmem>>
    %dma_wait3A_394 = tpu.memref_squeeze %dma_wait3A_393 : memref<1x32xi32, #tpu.memory_space<vmem>> -> memref<32xi32, #tpu.memory_space<vmem>>
    %dma_wait3A_395 = arith.constant 0 : i32
    %dma_wait3A_396 = arith.constant 0 : i32
    %dma_wait3A_397 = tpu.memref_slice %arg3[%dma_wait3A_395, %dma_wait3A_396] : memref<16384x1024xf32, #tpu.memory_space<hbm>> -> memref<16384x1024xf32, #tpu.memory_space<hbm>>
    tpu.wait_indirect_dma semaphore(%arg11 : memref<!tpu.dma_semaphore, #tpu.memory_space<semaphore_mem>>) src(%dma_wait3A_397 : memref<16384x1024xf32, #tpu.memory_space<hbm>>) dst(%arg9 : memref<32x1024xf32, #tpu.memory_space<vmem>>)
    %add3A_398 = arith.constant 224 : i32
    %add3A_399 = arith.addi %mul3A_2, %add3A_398 : i32
    "tpu.region"() ({
      %run_scoped3A_400 = tpu.sem_alloc : memref<!tpu.dma_semaphore, #tpu.memory_space<semaphore_mem>>
      %dma_start3A_401 = arith.constant 0 : i32
      %dma_start3A_402 = tpu.memref_slice %arg5[%add3A_399, %dma_start3A_401] : memref<8192x1024xf32, #tpu.memory_space<hbm>> -> memref<32x1024xf32, #tpu.memory_space<hbm>>
      %dma_start3A_403 = arith.constant 0 : i32
      %dma_start3A_404 = tpu.memref_slice %arg5[%add3A_399, %dma_start3A_403] : memref<8192x1024xf32, #tpu.memory_space<hbm>> -> memref<32x1024xf32, #tpu.memory_space<hbm>>
      tpu.enqueue_dma source(%arg9 : memref<32x1024xf32, #tpu.memory_space<vmem>>) target(%dma_start3A_404 : memref<32x1024xf32, #tpu.memory_space<hbm>>) target_semaphore(%run_scoped3A_400 : memref<!tpu.dma_semaphore, #tpu.memory_space<semaphore_mem>>)
      %dma_wait3A_405 = arith.constant 0 : i32
      %dma_wait3A_406 = tpu.memref_slice %arg5[%add3A_399, %dma_wait3A_405] : memref<8192x1024xf32, #tpu.memory_space<hbm>> -> memref<32x1024xf32, #tpu.memory_space<hbm>>
      %dma_wait3A_407 = arith.constant 0 : i32
      %dma_wait3A_408 = tpu.memref_slice %arg5[%add3A_399, %dma_wait3A_407] : memref<8192x1024xf32, #tpu.memory_space<hbm>> -> memref<32x1024xf32, #tpu.memory_space<hbm>>
      tpu.wait_dma2 semaphore(%run_scoped3A_400 : memref<!tpu.dma_semaphore, #tpu.memory_space<semaphore_mem>>) src(%arg9 : memref<32x1024xf32, #tpu.memory_space<vmem>>) dst(%dma_wait3A_408 : memref<32x1024xf32, #tpu.memory_space<hbm>>)
      tpu.yield
    }) : () -> ()
    return
  }
}

module attributes {stable_mosaic.version = 14 : i64} {
  func.func @_scores_body(%arg0: i32, %arg1: memref<2048x1024xf32, #tpu.memory_space<vmem>>, %arg2: memref<8x1024xf32, #tpu.memory_space<vmem>>, %arg3: memref<1x1x2048xf32, #tpu.memory_space<vmem>>, %arg4: memref<1x1x2048xf32, #tpu.memory_space<vmem>>) attributes {dimension_semantics = [#tpu.dimension_semantics<arbitrary>], iteration_bounds = array<i64: 8>, scalar_prefetch = 0 : i64, scratch_operands = 0 : i64, tpu.core_type = #tpu.core_type<tc>, window_params = [{transform_indices = @transform_0, window_bounds = array<i64: 2048, 1024>}, {pipeline_mode = #tpu.pipeline_mode<synchronous>, transform_indices = @transform_1, window_bounds = array<i64: 8, 1024>}, {transform_indices = @transform_2, window_bounds = array<i64: 1, 1, 2048>}, {transform_indices = @transform_3, window_bounds = array<i64: 1, 1, 2048>}]} {
    %get3A = arith.constant 0 : index
    %get3A_0 = arith.constant 0 : index
    %get3A_1 = vector.load %arg1[%get3A, %get3A_0] : memref<2048x1024xf32, #tpu.memory_space<vmem>>, vector<2048x1024xf32>
    %get3A_2 = arith.constant 0 : index
    %get3A_3 = arith.constant 0 : index
    %get3A_4 = vector.load %arg2[%get3A_2, %get3A_3] : memref<8x1024xf32, #tpu.memory_space<vmem>>, vector<8x1024xf32>
    %dot_general3A = arith.constant dense<0.000000e+00> : vector<2048x8xf32>
    %dot_general3A_5 = tpu.matmul %get3A_1, %get3A_4, %dot_general3A {dimension_numbers = #tpu.dot_dimension_numbers<[1], [1], [0], [0], [0, 0, 1, 0], [], []>, transpose_lhs_hint = false} : vector<2048x1024xf32>, vector<8x1024xf32>, vector<2048x8xf32> -> vector<2048x8xf32>
    %slice3A = vector.extract_strided_slice %dot_general3A_5 {offsets = [0, 0], sizes = [2048, 1], strides = [1, 1]} : vector<2048x8xf32> to vector<2048x1xf32>
    %squeeze3A = vector.shape_cast %slice3A : vector<2048x1xf32> to vector<2048xf32>
    %get3A_6 = arith.constant 0 : index
    %get3A_7 = arith.constant 0 : index
    %get3A_8 = arith.constant 0 : index
    %get3A_9 = vector.load %arg3[%get3A_6, %get3A_7, %get3A_8] : memref<1x1x2048xf32, #tpu.memory_space<vmem>>, vector<1x1x2048xf32>
    %get3A_10 = vector.shape_cast %get3A_9 : vector<1x1x2048xf32> to vector<2048xf32>
    %add3A = arith.addf %squeeze3A, %get3A_10 : vector<2048xf32>
    %swap3A = arith.constant 0 : index
    %swap3A_11 = arith.constant 0 : index
    %swap3A_12 = arith.constant 0 : index
    %swap3A_13 = vector.load %arg4[%swap3A, %swap3A_11, %swap3A_12] : memref<1x1x2048xf32, #tpu.memory_space<vmem>>, vector<1x1x2048xf32>
    %swap3A_14 = vector.shape_cast %swap3A_13 : vector<1x1x2048xf32> to vector<2048xf32>
    %swap3A_15 = vector.shape_cast %add3A : vector<2048xf32> to vector<1x1x2048xf32>
    tpu.vector_store %arg4[%swap3A, %swap3A_11, %swap3A_12], %swap3A_15 {strides = array<i32>} : memref<1x1x2048xf32, #tpu.memory_space<vmem>>, vector<1x1x2048xf32>,
    return
  }
  func.func @transform_0(%arg0: i32) -> (i32, i32) {
    %c0_i32 = arith.constant 0 : i32
    %c0_i32_0 = arith.constant 0 : i32
    return %arg0, %c0_i32 : i32, i32
  }
  func.func @transform_1(%arg0: i32) -> (i32, i32) {
    %c0_i32 = arith.constant 0 : i32
    %c0_i32_0 = arith.constant 0 : i32
    %c0_i32_1 = arith.constant 0 : i32
    return %c0_i32, %c0_i32_0 : i32, i32
  }
  func.func @transform_2(%arg0: i32) -> (i32, i32, i32) {
    %c0_i32 = arith.constant 0 : i32
    %c0_i32_0 = arith.constant 0 : i32
    %c0_i32_1 = arith.constant 0 : i32
    return %arg0, %c0_i32, %c0_i32_0 : i32, i32, i32
  }
  func.func @transform_3(%arg0: i32) -> (i32, i32, i32) {
    %c0_i32 = arith.constant 0 : i32
    %c0_i32_0 = arith.constant 0 : i32
    %c0_i32_1 = arith.constant 0 : i32
    return %arg0, %c0_i32, %c0_i32_0 : i32, i32, i32
  }
}

module attributes {stable_mosaic.version = 14 : i64} {
  func.func @_select_body(%arg0: memref<128x128xf32, #tpu.memory_space<vmem>>, %arg1: memref<128x128xi32, #tpu.memory_space<vmem>>) attributes {dimension_semantics = [], scalar_prefetch = 0 : i64, scratch_operands = 0 : i64, tpu.core_type = #tpu.core_type<tc>} {
    %get3A = arith.constant 0 : index
    %get3A_0 = arith.constant 0 : index
    %get3A_1 = vector.load %arg0[%get3A, %get3A_0] : memref<128x128xf32, #tpu.memory_space<vmem>>, vector<128x128xf32>
    %bitcast_convert_type3A = tpu.bitcast %get3A_1 : vector<128x128xf32> -> vector<128x128xi32>
    %shift_right_arithmetic3A = arith.constant 31 : i32
    %shift_right_arithmetic3A_2 = vector.broadcast %shift_right_arithmetic3A : i32 to vector<128x128xi32>
    %shift_right_arithmetic3A_3 = arith.shrsi %bitcast_convert_type3A, %shift_right_arithmetic3A_2 : vector<128x128xi32>
    %and3A = arith.constant 2147483647 : i32
    %and3A_4 = vector.broadcast %and3A : i32 to vector<128x128xi32>
    %and3A_5 = arith.andi %and3A_4, %shift_right_arithmetic3A_3 : vector<128x128xi32>
    %xor3A = arith.xori %bitcast_convert_type3A, %and3A_5 : vector<128x128xi32>
    %iota3A = tpu.iota {dimensions = array<i32: 0>} : vector<128x1xi32>
    %jit3A = arith.constant 32 : i32
    %div3A = vector.broadcast %jit3A : i32 to vector<128x1xi32>
    %div3A_6 = arith.divsi %iota3A, %div3A : vector<128x1xi32>
    %sign3A = arith.constant 0 : i32
    %sign3A_7 = vector.broadcast %sign3A : i32 to vector<128x1xi32>
    %sign3A_8 = arith.cmpi sgt, %iota3A, %sign3A_7 : vector<128x1xi32>
    %sign3A_9 = arith.extui %sign3A_8 : vector<128x1xi1> to vector<128x1xi32>
    %sign3A_10 = arith.constant 0 : i32
    %sign3A_11 = vector.broadcast %sign3A_10 : i32 to vector<128x1xi32>
    %sign3A_12 = arith.cmpi slt, %iota3A, %sign3A_11 : vector<128x1xi32>
    %sign3A_13 = arith.extui %sign3A_12 : vector<128x1xi1> to vector<128x1xi32>
    %sign3A_14 = arith.subi %sign3A_9, %sign3A_13 : vector<128x1xi32>
    %sign3A_15 = arith.constant 0 : i32
    %sign3A_16 = arith.cmpi sgt, %jit3A, %sign3A_15 : i32
    %sign3A_17 = arith.extui %sign3A_16 : i1 to i32
    %sign3A_18 = arith.constant 0 : i32
    %sign3A_19 = arith.cmpi slt, %jit3A, %sign3A_18 : i32
    %sign3A_20 = arith.extui %sign3A_19 : i1 to i32
    %sign3A_21 = arith.subi %sign3A_17, %sign3A_20 : i32
    %ne3A = vector.broadcast %sign3A_21 : i32 to vector<128x1xi32>
    %ne3A_22 = arith.cmpi ne, %sign3A_14, %ne3A : vector<128x1xi32>
    %rem3A = vector.broadcast %jit3A : i32 to vector<128x1xi32>
    %rem3A_23 = arith.remsi %iota3A, %rem3A : vector<128x1xi32>
    %ne3A_24 = arith.constant 0 : i32
    %ne3A_25 = vector.broadcast %ne3A_24 : i32 to vector<128x1xi32>
    %ne3A_26 = arith.cmpi ne, %rem3A_23, %ne3A_25 : vector<128x1xi32>
    %and3A_27 = arith.andi %ne3A_22, %ne3A_26 : vector<128x1xi1>
    %sub3A = arith.constant 1 : i32
    %sub3A_28 = vector.broadcast %sub3A : i32 to vector<128x1xi32>
    %sub3A_29 = arith.subi %div3A_6, %sub3A_28 : vector<128x1xi32>
    %select_n3A = arith.select %and3A_27, %sub3A_29, %div3A_6 : vector<128x1xi1>, vector<128x1xi32>
    %iota3A_30 = tpu.iota {dimensions = array<i32: 0>} : vector<4x128xi32>
    %iota3A_31 = tpu.iota {dimensions = array<i32: 1>} : vector<4x128xi32>
    %jit3A_32 = arith.constant 32 : i32
    %div3A_33 = vector.broadcast %jit3A_32 : i32 to vector<4x128xi32>
    %div3A_34 = arith.divsi %iota3A_31, %div3A_33 : vector<4x128xi32>
    %sign3A_35 = arith.constant 0 : i32
    %sign3A_36 = vector.broadcast %sign3A_35 : i32 to vector<4x128xi32>
    %sign3A_37 = arith.cmpi sgt, %iota3A_31, %sign3A_36 : vector<4x128xi32>
    %sign3A_38 = arith.extui %sign3A_37 : vector<4x128xi1> to vector<4x128xi32>
    %sign3A_39 = arith.constant 0 : i32
    %sign3A_40 = vector.broadcast %sign3A_39 : i32 to vector<4x128xi32>
    %sign3A_41 = arith.cmpi slt, %iota3A_31, %sign3A_40 : vector<4x128xi32>
    %sign3A_42 = arith.extui %sign3A_41 : vector<4x128xi1> to vector<4x128xi32>
    %sign3A_43 = arith.subi %sign3A_38, %sign3A_42 : vector<4x128xi32>
    %sign3A_44 = arith.constant 0 : i32
    %sign3A_45 = arith.cmpi sgt, %jit3A_32, %sign3A_44 : i32
    %sign3A_46 = arith.extui %sign3A_45 : i1 to i32
    %sign3A_47 = arith.constant 0 : i32
    %sign3A_48 = arith.cmpi slt, %jit3A_32, %sign3A_47 : i32
    %sign3A_49 = arith.extui %sign3A_48 : i1 to i32
    %sign3A_50 = arith.subi %sign3A_46, %sign3A_49 : i32
    %ne3A_51 = vector.broadcast %sign3A_50 : i32 to vector<4x128xi32>
    %ne3A_52 = arith.cmpi ne, %sign3A_43, %ne3A_51 : vector<4x128xi32>
    %rem3A_53 = vector.broadcast %jit3A_32 : i32 to vector<4x128xi32>
    %rem3A_54 = arith.remsi %iota3A_31, %rem3A_53 : vector<4x128xi32>
    %ne3A_55 = arith.constant 0 : i32
    %ne3A_56 = vector.broadcast %ne3A_55 : i32 to vector<4x128xi32>
    %ne3A_57 = arith.cmpi ne, %rem3A_54, %ne3A_56 : vector<4x128xi32>
    %and3A_58 = arith.andi %ne3A_52, %ne3A_57 : vector<4x128xi1>
    %sub3A_59 = arith.constant 1 : i32
    %sub3A_60 = vector.broadcast %sub3A_59 : i32 to vector<4x128xi32>
    %sub3A_61 = arith.subi %div3A_34, %sub3A_60 : vector<4x128xi32>
    %select_n3A_62 = arith.select %and3A_58, %sub3A_61, %div3A_34 : vector<4x128xi1>, vector<4x128xi32>
    %eq3A = arith.cmpi eq, %iota3A_30, %select_n3A_62 : vector<4x128xi32>
    %convert_element_type3A = arith.extui %eq3A : vector<4x128xi1> to vector<4x128xi32>
    %convert_element_type3A_63 = arith.sitofp %convert_element_type3A : vector<4x128xi32> to vector<4x128xf32>
    %iota3A_64 = tpu.iota {dimensions = array<i32: 0>} : vector<128x4xi32>
    %jit3A_65 = arith.constant 32 : i32
    %div3A_66 = vector.broadcast %jit3A_65 : i32 to vector<128x4xi32>
    %div3A_67 = arith.divsi %iota3A_64, %div3A_66 : vector<128x4xi32>
    %sign3A_68 = arith.constant 0 : i32
    %sign3A_69 = vector.broadcast %sign3A_68 : i32 to vector<128x4xi32>
    %sign3A_70 = arith.cmpi sgt, %iota3A_64, %sign3A_69 : vector<128x4xi32>
    %sign3A_71 = arith.extui %sign3A_70 : vector<128x4xi1> to vector<128x4xi32>
    %sign3A_72 = arith.constant 0 : i32
    %sign3A_73 = vector.broadcast %sign3A_72 : i32 to vector<128x4xi32>
    %sign3A_74 = arith.cmpi slt, %iota3A_64, %sign3A_73 : vector<128x4xi32>
    %sign3A_75 = arith.extui %sign3A_74 : vector<128x4xi1> to vector<128x4xi32>
    %sign3A_76 = arith.subi %sign3A_71, %sign3A_75 : vector<128x4xi32>
    %sign3A_77 = arith.constant 0 : i32
    %sign3A_78 = arith.cmpi sgt, %jit3A_65, %sign3A_77 : i32
    %sign3A_79 = arith.extui %sign3A_78 : i1 to i32
    %sign3A_80 = arith.constant 0 : i32
    %sign3A_81 = arith.cmpi slt, %jit3A_65, %sign3A_80 : i32
    %sign3A_82 = arith.extui %sign3A_81 : i1 to i32
    %sign3A_83 = arith.subi %sign3A_79, %sign3A_82 : i32
    %ne3A_84 = vector.broadcast %sign3A_83 : i32 to vector<128x4xi32>
    %ne3A_85 = arith.cmpi ne, %sign3A_76, %ne3A_84 : vector<128x4xi32>
    %rem3A_86 = vector.broadcast %jit3A_65 : i32 to vector<128x4xi32>
    %rem3A_87 = arith.remsi %iota3A_64, %rem3A_86 : vector<128x4xi32>
    %ne3A_88 = arith.constant 0 : i32
    %ne3A_89 = vector.broadcast %ne3A_88 : i32 to vector<128x4xi32>
    %ne3A_90 = arith.cmpi ne, %rem3A_87, %ne3A_89 : vector<128x4xi32>
    %and3A_91 = arith.andi %ne3A_85, %ne3A_90 : vector<128x4xi1>
    %sub3A_92 = arith.constant 1 : i32
    %sub3A_93 = vector.broadcast %sub3A_92 : i32 to vector<128x4xi32>
    %sub3A_94 = arith.subi %div3A_67, %sub3A_93 : vector<128x4xi32>
    %select_n3A_95 = arith.select %and3A_91, %sub3A_94, %div3A_67 : vector<128x4xi1>, vector<128x4xi32>
    %iota3A_96 = tpu.iota {dimensions = array<i32: 1>} : vector<128x4xi32>
    %eq3A_97 = arith.cmpi eq, %select_n3A_95, %iota3A_96 : vector<128x4xi32>
    %convert_element_type3A_98 = arith.extui %eq3A_97 : vector<128x4xi1> to vector<128x4xi32>
    %convert_element_type3A_99 = arith.sitofp %convert_element_type3A_98 : vector<128x4xi32> to vector<128x4xf32>
    %broadcast_in_dim3A = arith.constant 0 : i32
    %broadcast_in_dim3A_100 = vector.broadcast %broadcast_in_dim3A : i32 to vector<128x1xi32>
    %ge3A = vector.broadcast %broadcast_in_dim3A_100 : vector<128x1xi32> to vector<128x128xi32>
    %ge3A_101 = arith.cmpi sge, %xor3A, %ge3A : vector<128x128xi32>
    %convert_element_type3A_102 = arith.extui %ge3A_101 : vector<128x128xi1> to vector<128x128xi32>
    %convert_element_type3A_103 = arith.sitofp %convert_element_type3A_102 : vector<128x128xi32> to vector<128x128xf32>
    %reduce_sum3A = arith.constant dense<0.000000e+00> : vector<128xf32>
    %reduce_sum3A_104 = vector.multi_reduction <add>, %convert_element_type3A_103, %reduce_sum3A [1] : vector<128x128xf32> to vector<128xf32>
    %broadcast_in_dim3A_105 = vector.shape_cast %reduce_sum3A_104 : vector<128xf32> to vector<128x1xf32>
    %dot_general3A = arith.constant dense<0.000000e+00> : vector<4x1xf32>
    %dot_general3A_106 = tpu.matmul %convert_element_type3A_63, %broadcast_in_dim3A_105, %dot_general3A {dimension_numbers = #tpu.dot_dimension_numbers<[1], [0], [0], [1], [0, 0, 1, 1], [], []>, precision = #tpu.contract_precision<fp32>, transpose_lhs_hint = false} : vector<4x128xf32>, vector<128x1xf32>, vector<4x1xf32> -> vector<4x1xf32>
    %dot_general3A_107 = arith.constant dense<0.000000e+00> : vector<128x1xf32>
    %dot_general3A_108 = tpu.matmul %convert_element_type3A_99, %dot_general3A_106, %dot_general3A_107 {dimension_numbers = #tpu.dot_dimension_numbers<[1], [0], [0], [1], [0, 0, 1, 1], [], []>, precision = #tpu.contract_precision<fp32>, transpose_lhs_hint = false} : vector<128x4xf32>, vector<4x1xf32>, vector<128x1xf32> -> vector<128x1xf32>
    %ge3A_109 = arith.constant 2.048000e+03 : f32
    %ge3A_110 = vector.broadcast %ge3A_109 : f32 to vector<128x1xf32>
    %ge3A_111 = arith.cmpf oge, %dot_general3A_108, %ge3A_110 : vector<128x1xf32>
    %broadcast_in_dim3A_112 = arith.constant -2147483648 : i32
    %broadcast_in_dim3A_113 = vector.broadcast %broadcast_in_dim3A_112 : i32 to vector<128x1xi32>
    %select_n3A_114 = arith.select %ge3A_111, %broadcast_in_dim3A_100, %broadcast_in_dim3A_113 : vector<128x1xi1>, vector<128x1xi32>
    %scan3A = arith.constant 0 : i32
    %scan3A_115 = arith.constant 15 : i32
    %scan3A_116 = arith.addi %scan3A, %scan3A_115 : i32
    %scan3A_117 = arith.constant 1 : i32
    %scan3A_118 = scf.for %scan3A_262 = %scan3A to %scan3A_116 step %scan3A_117 iter_args(%scan3A_263 = %select_n3A_114) -> (vector<128x1xi32>)  : i32 {
      %mul3A_264 = arith.constant 2 : i32
      %mul3A_265 = arith.muli %mul3A_264, %scan3A_262 : i32
      %sub3A_266 = arith.constant 29 : i32
      %sub3A_267 = arith.subi %sub3A_266, %mul3A_265 : i32
      %shift_left3A = arith.constant 1 : i32
      %shift_left3A_268 = arith.shli %shift_left3A, %sub3A_267 : i32
      %add3A_269 = vector.broadcast %shift_left3A_268 : i32 to vector<128x1xi32>
      %add3A_270 = arith.addi %scan3A_263, %add3A_269 : vector<128x1xi32>
      %add3A_271 = vector.broadcast %shift_left3A_268 : i32 to vector<128x1xi32>
      %add3A_272 = arith.addi %add3A_270, %add3A_271 : vector<128x1xi32>
      %add3A_273 = vector.broadcast %shift_left3A_268 : i32 to vector<128x1xi32>
      %add3A_274 = arith.addi %add3A_272, %add3A_273 : vector<128x1xi32>
      %ge3A_275 = vector.broadcast %add3A_270 : vector<128x1xi32> to vector<128x128xi32>
      %ge3A_276 = arith.cmpi sge, %xor3A, %ge3A_275 : vector<128x128xi32>
      %convert_element_type3A_277 = arith.extui %ge3A_276 : vector<128x128xi1> to vector<128x128xi32>
      %convert_element_type3A_278 = arith.sitofp %convert_element_type3A_277 : vector<128x128xi32> to vector<128x128xf32>
      %reduce_sum3A_279 = arith.constant dense<0.000000e+00> : vector<128xf32>
      %reduce_sum3A_280 = vector.multi_reduction <add>, %convert_element_type3A_278, %reduce_sum3A_279 [1] : vector<128x128xf32> to vector<128xf32>
      %broadcast_in_dim3A_281 = vector.shape_cast %reduce_sum3A_280 : vector<128xf32> to vector<128x1xf32>
      %dot_general3A_282 = arith.constant dense<0.000000e+00> : vector<4x1xf32>
      %dot_general3A_283 = tpu.matmul %convert_element_type3A_63, %broadcast_in_dim3A_281, %dot_general3A_282 {dimension_numbers = #tpu.dot_dimension_numbers<[1], [0], [0], [1], [0, 0, 1, 1], [], []>, precision = #tpu.contract_precision<fp32>, transpose_lhs_hint = false} : vector<4x128xf32>, vector<128x1xf32>, vector<4x1xf32> -> vector<4x1xf32>
      %dot_general3A_284 = arith.constant dense<0.000000e+00> : vector<128x1xf32>
      %dot_general3A_285 = tpu.matmul %convert_element_type3A_99, %dot_general3A_283, %dot_general3A_284 {dimension_numbers = #tpu.dot_dimension_numbers<[1], [0], [0], [1], [0, 0, 1, 1], [], []>, precision = #tpu.contract_precision<fp32>, transpose_lhs_hint = false} : vector<128x4xf32>, vector<4x1xf32>, vector<128x1xf32> -> vector<128x1xf32>
      %ge3A_286 = vector.broadcast %add3A_272 : vector<128x1xi32> to vector<128x128xi32>
      %ge3A_287 = arith.cmpi sge, %xor3A, %ge3A_286 : vector<128x128xi32>
      %convert_element_type3A_288 = arith.extui %ge3A_287 : vector<128x128xi1> to vector<128x128xi32>
      %convert_element_type3A_289 = arith.sitofp %convert_element_type3A_288 : vector<128x128xi32> to vector<128x128xf32>
      %reduce_sum3A_290 = arith.constant dense<0.000000e+00> : vector<128xf32>
      %reduce_sum3A_291 = vector.multi_reduction <add>, %convert_element_type3A_289, %reduce_sum3A_290 [1] : vector<128x128xf32> to vector<128xf32>
      %broadcast_in_dim3A_292 = vector.shape_cast %reduce_sum3A_291 : vector<128xf32> to vector<128x1xf32>
      %dot_general3A_293 = arith.constant dense<0.000000e+00> : vector<4x1xf32>
      %dot_general3A_294 = tpu.matmul %convert_element_type3A_63, %broadcast_in_dim3A_292, %dot_general3A_293 {dimension_numbers = #tpu.dot_dimension_numbers<[1], [0], [0], [1], [0, 0, 1, 1], [], []>, precision = #tpu.contract_precision<fp32>, transpose_lhs_hint = false} : vector<4x128xf32>, vector<128x1xf32>, vector<4x1xf32> -> vector<4x1xf32>
      %dot_general3A_295 = arith.constant dense<0.000000e+00> : vector<128x1xf32>
      %dot_general3A_296 = tpu.matmul %convert_element_type3A_99, %dot_general3A_294, %dot_general3A_295 {dimension_numbers = #tpu.dot_dimension_numbers<[1], [0], [0], [1], [0, 0, 1, 1], [], []>, precision = #tpu.contract_precision<fp32>, transpose_lhs_hint = false} : vector<128x4xf32>, vector<4x1xf32>, vector<128x1xf32> -> vector<128x1xf32>
      %ge3A_297 = vector.broadcast %add3A_274 : vector<128x1xi32> to vector<128x128xi32>
      %ge3A_298 = arith.cmpi sge, %xor3A, %ge3A_297 : vector<128x128xi32>
      %convert_element_type3A_299 = arith.extui %ge3A_298 : vector<128x128xi1> to vector<128x128xi32>
      %convert_element_type3A_300 = arith.sitofp %convert_element_type3A_299 : vector<128x128xi32> to vector<128x128xf32>
      %reduce_sum3A_301 = arith.constant dense<0.000000e+00> : vector<128xf32>
      %reduce_sum3A_302 = vector.multi_reduction <add>, %convert_element_type3A_300, %reduce_sum3A_301 [1] : vector<128x128xf32> to vector<128xf32>
      %broadcast_in_dim3A_303 = vector.shape_cast %reduce_sum3A_302 : vector<128xf32> to vector<128x1xf32>
      %dot_general3A_304 = arith.constant dense<0.000000e+00> : vector<4x1xf32>
      %dot_general3A_305 = tpu.matmul %convert_element_type3A_63, %broadcast_in_dim3A_303, %dot_general3A_304 {dimension_numbers = #tpu.dot_dimension_numbers<[1], [0], [0], [1], [0, 0, 1, 1], [], []>, precision = #tpu.contract_precision<fp32>, transpose_lhs_hint = false} : vector<4x128xf32>, vector<128x1xf32>, vector<4x1xf32> -> vector<4x1xf32>
      %dot_general3A_306 = arith.constant dense<0.000000e+00> : vector<128x1xf32>
      %dot_general3A_307 = tpu.matmul %convert_element_type3A_99, %dot_general3A_305, %dot_general3A_306 {dimension_numbers = #tpu.dot_dimension_numbers<[1], [0], [0], [1], [0, 0, 1, 1], [], []>, precision = #tpu.contract_precision<fp32>, transpose_lhs_hint = false} : vector<128x4xf32>, vector<4x1xf32>, vector<128x1xf32> -> vector<128x1xf32>
      %ge3A_308 = arith.constant 2.048000e+03 : f32
      %ge3A_309 = vector.broadcast %ge3A_308 : f32 to vector<128x1xf32>
      %ge3A_310 = arith.cmpf oge, %dot_general3A_307, %ge3A_309 : vector<128x1xf32>
      %ge3A_311 = arith.constant 2.048000e+03 : f32
      %ge3A_312 = vector.broadcast %ge3A_311 : f32 to vector<128x1xf32>
      %ge3A_313 = arith.cmpf oge, %dot_general3A_296, %ge3A_312 : vector<128x1xf32>
      %ge3A_314 = arith.constant 2.048000e+03 : f32
      %ge3A_315 = vector.broadcast %ge3A_314 : f32 to vector<128x1xf32>
      %ge3A_316 = arith.cmpf oge, %dot_general3A_285, %ge3A_315 : vector<128x1xf32>
      %select_n3A_317 = arith.select %ge3A_316, %add3A_270, %scan3A_263 : vector<128x1xi1>, vector<128x1xi32>
      %select_n3A_318 = arith.select %ge3A_313, %add3A_272, %select_n3A_317 : vector<128x1xi1>, vector<128x1xi32>
      %select_n3A_319 = arith.select %ge3A_310, %add3A_274, %select_n3A_318 : vector<128x1xi1>, vector<128x1xi32>
      scf.yield %select_n3A_319 : vector<128x1xi32>
    }
    %scan3A_119 = arith.constant 15 : i32
    %add3A = arith.constant 1 : i32
    %add3A_120 = vector.broadcast %add3A : i32 to vector<128x1xi32>
    %add3A_121 = arith.addi %scan3A_118, %add3A_120 : vector<128x1xi32>
    %ge3A_122 = vector.broadcast %add3A_121 : vector<128x1xi32> to vector<128x128xi32>
    %ge3A_123 = arith.cmpi sge, %xor3A, %ge3A_122 : vector<128x128xi32>
    %convert_element_type3A_124 = arith.extui %ge3A_123 : vector<128x128xi1> to vector<128x128xi32>
    %convert_element_type3A_125 = arith.sitofp %convert_element_type3A_124 : vector<128x128xi32> to vector<128x128xf32>
    %reduce_sum3A_126 = arith.constant dense<0.000000e+00> : vector<128xf32>
    %reduce_sum3A_127 = vector.multi_reduction <add>, %convert_element_type3A_125, %reduce_sum3A_126 [1] : vector<128x128xf32> to vector<128xf32>
    %broadcast_in_dim3A_128 = vector.shape_cast %reduce_sum3A_127 : vector<128xf32> to vector<128x1xf32>
    %dot_general3A_129 = arith.constant dense<0.000000e+00> : vector<4x1xf32>
    %dot_general3A_130 = tpu.matmul %convert_element_type3A_63, %broadcast_in_dim3A_128, %dot_general3A_129 {dimension_numbers = #tpu.dot_dimension_numbers<[1], [0], [0], [1], [0, 0, 1, 1], [], []>, precision = #tpu.contract_precision<fp32>, transpose_lhs_hint = false} : vector<4x128xf32>, vector<128x1xf32>, vector<4x1xf32> -> vector<4x1xf32>
    %dot_general3A_131 = arith.constant dense<0.000000e+00> : vector<128x1xf32>
    %dot_general3A_132 = tpu.matmul %convert_element_type3A_99, %dot_general3A_130, %dot_general3A_131 {dimension_numbers = #tpu.dot_dimension_numbers<[1], [0], [0], [1], [0, 0, 1, 1], [], []>, precision = #tpu.contract_precision<fp32>, transpose_lhs_hint = false} : vector<128x4xf32>, vector<4x1xf32>, vector<128x1xf32> -> vector<128x1xf32>
    %ge3A_133 = arith.constant 2.048000e+03 : f32
    %ge3A_134 = vector.broadcast %ge3A_133 : f32 to vector<128x1xf32>
    %ge3A_135 = arith.cmpf oge, %dot_general3A_132, %ge3A_134 : vector<128x1xf32>
    %select_n3A_136 = arith.select %ge3A_135, %add3A_121, %scan3A_118 : vector<128x1xi1>, vector<128x1xi32>
    %gt3A = vector.broadcast %select_n3A_136 : vector<128x1xi32> to vector<128x128xi32>
    %gt3A_137 = arith.cmpi sgt, %xor3A, %gt3A : vector<128x128xi32>
    %eq3A_138 = vector.broadcast %select_n3A_136 : vector<128x1xi32> to vector<128x128xi32>
    %eq3A_139 = arith.cmpi eq, %xor3A, %eq3A_138 : vector<128x128xi32>
    %convert_element_type3A_140 = arith.extui %gt3A_137 : vector<128x128xi1> to vector<128x128xi32>
    %convert_element_type3A_141 = arith.sitofp %convert_element_type3A_140 : vector<128x128xi32> to vector<128x128xf32>
    %reduce_sum3A_142 = arith.constant dense<0.000000e+00> : vector<128xf32>
    %reduce_sum3A_143 = vector.multi_reduction <add>, %convert_element_type3A_141, %reduce_sum3A_142 [1] : vector<128x128xf32> to vector<128xf32>
    %broadcast_in_dim3A_144 = vector.shape_cast %reduce_sum3A_143 : vector<128xf32> to vector<128x1xf32>
    %dot_general3A_145 = arith.constant dense<0.000000e+00> : vector<4x1xf32>
    %dot_general3A_146 = tpu.matmul %convert_element_type3A_63, %broadcast_in_dim3A_144, %dot_general3A_145 {dimension_numbers = #tpu.dot_dimension_numbers<[1], [0], [0], [1], [0, 0, 1, 1], [], []>, precision = #tpu.contract_precision<fp32>, transpose_lhs_hint = false} : vector<4x128xf32>, vector<128x1xf32>, vector<4x1xf32> -> vector<4x1xf32>
    %dot_general3A_147 = arith.constant dense<0.000000e+00> : vector<128x1xf32>
    %dot_general3A_148 = tpu.matmul %convert_element_type3A_99, %dot_general3A_146, %dot_general3A_147 {dimension_numbers = #tpu.dot_dimension_numbers<[1], [0], [0], [1], [0, 0, 1, 1], [], []>, precision = #tpu.contract_precision<fp32>, transpose_lhs_hint = false} : vector<128x4xf32>, vector<4x1xf32>, vector<128x1xf32> -> vector<128x1xf32>
    %sub3A_149 = arith.constant 2.048000e+03 : f32
    %sub3A_150 = vector.broadcast %sub3A_149 : f32 to vector<128x1xf32>
    %sub3A_151 = arith.subf %sub3A_150, %dot_general3A_148 : vector<128x1xf32>
    %iota3A_152 = tpu.iota {dimensions = array<i32: 0>} : vector<128x128xi32>
    %iota3A_153 = tpu.iota {dimensions = array<i32: 1>} : vector<128x128xi32>
    %le3A = arith.cmpi sle, %iota3A_152, %iota3A_153 : vector<128x128xi32>
    %convert_element_type3A_154 = arith.extui %le3A : vector<128x128xi1> to vector<128x128xi32>
    %convert_element_type3A_155 = arith.sitofp %convert_element_type3A_154 : vector<128x128xi32> to vector<128x128xf32>
    %iota3A_156 = tpu.iota {dimensions = array<i32: 0>} : vector<128x128xi32>
    %iota3A_157 = tpu.iota {dimensions = array<i32: 1>} : vector<128x128xi32>
    %lt3A = arith.cmpi slt, %iota3A_157, %iota3A_156 : vector<128x128xi32>
    %jit3A_158 = arith.constant 32 : i32
    %div3A_159 = vector.broadcast %jit3A_158 : i32 to vector<128x128xi32>
    %div3A_160 = arith.divsi %iota3A_157, %div3A_159 : vector<128x128xi32>
    %sign3A_161 = arith.constant 0 : i32
    %sign3A_162 = vector.broadcast %sign3A_161 : i32 to vector<128x128xi32>
    %sign3A_163 = arith.cmpi sgt, %iota3A_157, %sign3A_162 : vector<128x128xi32>
    %sign3A_164 = arith.extui %sign3A_163 : vector<128x128xi1> to vector<128x128xi32>
    %sign3A_165 = arith.constant 0 : i32
    %sign3A_166 = vector.broadcast %sign3A_165 : i32 to vector<128x128xi32>
    %sign3A_167 = arith.cmpi slt, %iota3A_157, %sign3A_166 : vector<128x128xi32>
    %sign3A_168 = arith.extui %sign3A_167 : vector<128x128xi1> to vector<128x128xi32>
    %sign3A_169 = arith.subi %sign3A_164, %sign3A_168 : vector<128x128xi32>
    %sign3A_170 = arith.constant 0 : i32
    %sign3A_171 = arith.cmpi sgt, %jit3A_158, %sign3A_170 : i32
    %sign3A_172 = arith.extui %sign3A_171 : i1 to i32
    %sign3A_173 = arith.constant 0 : i32
    %sign3A_174 = arith.cmpi slt, %jit3A_158, %sign3A_173 : i32
    %sign3A_175 = arith.extui %sign3A_174 : i1 to i32
    %sign3A_176 = arith.subi %sign3A_172, %sign3A_175 : i32
    %ne3A_177 = vector.broadcast %sign3A_176 : i32 to vector<128x128xi32>
    %ne3A_178 = arith.cmpi ne, %sign3A_169, %ne3A_177 : vector<128x128xi32>
    %rem3A_179 = vector.broadcast %jit3A_158 : i32 to vector<128x128xi32>
    %rem3A_180 = arith.remsi %iota3A_157, %rem3A_179 : vector<128x128xi32>
    %ne3A_181 = arith.constant 0 : i32
    %ne3A_182 = vector.broadcast %ne3A_181 : i32 to vector<128x128xi32>
    %ne3A_183 = arith.cmpi ne, %rem3A_180, %ne3A_182 : vector<128x128xi32>
    %and3A_184 = arith.andi %ne3A_178, %ne3A_183 : vector<128x128xi1>
    %sub3A_185 = arith.constant 1 : i32
    %sub3A_186 = vector.broadcast %sub3A_185 : i32 to vector<128x128xi32>
    %sub3A_187 = arith.subi %div3A_160, %sub3A_186 : vector<128x128xi32>
    %select_n3A_188 = arith.select %and3A_184, %sub3A_187, %div3A_160 : vector<128x128xi1>, vector<128x128xi32>
    %jit3A_189 = arith.constant 32 : i32
    %div3A_190 = vector.broadcast %jit3A_189 : i32 to vector<128x128xi32>
    %div3A_191 = arith.divsi %iota3A_156, %div3A_190 : vector<128x128xi32>
    %sign3A_192 = arith.constant 0 : i32
    %sign3A_193 = vector.broadcast %sign3A_192 : i32 to vector<128x128xi32>
    %sign3A_194 = arith.cmpi sgt, %iota3A_156, %sign3A_193 : vector<128x128xi32>
    %sign3A_195 = arith.extui %sign3A_194 : vector<128x128xi1> to vector<128x128xi32>
    %sign3A_196 = arith.constant 0 : i32
    %sign3A_197 = vector.broadcast %sign3A_196 : i32 to vector<128x128xi32>
    %sign3A_198 = arith.cmpi slt, %iota3A_156, %sign3A_197 : vector<128x128xi32>
    %sign3A_199 = arith.extui %sign3A_198 : vector<128x128xi1> to vector<128x128xi32>
    %sign3A_200 = arith.subi %sign3A_195, %sign3A_199 : vector<128x128xi32>
    %sign3A_201 = arith.constant 0 : i32
    %sign3A_202 = arith.cmpi sgt, %jit3A_189, %sign3A_201 : i32
    %sign3A_203 = arith.extui %sign3A_202 : i1 to i32
    %sign3A_204 = arith.constant 0 : i32
    %sign3A_205 = arith.cmpi slt, %jit3A_189, %sign3A_204 : i32
    %sign3A_206 = arith.extui %sign3A_205 : i1 to i32
    %sign3A_207 = arith.subi %sign3A_203, %sign3A_206 : i32
    %ne3A_208 = vector.broadcast %sign3A_207 : i32 to vector<128x128xi32>
    %ne3A_209 = arith.cmpi ne, %sign3A_200, %ne3A_208 : vector<128x128xi32>
    %rem3A_210 = vector.broadcast %jit3A_189 : i32 to vector<128x128xi32>
    %rem3A_211 = arith.remsi %iota3A_156, %rem3A_210 : vector<128x128xi32>
    %ne3A_212 = arith.constant 0 : i32
    %ne3A_213 = vector.broadcast %ne3A_212 : i32 to vector<128x128xi32>
    %ne3A_214 = arith.cmpi ne, %rem3A_211, %ne3A_213 : vector<128x128xi32>
    %and3A_215 = arith.andi %ne3A_209, %ne3A_214 : vector<128x128xi1>
    %sub3A_216 = arith.constant 1 : i32
    %sub3A_217 = vector.broadcast %sub3A_216 : i32 to vector<128x128xi32>
    %sub3A_218 = arith.subi %div3A_191, %sub3A_217 : vector<128x128xi32>
    %select_n3A_219 = arith.select %and3A_215, %sub3A_218, %div3A_191 : vector<128x128xi1>, vector<128x128xi32>
    %eq3A_220 = arith.cmpi eq, %select_n3A_188, %select_n3A_219 : vector<128x128xi32>
    %and3A_221 = arith.andi %lt3A, %eq3A_220 : vector<128x128xi1>
    %convert_element_type3A_222 = arith.extui %and3A_221 : vector<128x128xi1> to vector<128x128xi32>
    %convert_element_type3A_223 = arith.sitofp %convert_element_type3A_222 : vector<128x128xi32> to vector<128x128xf32>
    %convert_element_type3A_224 = arith.extui %eq3A_139 : vector<128x128xi1> to vector<128x128xi32>
    %convert_element_type3A_225 = arith.sitofp %convert_element_type3A_224 : vector<128x128xi32> to vector<128x128xf32>
    %dot_general3A_226 = arith.constant dense<0.000000e+00> : vector<128x128xf32>
    %dot_general3A_227 = tpu.matmul %convert_element_type3A_225, %convert_element_type3A_155, %dot_general3A_226 {dimension_numbers = #tpu.dot_dimension_numbers<[1], [0], [0], [1], [0, 0, 1, 1], [], []>, precision = #tpu.contract_precision<fp32>, transpose_lhs_hint = false} : vector<128x128xf32>, vector<128x128xf32>, vector<128x128xf32> -> vector<128x128xf32>
    %reduce_sum3A_228 = arith.constant dense<0.000000e+00> : vector<128xf32>
    %reduce_sum3A_229 = vector.multi_reduction <add>, %convert_element_type3A_225, %reduce_sum3A_228 [1] : vector<128x128xf32> to vector<128xf32>
    %broadcast_in_dim3A_230 = vector.shape_cast %reduce_sum3A_229 : vector<128xf32> to vector<128x1xf32>
    %dot_general3A_231 = arith.constant dense<0.000000e+00> : vector<128x1xf32>
    %dot_general3A_232 = tpu.matmul %convert_element_type3A_223, %broadcast_in_dim3A_230, %dot_general3A_231 {dimension_numbers = #tpu.dot_dimension_numbers<[1], [0], [0], [1], [0, 0, 1, 1], [], []>, precision = #tpu.contract_precision<fp32>, transpose_lhs_hint = false} : vector<128x128xf32>, vector<128x1xf32>, vector<128x1xf32> -> vector<128x1xf32>
    %add3A_233 = vector.broadcast %dot_general3A_232 : vector<128x1xf32> to vector<128x128xf32>
    %add3A_234 = arith.addf %dot_general3A_227, %add3A_233 : vector<128x128xf32>
    %le3A_235 = vector.broadcast %sub3A_151 : vector<128x1xf32> to vector<128x128xf32>
    %le3A_236 = arith.cmpf ole, %add3A_234, %le3A_235 : vector<128x128xf32>
    %and3A_237 = arith.andi %eq3A_139, %le3A_236 : vector<128x128xi1>
    %or3A = arith.ori %gt3A_137, %and3A_237 : vector<128x128xi1>
    %convert_element_type3A_238 = arith.extui %or3A : vector<128x128xi1> to vector<128x128xi32>
    %convert_element_type3A_239 = arith.sitofp %convert_element_type3A_238 : vector<128x128xi32> to vector<128x128xf32>
    %dot_general3A_240 = arith.constant dense<0.000000e+00> : vector<128x128xf32>
    %dot_general3A_241 = tpu.matmul %convert_element_type3A_239, %convert_element_type3A_155, %dot_general3A_240 {dimension_numbers = #tpu.dot_dimension_numbers<[1], [0], [0], [1], [0, 0, 1, 1], [], []>, precision = #tpu.contract_precision<fp32>, transpose_lhs_hint = false} : vector<128x128xf32>, vector<128x128xf32>, vector<128x128xf32> -> vector<128x128xf32>
    %reduce_sum3A_242 = arith.constant dense<0.000000e+00> : vector<128xf32>
    %reduce_sum3A_243 = vector.multi_reduction <add>, %convert_element_type3A_239, %reduce_sum3A_242 [1] : vector<128x128xf32> to vector<128xf32>
    %broadcast_in_dim3A_244 = vector.shape_cast %reduce_sum3A_243 : vector<128xf32> to vector<128x1xf32>
    %dot_general3A_245 = arith.constant dense<0.000000e+00> : vector<128x1xf32>
    %dot_general3A_246 = tpu.matmul %convert_element_type3A_223, %broadcast_in_dim3A_244, %dot_general3A_245 {dimension_numbers = #tpu.dot_dimension_numbers<[1], [0], [0], [1], [0, 0, 1, 1], [], []>, precision = #tpu.contract_precision<fp32>, transpose_lhs_hint = false} : vector<128x128xf32>, vector<128x1xf32>, vector<128x1xf32> -> vector<128x1xf32>
    %add3A_247 = vector.broadcast %dot_general3A_246 : vector<128x1xf32> to vector<128x128xf32>
    %add3A_248 = arith.addf %dot_general3A_241, %add3A_247 : vector<128x128xf32>
    %mul3A = arith.constant 2048 : i32
    %mul3A_249 = vector.broadcast %mul3A : i32 to vector<128x1xi32>
    %mul3A_250 = arith.muli %select_n3A, %mul3A_249 : vector<128x1xi32>
    %convert_element_type3A_251 = arith.fptosi %add3A_248 : vector<128x128xf32> to vector<128x128xi32>
    %add3A_252 = vector.broadcast %mul3A_250 : vector<128x1xi32> to vector<128x128xi32>
    %add3A_253 = arith.addi %add3A_252, %convert_element_type3A_251 : vector<128x128xi32>
    %sub3A_254 = arith.constant 1 : i32
    %sub3A_255 = vector.broadcast %sub3A_254 : i32 to vector<128x128xi32>
    %sub3A_256 = arith.subi %add3A_253, %sub3A_255 : vector<128x128xi32>
    %broadcast_in_dim3A_257 = arith.constant -1 : i32
    %broadcast_in_dim3A_258 = vector.broadcast %broadcast_in_dim3A_257 : i32 to vector<128x128xi32>
    %select_n3A_259 = arith.select %or3A, %sub3A_256, %broadcast_in_dim3A_258 : vector<128x128xi1>, vector<128x128xi32>
    %swap3A = arith.constant 0 : index
    %swap3A_260 = arith.constant 0 : index
    %swap3A_261 = vector.load %arg1[%swap3A, %swap3A_260] : memref<128x128xi32, #tpu.memory_space<vmem>>, vector<128x128xi32>
    tpu.vector_store %arg1[%swap3A, %swap3A_260], %select_n3A_259 {strides = array<i32>} : memref<128x128xi32, #tpu.memory_space<vmem>>, vector<128x128xi32>,
    return
  }
}

</mosaic_0001>

<sc_bundles>
// kernel: kernel.6.cloned.1.call-start
scs
__scs_entry_jumppad:
0x0: {  	(pc) =	sbr.rel $0x88, $3  }
0x1: {  	(tag) =	ssettag $0x0;
	lr =	simm.s32 $0x1  }
0x2: {  	[smem:$0x3F9E] =	sst lr;
	_ =	strace $0xD0000000  }
0x3: {  	_ = 	snop  }
0x4: {  	_ = 	snop  }
0x5: {  	_ = 	snop  }
0x6: {  	_ = 	snop  }
0x7: {  	_ = 	snop  }
__scs_overlays_trampoline_lowered:
0x8: {  	[smem:$0x3FAD] =	sst s0  }
0x9: {  	[smem:$0x3FAE] =	sst s1  }
0xa: {  	[smem:$0x3FAF] =	sst s2  }
0xb: {  	[smem:$0x3FB0] =	sst s3  }
0xc: {  	[smem:$0x3FB1] =	sst s4  }
0xd: {  	[smem:$0x3FB2] =	sst s5  }
0xe: {  	[smem:$0x3FB3] =	sst s6  }
0xf: {  	[smem:$0x3FB4] =	sst s7  }
0x10: {  	[smem:$0x3FB5] =	sst s8  }
0x11: {  	[smem:$0x3FB6] =	sst s9;
	s0 =	simm.s32 @!p0 $0x0  }
0x12: {  	s1 =	sld [smem:$0x3F9C];
	s0 =	simm.s32 @p0 $0x1  }
0x13: {  	[smem:$0x3FB7] =	sst s0;
	s0 =	simm.s32 @!p1 $0x0  }
0x14: {  	s2 =	sld [smem:$0x3F9B];
	s0 =	simm.s32 @p1 $0x1  }
0x15: {  	[smem:$0x3FB8] =	sst s0;
	s0 =	simm.s32 @!p2 $0x0  }
0x16: {  	s3 =	sld [smem:$0x3FDB];
	s0 =	simm.s32 @p2 $0x1  }
0x17: {  	s4 =	simm.s32 $0x1BF5;
	[smem:$0x3FBA] =	sst s0  }
0x18: {  	s0 =	sld [smem:$0x3F9D];
	_ =	swait.ge [sflag:s4], $0x0  }
0x19: {  	s7 =	sld [smem:$0x3F9E]  }
0x1a: {  	s8 =	sadd.s32 $0xFFFFE003, lr  }
0x1b: {  	s9 =	sadd.s32 $0xFFFFFEF7, lr;
	s5 =	simm.s32 $0xFFFFFFFF;
	p2 =	slt.u32 s8, $0xFFFFF086  }
0x1c: {  	p1 =	slt.u32 s9, $0xF7A;
	s5 =	simm.s32 @!p2 $0x0  }
0x1d: {  	s5 =	simm.s32 @p1 $0x1;
	p0 =	seq.s32 s7, s2  }
0x1e: {  	s7 =	smul.u32 @!p0 $0xF7A, s2;
	p2 =	seq.s32 @!p0 s5, $0x0  }
0x1f: {  	s9 =	smul.u32 $0xF7A, s1;
	s8 =	simm.s32 @!p0 $0x1BF5;
	p2 =	por !p2, p0  }
0x20: {  	[sflag:s8] =	ssyncset.s32 @!p0 $0xFFFFF086;
	s6 =	sadd.s32 @!p0 s3, s7;
	s7 =	simm.s32 @!p0 $0x108  }
0x21: {  	s3 =	sadd.s32 s3, s9;
	s6 =	sadd.s32 @!p0 $0x88, s6;
	s7 =	simm.s32 @p2 $0x1082  }
0x22: {  	[simem:s7], [sflag:s8] =	dma.local @!p0 [hbm:s6], $0xF7A  }
0x23: {  	s9 =	sor.u32 $0xD0000000, s2;
	s6 =	simm.s32 $0x108;
	_ =	swait.ge @!p0 [sflag:s8], $0x0  }
0x24: {  	s3 =	sadd.s32 $0x88, s3;
	s6 =	simm.s32 @!p1 $0x1082;
	[sflag:s4] =	ssyncset.s32 $0xFFFFF086  }
0x25: {  	[simem:s6], [sflag:s4] =	dma.local [hbm:s3], $0xF7A  }
0x26: {  	[smem:$0x3F9E] =	sst s1;
	(tag) =	ssettag s2;
	_ =	strace s9  }
0x27: {  	s1 =	sld [smem:$0x3FAE]  }
0x28: {  	s2 =	sld [smem:$0x3FAF]  }
0x29: {  	s4 =	sld [smem:$0x3FB1]  }
0x2a: {  	p0 =	seq.s32 s5, $0x0;
	s5 =	sld [smem:$0x3FB2]  }
0x2b: {  	s6 =	sld [smem:$0x3FB3]  }
0x2c: {  	s7 =	sld [smem:$0x3FB4]  }
0x2d: {  	s3 =	simm.s32 $0x108;
	s8 =	sld [smem:$0x3FB5]  }
0x2e: {  	s3 =	simm.s32 @!p0 $0x1082;
	s9 =	sld [smem:$0x3FB6]  }
0x2f: {  	lr =	sadd.s32 s0, s3;
	s0 =	sld [smem:$0x3FAD]  }
0x30: {  	s3 =	sld [smem:$0x3FB0]  }
0x31: {  	[smem:$0x3FB9] =	sst s10  }
0x32: {  	s10 =	sld [smem:$0x3FB7];
	_ =	sdelay $0x3  }
0x33: {  	p0 =	seq.s32 s10, $0x1;
	s10 =	sld [smem:$0x3FB9];
	_ =	sdelay $0x3  }
0x34: {  	[smem:$0x3FB9] =	sst s10  }
0x35: {  	s10 =	sld [smem:$0x3FB8];
	_ =	sdelay $0x3  }
0x36: {  	p1 =	seq.s32 s10, $0x1;
	s10 =	sld [smem:$0x3FB9];
	_ =	sdelay $0x3  }
0x37: {  	[smem:$0x3FB9] =	sst s10  }
0x38: {  	s10 =	sld [smem:$0x3FBA]  }
0x39: {  	_ = 	snop;
	(pc) =	sbr.ind lr, $3  }
0x3a: {  	_ = 	snop  }
0x3b: {  	_ = 	snop  }
0x3c: {  	p2 =	seq.s32 s10, $0x1;
	s10 =	sld [smem:$0x3FB9]  }
0x3d: {  	_ =	shalt  }
0x3e: {  	_ =	shalt  }
0x3f: {  	_ =	shalt  }
0x40: {  	_ =	shalt  }
0x41: {  	_ =	shalt  }
0x42: {  	_ =	shalt  }
0x43: {  	_ =	shalt  }
0x44: {  	_ =	shalt  }
0x45: {  	_ =	shalt  }
0x46: {  	_ =	shalt  }
0x47: {  	_ =	shalt  }
0x48: {  	_ =	shalt  }
0x49: {  	_ =	shalt  }
0x4a: {  	_ =	shalt  }
0x4b: {  	_ =	shalt  }
0x4c: {  	_ =	shalt  }
0x4d: {  	_ =	shalt  }
0x4e: {  	_ =	shalt  }
0x4f: {  	_ =	shalt  }
0x50: {  	_ =	shalt  }
0x51: {  	_ =	shalt  }
0x52: {  	_ =	shalt  }
0x53: {  	_ =	shalt  }
0x54: {  	_ =	shalt  }
0x55: {  	_ =	shalt  }
0x56: {  	_ =	shalt  }
0x57: {  	_ =	shalt  }
0x58: {  	_ =	shalt  }
0x59: {  	_ =	shalt  }
0x5a: {  	_ =	shalt  }
0x5b: {  	_ =	shalt  }
0x5c: {  	_ =	shalt  }
0x5d: {  	_ =	shalt  }
0x5e: {  	_ =	shalt  }
0x5f: {  	_ =	shalt  }
0x60: {  	_ =	shalt  }
0x61: {  	_ =	shalt  }
0x62: {  	_ =	shalt  }
0x63: {  	_ =	shalt  }
0x64: {  	_ =	shalt  }
0x65: {  	_ =	shalt  }
0x66: {  	_ =	shalt  }
0x67: {  	_ =	shalt  }
0x68: {  	_ =	shalt  }
0x69: {  	_ =	shalt  }
0x6a: {  	_ =	shalt  }
0x6b: {  	_ =	shalt  }
0x6c: {  	_ =	shalt  }
0x6d: {  	_ =	shalt  }
0x6e: {  	_ =	shalt  }
0x6f: {  	_ =	shalt  }
0x70: {  	_ =	shalt  }
0x71: {  	_ =	shalt  }
0x72: {  	_ =	shalt  }
0x73: {  	_ =	shalt  }
0x74: {  	_ =	shalt  }
0x75: {  	_ =	shalt  }
0x76: {  	_ =	shalt  }
0x77: {  	_ =	shalt  }
0x78: {  	_ =	shalt  }
0x79: {  	_ =	shalt  }
0x7a: {  	_ =	shalt  }
0x7b: {  	_ =	shalt  }
0x7c: {  	_ =	shalt  }
0x7d: {  	_ =	shalt  }
0x7e: {  	_ =	shalt  }
0x7f: {  	_ =	shalt  }
0x80: {  	_ =	shalt  }
0x81: {  	_ =	shalt  }
0x82: {  	_ =	shalt  }
0x83: {  	_ =	shalt  }
0x84: {  	_ =	shalt  }
0x85: {  	_ =	shalt  }
0x86: {  	_ =	shalt  }
0x87: {  	_ =	shalt  }
.Lfunc_end0:
.L_simem_size_0:
called_computation_lowered:
.L_overlay_start_0:
0x88: {  	s2 =	sld [smem:$0x3FD9]  }
0x89: {  	s3 =	sld [smem:$0x3FFE];
	_ =	sdelay $0x1  }
0x8a: {  	s1 =	srdreg.scid  }
0x8b: {  	s0 =	sand.u32 $0x1, s1  }
0x8c: {  	s15 =	sshll.u32 s0, $0xA;
	s2 =	sadd.s32 s3, s2  }
0x8d: {  	s2 =	sadd.s32 s2, s15  }
0x8e: {  	[smem:$0x3FC5] =	sst s2  }
0x8f: {  	_ = 	snop  }
0x90: {  	s2 =	sld [smem:$0x3FD0];
	_ =	sdelay $0x2  }
0x91: {  	s16 =	simm.s32 $0xA;
	s4 =	simm.s32 $0x10  }
0x92: {  	[smem:s4], [sflag:s16] =	dma.local [hbm:s2], $0x1  }
0x93: {  	_ =	swait.eq [sflag:s16], $0x1  }
0x94: {  	[sflag:s16] =	ssyncset.done $0x0  }
0x95: {  	s17 =	sld [smem:$0x11];
	[sflag:s16] =	ssyncadd.s32 $0xFFFFFFFF  }
0x96: {  	s18 =	sld [smem:$0x12];
	(tm) =	ssettm $0x1  }
0x97: {  	s19 =	sld [smem:$0x3FFB];
	_ =	sdelay $0x3  }
0x98: {  	_ =	strace s19  }
0x99: {  	s4 =	sld [smem:$0x3FFC];
	_ =	sdelay $0x3  }
0x9a: {  	_ =	strace s4  }
0x9b: {  	s4 =	sld [smem:$0x3FFD];
	_ =	sdelay $0x3  }
0x9c: {  	_ =	strace s4  }
0x9d: {  	_ =	strace $0x8FFFFFFF  }
0x9e: {  	s20 =	sld [smem:$0x3FDB];
	_ =	sdelay $0x1  }
0x9f: {  	s5 =	simm.s32 $_scs_section_size  }
0xa0: {  	s6 =	simm.s32 $_size__tile_overlayer_lowered;
	s7 =	simm.s32 $_tile_overlayer_lowered  }
0xa1: {  	s23 =	simm.s32 $0x1BFF;
	s22 =	sshll.u32 s7, $0x1;
	s4 =	sadd.s32 s5, s20  }
0xa2: {  	s8 =	simm.s32 $0x0;
	s21 =	sshll.u32 s6, $0x1;
	s6 =	sadd.s32 s22, s4  }
0xa3: {  	[timem:s8], [sflag:s23] =	dma.local [hbm:s6], s21  }
0xa4: {  	_ =	swait.ge [sflag:s23], s21  }
0xa5: {  	s5 =	ssub.s32 $0x0, s21;
	[sflag:s23] =	ssyncset.done $0x0  }
0xa6: {  	[sflag:s23] =	ssyncadd.s32 s5;
	_ =	sdelay $0x1  }
0xa7: {  	s24 =	simm.s32 $0x1B8B  }
0xa8: {  	_ =	swait.ge [sflag:s24], $0x1  }
0xa9: {  	[sflag:s24] =	ssyncset.done $0x0  }
0xaa: {  	s25 =	simm.s32 $0x1B8E;
	[sflag:s24] =	ssyncadd.s32 $0xFFFFFFFF  }
0xab: {  	s26 =	simm.s32 $execute0_lowered;
	[smem:$0x3FD2] =	sst s25  }
0xac: {  	s5 =	sshll.u32 s26, $0x1;
	_ =	strace $0x80000046;
	[dreg:$0x1] =	wrdreg $0xFFFFFFFF  }
0xad: {  	s28 =	simm.s32 $_size_execute0_lowered;
	s4 =	sadd.s32 s4, s5;
	[dreg:$0x0] =	wrdreg $0x0  }
0xae: {  	s5 =	sshll.u32 s28, $0x1;
	[dreg:$0x2] =	wrdreg s4  }
0xaf: {  	[dreg:$0x3] =	wrdreg s5  }
0xb0: {  	[dreg:$0x4] =	wrdreg $0xC0  }
0xb1: {  	_ =	task [dreg:s8], $0x5FFFF  }
0xb2: {  	[dreg:$0x1] =	wrdreg $0xFFFFFFFF  }
0xb3: {  	[dreg:$0x0] =	wrdreg $0x60  }
0xb4: {  	[dreg:$0x2] =	wrdreg s18  }
0xb5: {  	[dreg:$0x3] =	wrdreg s17  }
0xb6: {  	[dreg:$0x4] =	wrdreg $0x9  }
0xb7: {  	_ =	task.clear_ibuf [dreg:s8], $0x5FFFF;
	_ =	strace $0x90000046  }
0xb8: {  	s29 =	simm.s32 $0x9;
	_ =	strace $0x80000048  }
0xb9: {  	_ =	swait.ge [sflag:s29], $0x1  }
0xba: {  	[sflag:s29] =	ssyncadd.s32 $0xFFFFFFFF  }
0xbb: {  	_ =	strace $0x90000048  }
0xbc: {  	_ =	sfence  }
0xbd: {  	s30 =	sld [smem:$0x0];
	_ =	sdelay $0x2  }
0xbe: {  	s31 =	sshll.u32 s1, $0xD;
	s1 =	sshrl.u32 s1, $0x2  }
0xbf: {  	s3 =	sand.u32 $0x4000, s31;
	s1 =	sadd.s32 s1, s30  }
0xc0: {  	s0 =	sor.u32 s3, s0;
	s1 =	sshll.u32 s1, $0x11  }
0xc1: {  	s0 =	sor.u32 s1, s0  }
0xc2: {  	s0 =	sadd.s32 $0x8F2B, s0  }
0xc3: {  	[sflag:s0] =	ssyncadd.remote.s32 $0x1  }
0xc4: {  	_ =	sfence.sel $0xFFFF  }
0xc5: {  	[dreg:$0x0] =	wrdreg $0xFFFFFFFF;
	(pc) =	sbr.abs _section_cstart, $3  }
0xc6: {  	[dreg:$0x1] =	wrdreg $0xFFFFFFFF  }
0xc7: {  	_ =	task.clear_ibuf [dreg:s8], $0x2FFFF;
	_ =	strace $0x9FFFFFFF  }
0xc8: {  	(tm) =	ssettm $0x7FFFFFFF  }
0xc9: {  	_ =	shalt  }
tec
execute0_lowered:
.L_overlay_start_1:
0x0: {  	(tag) =	ssettag $0x1  }
0x1: {  	s1 =	srdreg.scid;
	s5 =	rddreg [dreg:$0x0]  }
0x2: {  	s0 =	stileid.u32;
	s2 =	rddreg [dreg:$0x1];
	s11 =	sand.u32 $0x1, s1  }
0x3: {  	s3 =	simm.s32 $0x0;
	s4 =	sshll.u32 s0, $0xA;
	s6 =	sshll.u32 s11, $0x9  }
0x4: {  	[smem:$0x7FF] =	sst s3;
	s12 =	sor.u32 s6, s4  }
0x5: {  	s1 =	rddreg [dreg:$0x2];
	_ =	strace $0x80000047;
	s4 =	sshrl.u32 s12, $0x3  }
0x6: {  	s13 =	sor.u32 $0x80, s12;
	s14 =	sor.u32 $0x100, s12;
	s15 =	sor.u32 $0x180, s12  }
0x7: {  	s7 =	sadd.s32 s5, s4;
	s16 =	sshrl.u32 s13, $0x3;
	s17 =	sshrl.u32 s14, $0x3  }
0x8: {  	[tilespmem:s3], [sflag:$0x1] =	stream.linear.gather [hbm4b:s7+s3], $0x80, $0x38;
	[tilespmem:$0x400] =	vst v63  }
0x9: {  	s10 =	sshrl.u32 s15, $0x3;
	s4 =	simm.s32 $0x80;
	s8 =	sadd.s32 s5, s16  }
0xa: {  	[tilespmem:s4], [sflag:$0x1] =	stream.linear.gather [hbm4b:s8+s3], $0x80, $0x38;
	[tilespmem:$0x400] =	vst v63  }
0xb: {  	s9 =	sadd.s32 s5, s17;
	s10 =	sadd.s32 s5, s10;
	s5 =	simm.s32 $0x100  }
0xc: {  	[tilespmem:s5], [sflag:$0x1] =	stream.linear.gather [hbm4b:s9+s3], $0x80, $0x38;
	[tilespmem:$0x400] =	vst v63  }
0xd: {  	v31 =	vlaneseq.u32;
	s6 =	simm.s32 $0x180;
	s16 =	sor.u32 $0x1E0, s12;
	s17 =	sor.u32 $0x1F0, s12  }
0xe: {  	v0 =	vor.u32 s17, v31;
	[tilespmem:s6], [sflag:$0x1] =	stream.linear.gather [hbm4b:s10+s3], $0x80, $0x38;
	[tilespmem:$0x400] =	vst v63  }
0xf: {  	s18 =	sor.u32 $0x1D0, s12;
	v1 =	vor.u32 s16, v31;
	[tilespmem:$0x3F0] =	vst v0  }
0x10: {  	s19 =	sor.u32 $0x1C0, s12;
	v2 =	vor.u32 s18, v31;
	[tilespmem:$0x3E0] =	vst v1  }
0x11: {  	s20 =	sor.u32 $0x1B0, s12;
	v3 =	vor.u32 s19, v31;
	[tilespmem:$0x3D0] =	vst v2  }
0x12: {  	s21 =	sor.u32 $0x1A0, s12;
	v4 =	vor.u32 s20, v31;
	[tilespmem:$0x3C0] =	vst v3  }
0x13: {  	s22 =	sor.u32 $0x190, s12;
	v5 =	vor.u32 s21, v31;
	[tilespmem:$0x3B0] =	vst v4  }
0x14: {  	v6 =	vor.u32 s22, v31;
	[tilespmem:$0x3A0] =	vst v5  }
0x15: {  	s23 =	sor.u32 $0x170, s12;
	v7 =	vor.u32 s15, v31;
	[tilespmem:$0x390] =	vst v6  }
0x16: {  	s24 =	sor.u32 $0x160, s12;
	v8 =	vor.u32 s23, v31;
	[tilespmem:$0x380] =	vst v7  }
0x17: {  	s25 =	sor.u32 $0x150, s12;
	v9 =	vor.u32 s24, v31;
	[tilespmem:$0x370] =	vst v8  }
0x18: {  	s26 =	sor.u32 $0x140, s12;
	v10 =	vor.u32 s25, v31;
	[tilespmem:$0x360] =	vst v9  }
0x19: {  	s28 =	sor.u32 $0x130, s12;
	v11 =	vor.u32 s26, v31;
	[tilespmem:$0x350] =	vst v10  }
0x1a: {  	s29 =	sor.u32 $0x120, s12;
	v12 =	vor.u32 s28, v31;
	[tilespmem:$0x340] =	vst v11  }
0x1b: {  	s30 =	sor.u32 $0x110, s12;
	v13 =	vor.u32 s29, v31;
	[tilespmem:$0x330] =	vst v12  }
0x1c: {  	v14 =	vor.u32 s30, v31;
	[tilespmem:$0x320] =	vst v13  }
0x1d: {  	s31 =	sor.u32 $0xF0, s12;
	v15 =	vor.u32 s14, v31;
	[tilespmem:$0x310] =	vst v14  }
0x1e: {  	v16 =	vor.u32 s31, v31;
	s16 =	sor.u32 $0xE0, s12;
	[tilespmem:$0x300] =	vst v15  }
0x1f: {  	s17 =	sor.u32 $0xD0, s12;
	v17 =	vor.u32 s16, v31;
	[tilespmem:$0x2F0] =	vst v16  }
0x20: {  	s18 =	sor.u32 $0xC0, s12;
	v18 =	vor.u32 s17, v31;
	[tilespmem:$0x2E0] =	vst v17  }
0x21: {  	s19 =	sor.u32 $0xB0, s12;
	v19 =	vor.u32 s18, v31;
	[tilespmem:$0x2D0] =	vst v18  }
0x22: {  	s20 =	sor.u32 $0xA0, s12;
	v20 =	vor.u32 s19, v31;
	[tilespmem:$0x2C0] =	vst v19  }
0x23: {  	s21 =	sor.u32 $0x90, s12;
	v21 =	vor.u32 s20, v31;
	[tilespmem:$0x2B0] =	vst v20  }
0x24: {  	v22 =	vor.u32 s21, v31;
	[tilespmem:$0x2A0] =	vst v21  }
0x25: {  	s22 =	sor.u32 $0x70, s12;
	v23 =	vor.u32 s13, v31;
	[tilespmem:$0x290] =	vst v22  }
0x26: {  	s23 =	sor.u32 $0x60, s12;
	v24 =	vor.u32 s22, v31;
	[tilespmem:$0x280] =	vst v23  }
0x27: {  	s24 =	sor.u32 $0x50, s12;
	v25 =	vor.u32 s23, v31;
	[tilespmem:$0x270] =	vst v24  }
0x28: {  	s25 =	sor.u32 $0x40, s12;
	v26 =	vor.u32 s24, v31;
	[tilespmem:$0x260] =	vst v25  }
0x29: {  	s11 =	ssub.s32 $0x2, s11;
	s26 =	sor.u32 $0x30, s12;
	v27 =	vor.u32 s25, v31;
	[tilespmem:$0x250] =	vst v26  }
0x2a: {  	s28 =	sor.u32 $0x20, s12;
	s29 =	sshrl.u32 s11, $0x1;
	v28 =	vor.u32 s26, v31;
	[tilespmem:$0x240] =	vst v27  }
0x2b: {  	v29 =	vor.u32 s28, v31;
	s30 =	ssub.s32 s11, s29;
	[tilespmem:$0x230] =	vst v28  }
0x2c: {  	v30 =	vor.u32 s12, v31;
	s12 =	sor.u32 $0x10, s12;
	s31 =	smax.u32 s30, $0x1;
	[tilespmem:$0x220] =	vst v29  }
0x2d: {  	v31 =	vor.u32 s12, v31;
	p0 =	sne.s32 s31, $0x1;
	[tilespmem:$0x200] =	vst v30  }
.Ltmp0:
0x2e: {  	s11 =	simm.s32 $0x1;
	[tilespmem:$0x210] =	vst v31;
	(pc) =	sbr.rel @!p0 .LBB2_2-.Ltmp0, $4  }
0x2f: {  	_ =	swait.ge [sflag:s11], $0x80  }
0x30: {  	s15 =	simm.s32 $0x200;
	[sflag:s11] =	ssyncset.done $0x0  }
0x31: {  	s14 =	simm.s32 $0x280;
	s13 =	simm.s32 $0x380;
	[sflag:s11] =	ssyncadd.s32 $0xFFFFFF80  }
0x32: {  	s12 =	simm.s32 $0x300;
	s16 =	sadd.s32 $0xFFFFFFFF, s31;
	_ =	swait.ge [sflag:s11], $0x80  }
.LBB2_1:
0x33: {  	p0 =	sne.s32 s16, $0x1;
	s16 =	sadd.s32 $0xFFFFFFFF, s16;
	[sflag:s11] =	ssyncset.done $0x0  }
0x34: {  	[sflag:s11] =	ssyncadd.s32 $0xFFFFFF80  }
0x35: {  	_ =	swait.ge [sflag:s11], $0x80  }
0x36: {  	[sflag:s11] =	ssyncset.done $0x0  }
0x37: {  	[sflag:s11] =	ssyncadd.s32 $0xFFFFFF80  }
0x38: {  	_ =	swait.ge [sflag:s11], $0x80  }
0x39: {  	[sflag:s11] =	ssyncset.done $0x0  }
0x3a: {  	[sflag:s11] =	ssyncadd.s32 $0xFFFFFF80  }
0x3b: {  	(ifvalue) =	ssetifvalue $0xFFFFFFFF  }
0x3c: {  	(ifvalue) =	ssetifvalue $0xFFFFFFFF  }
0x3d: {  	[hbm4b:s2+s4] =	stream.indirect.scatter [tilespmem:s15], [sflag:$0x1], $0x1, s3, s4, $0x40b8;
	[tilespmem:$0x400] =	vst v63  }
0x3e: {  	(ifvalue) =	ssetifvalue $0xFFFFFFFF  }
0x3f: {  	(ifvalue) =	ssetifvalue $0xFFFFFFFF  }
0x40: {  	[hbm4b:s2+s4] =	stream.indirect.scatter [tilespmem:s14], [sflag:$0x1], $0x1, s4, s4, $0x40b8;
	[tilespmem:$0x400] =	vst v63  }
0x41: {  	(ifvalue) =	ssetifvalue $0xFFFFFFFF  }
0x42: {  	(ifvalue) =	ssetifvalue $0xFFFFFFFF  }
0x43: {  	[hbm4b:s2+s4] =	stream.indirect.scatter [tilespmem:s12], [sflag:$0x1], $0x1, s5, s4, $0x40b8;
	[tilespmem:$0x400] =	vst v63  }
0x44: {  	(ifvalue) =	ssetifvalue $0xFFFFFFFF  }
0x45: {  	(ifvalue) =	ssetifvalue $0xFFFFFFFF  }
0x46: {  	[hbm4b:s2+s4] =	stream.indirect.scatter [tilespmem:s13], [sflag:$0x1], $0x1, s6, s4, $0x40b8;
	[tilespmem:$0x400] =	vst v63  }
0x47: {  	_ =	swait.ge [sflag:s11], $0x80  }
0x48: {  	[sflag:s11] =	ssyncset.done $0x0  }
0x49: {  	[sflag:s11] =	ssyncadd.s32 $0xFFFFFF80  }
0x4a: {  	_ =	swait.ge [sflag:s11], $0x80  }
0x4b: {  	[sflag:s11] =	ssyncset.done $0x0  }
0x4c: {  	[sflag:s11] =	ssyncadd.s32 $0xFFFFFF80  }
0x4d: {  	_ =	swait.ge [sflag:s11], $0x80  }
0x4e: {  	[sflag:s11] =	ssyncset.done $0x0  }
0x4f: {  	[sflag:s11] =	ssyncadd.s32 $0xFFFFFF80  }
0x50: {  	_ =	swait.ge [sflag:s11], $0x80  }
0x51: {  	[sflag:s11] =	ssyncset.done $0x0  }
0x52: {  	[sflag:s11] =	ssyncadd.s32 $0xFFFFFF80  }
0x53: {  	[tilespmem:s3], [sflag:$0x1] =	stream.linear.gather [hbm4b:s7+s3], $0x80, $0x38;
	[tilespmem:$0x400] =	vst v63  }
0x54: {  	_ = 	snop  }
0x55: {  	[tilespmem:s4], [sflag:$0x1] =	stream.linear.gather [hbm4b:s8+s3], $0x80, $0x38;
	[tilespmem:$0x400] =	vst v63  }
0x56: {  	_ = 	snop  }
0x57: {  	[tilespmem:s5], [sflag:$0x1] =	stream.linear.gather [hbm4b:s9+s3], $0x80, $0x38;
	[tilespmem:$0x400] =	vst v63  }
0x58: {  	_ = 	snop  }
0x59: {  	[tilespmem:s6], [sflag:$0x1] =	stream.linear.gather [hbm4b:s10+s3], $0x80, $0x38;
	[tilespmem:$0x400] =	vst v63  }
0x5a: {  	[tilespmem:$0x3F0] =	vst v0  }
0x5b: {  	[tilespmem:$0x3E0] =	vst v1  }
0x5c: {  	[tilespmem:$0x3D0] =	vst v2  }
0x5d: {  	[tilespmem:$0x3C0] =	vst v3  }
0x5e: {  	[tilespmem:$0x3B0] =	vst v4  }
0x5f: {  	[tilespmem:$0x3A0] =	vst v5  }
0x60: {  	[tilespmem:$0x390] =	vst v6  }
0x61: {  	[tilespmem:$0x380] =	vst v7  }
0x62: {  	[tilespmem:$0x370] =	vst v8  }
0x63: {  	[tilespmem:$0x360] =	vst v9  }
0x64: {  	[tilespmem:$0x350] =	vst v10  }
0x65: {  	[tilespmem:$0x340] =	vst v11  }
0x66: {  	[tilespmem:$0x330] =	vst v12  }
0x67: {  	[tilespmem:$0x320] =	vst v13  }
0x68: {  	[tilespmem:$0x310] =	vst v14  }
0x69: {  	[tilespmem:$0x300] =	vst v15  }
0x6a: {  	[tilespmem:$0x2F0] =	vst v16  }
0x6b: {  	[tilespmem:$0x2E0] =	vst v17  }
0x6c: {  	[tilespmem:$0x2D0] =	vst v18  }
0x6d: {  	[tilespmem:$0x2C0] =	vst v19  }
0x6e: {  	[tilespmem:$0x2B0] =	vst v20  }
0x6f: {  	[tilespmem:$0x2A0] =	vst v21  }
0x70: {  	[tilespmem:$0x290] =	vst v22  }
0x71: {  	[tilespmem:$0x280] =	vst v23  }
0x72: {  	[tilespmem:$0x270] =	vst v24  }
0x73: {  	[tilespmem:$0x260] =	vst v25  }
0x74: {  	[tilespmem:$0x250] =	vst v26  }
0x75: {  	[tilespmem:$0x240] =	vst v27  }
0x76: {  	[tilespmem:$0x230] =	vst v28  }
0x77: {  	[tilespmem:$0x220] =	vst v29  }
0x78: {  	[tilespmem:$0x200] =	vst v30  }
.Ltmp1:
0x79: {  	[tilespmem:$0x210] =	vst v31;
	(pc) =	sbr.rel @p0 .LBB2_1-.Ltmp1, $4  }
0x7a: {  	_ =	swait.ge [sflag:s11], $0x80  }
0x7b: {  	[sflag:s11] =	ssyncset.done $0x0  }
0x7c: {  	[sflag:s11] =	ssyncadd.s32 $0xFFFFFF80  }
0x7d: {  	_ =	swait.ge [sflag:s11], $0x80  }
.LBB2_2:
0x7e: {  	[sflag:s11] =	ssyncset.done $0x0  }
0x7f: {  	[sflag:s11] =	ssyncadd.s32 $0xFFFFFF80  }
0x80: {  	_ =	swait.ge [sflag:s11], $0x80  }
0x81: {  	[sflag:s11] =	ssyncset.done $0x0  }
0x82: {  	[sflag:s11] =	ssyncadd.s32 $0xFFFFFF80  }
0x83: {  	_ =	swait.ge [sflag:s11], $0x80  }
0x84: {  	[sflag:s11] =	ssyncset.done $0x0  }
0x85: {  	[sflag:s11] =	ssyncadd.s32 $0xFFFFFF80;
	(ifvalue) =	ssetifvalue $0xFFFFFFFF  }
0x86: {  	(ifvalue) =	ssetifvalue $0xFFFFFFFF  }
0x87: {  	[hbm4b:s2+s4] =	stream.indirect.scatter [tilespmem:s15], [sflag:$0x1], $0x1, s3, s4, $0x40b8;
	[tilespmem:$0x400] =	vst v63  }
0x88: {  	(ifvalue) =	ssetifvalue $0xFFFFFFFF  }
0x89: {  	(ifvalue) =	ssetifvalue $0xFFFFFFFF  }
0x8a: {  	[hbm4b:s2+s4] =	stream.indirect.scatter [tilespmem:s14], [sflag:$0x1], $0x1, s4, s4, $0x40b8;
	[tilespmem:$0x400] =	vst v63  }
0x8b: {  	(ifvalue) =	ssetifvalue $0xFFFFFFFF  }
0x8c: {  	(ifvalue) =	ssetifvalue $0xFFFFFFFF  }
0x8d: {  	[hbm4b:s2+s4] =	stream.indirect.scatter [tilespmem:s12], [sflag:$0x1], $0x1, s5, s4, $0x40b8;
	[tilespmem:$0x400] =	vst v63  }
0x8e: {  	(ifvalue) =	ssetifvalue $0xFFFFFFFF  }
0x8f: {  	(ifvalue) =	ssetifvalue $0xFFFFFFFF  }
0x90: {  	[hbm4b:s2+s4] =	stream.indirect.scatter [tilespmem:s13], [sflag:$0x1], $0x1, s6, s4, $0x40b8;
	[tilespmem:$0x400] =	vst v63  }
0x91: {  	_ =	swait.ge [sflag:s11], $0x80  }
0x92: {  	[sflag:s11] =	ssyncset.done $0x0  }
0x93: {  	[sflag:s11] =	ssyncadd.s32 $0xFFFFFF80  }
0x94: {  	_ =	swait.ge [sflag:s11], $0x80  }
0x95: {  	[sflag:s11] =	ssyncset.done $0x0  }
0x96: {  	[sflag:s11] =	ssyncadd.s32 $0xFFFFFF80  }
0x97: {  	_ =	swait.ge [sflag:s11], $0x80  }
0x98: {  	[sflag:s11] =	ssyncset.done $0x0  }
0x99: {  	[sflag:s11] =	ssyncadd.s32 $0xFFFFFF80  }
0x9a: {  	_ =	swait.ge [sflag:s11], $0x80  }
0x9b: {  	[sflag:s11] =	ssyncset.done $0x0  }
0x9c: {  	[sflag:s11] =	ssyncadd.s32 $0xFFFFFF80  }
0x9d: {  	_ =	sfence.sel $0x180000  }
0x9e: {  	[bflag:$0x0] =	sbarrier.arrive $0xFFFF  }
0x9f: {  	p0 =	sne.s32 s0, $0x0;
	_ =	strace $0x90000047  }
0xa0: {  	s0 =	sadd.s32 @!p0 $0x100000, s1;
	[bflag:$0x2] =	sbarrier.arrive $0xFFFF  }
0xa1: {  	[sflag:s0] =	ssyncadd.tile.s32 @!p0 $0x1;
	_ =	shalt  }
.Lfunc_end2:
_tile_overlayer_lowered:
.L_overlay_start_2:
0xa2: {  	(tag) =	ssettag $0x2  }
0xa3: {  	s0 =	rddreg [dreg:$0x0];
	s2 =	stileid.u32  }
0xa4: {  	s1 =	rddreg [dreg:$0x1];
	p0 =	sne.s32 s2, $0x0  }
0xa5: {  	s3 =	rddreg [dreg:$0x2];
	[bflag:$0x3] =	sbarrier.arrive $0xFFFF;
	s2 =	simm.s32 @!p0 $0x1C02  }
0xa6: {  	[timem:s3], [sflag:s2] =	dma.local @!p0 [hbm:s0], s1  }
0xa7: {  	s0 =	simm.s32 @!p0 $0x2  }
0xa8: {  	_ =	swait.ge @!p0 [sflag:s0], s1  }
0xa9: {  	s1 =	ssub.s32 @!p0 $0x0, s1;
	[sflag:s0] =	ssyncset.done @!p0 $0x0  }
0xaa: {  	[sflag:s0] =	ssyncadd.s32 @!p0 s1  }
0xab: {  	[bflag:$0x3] =	sbarrier.arrive $0xFFFF  }
0xac: {  	_ =	shalt  }

// kernel: kernel.9.cloned.1.call-start
scs
__scs_entry_jumppad:
0x0: {  	(pc) =	sbr.rel $0x88, $3  }
0x1: {  	(tag) =	ssettag $0x0;
	lr =	simm.s32 $0x1  }
0x2: {  	[smem:$0x3F9E] =	sst lr;
	_ =	strace $0xD0000000  }
0x3: {  	_ = 	snop  }
0x4: {  	_ = 	snop  }
0x5: {  	_ = 	snop  }
0x6: {  	_ = 	snop  }
0x7: {  	_ = 	snop  }
__scs_overlays_trampoline_lowered:
0x8: {  	[smem:$0x3FAD] =	sst s0  }
0x9: {  	[smem:$0x3FAE] =	sst s1  }
0xa: {  	[smem:$0x3FAF] =	sst s2  }
0xb: {  	[smem:$0x3FB0] =	sst s3  }
0xc: {  	[smem:$0x3FB1] =	sst s4  }
0xd: {  	[smem:$0x3FB2] =	sst s5  }
0xe: {  	[smem:$0x3FB3] =	sst s6  }
0xf: {  	[smem:$0x3FB4] =	sst s7  }
0x10: {  	[smem:$0x3FB5] =	sst s8  }
0x11: {  	[smem:$0x3FB6] =	sst s9;
	s0 =	simm.s32 @!p0 $0x0  }
0x12: {  	s1 =	sld [smem:$0x3F9C];
	s0 =	simm.s32 @p0 $0x1  }
0x13: {  	[smem:$0x3FB7] =	sst s0;
	s0 =	simm.s32 @!p1 $0x0  }
0x14: {  	s2 =	sld [smem:$0x3F9B];
	s0 =	simm.s32 @p1 $0x1  }
0x15: {  	[smem:$0x3FB8] =	sst s0;
	s0 =	simm.s32 @!p2 $0x0  }
0x16: {  	s3 =	sld [smem:$0x3FDB];
	s0 =	simm.s32 @p2 $0x1  }
0x17: {  	s4 =	simm.s32 $0x1BF5;
	[smem:$0x3FBA] =	sst s0  }
0x18: {  	s0 =	sld [smem:$0x3F9D];
	_ =	swait.ge [sflag:s4], $0x0  }
0x19: {  	s7 =	sld [smem:$0x3F9E]  }
0x1a: {  	s8 =	sadd.s32 $0xFFFFE003, lr  }
0x1b: {  	s9 =	sadd.s32 $0xFFFFFEF7, lr;
	s5 =	simm.s32 $0xFFFFFFFF;
	p2 =	slt.u32 s8, $0xFFFFF086  }
0x1c: {  	p1 =	slt.u32 s9, $0xF7A;
	s5 =	simm.s32 @!p2 $0x0  }
0x1d: {  	s5 =	simm.s32 @p1 $0x1;
	p0 =	seq.s32 s7, s2  }
0x1e: {  	s7 =	smul.u32 @!p0 $0xF7A, s2;
	p2 =	seq.s32 @!p0 s5, $0x0  }
0x1f: {  	s9 =	smul.u32 $0xF7A, s1;
	s8 =	simm.s32 @!p0 $0x1BF5;
	p2 =	por !p2, p0  }
0x20: {  	[sflag:s8] =	ssyncset.s32 @!p0 $0xFFFFF086;
	s6 =	sadd.s32 @!p0 s3, s7;
	s7 =	simm.s32 @!p0 $0x108  }
0x21: {  	s3 =	sadd.s32 s3, s9;
	s6 =	sadd.s32 @!p0 $0x88, s6;
	s7 =	simm.s32 @p2 $0x1082  }
0x22: {  	[simem:s7], [sflag:s8] =	dma.local @!p0 [hbm:s6], $0xF7A  }
0x23: {  	s9 =	sor.u32 $0xD0000000, s2;
	s6 =	simm.s32 $0x108;
	_ =	swait.ge @!p0 [sflag:s8], $0x0  }
0x24: {  	s3 =	sadd.s32 $0x88, s3;
	s6 =	simm.s32 @!p1 $0x1082;
	[sflag:s4] =	ssyncset.s32 $0xFFFFF086  }
0x25: {  	[simem:s6], [sflag:s4] =	dma.local [hbm:s3], $0xF7A  }
0x26: {  	[smem:$0x3F9E] =	sst s1;
	(tag) =	ssettag s2;
	_ =	strace s9  }
0x27: {  	s1 =	sld [smem:$0x3FAE]  }
0x28: {  	s2 =	sld [smem:$0x3FAF]  }
0x29: {  	s4 =	sld [smem:$0x3FB1]  }
0x2a: {  	p0 =	seq.s32 s5, $0x0;
	s5 =	sld [smem:$0x3FB2]  }
0x2b: {  	s6 =	sld [smem:$0x3FB3]  }
0x2c: {  	s7 =	sld [smem:$0x3FB4]  }
0x2d: {  	s3 =	simm.s32 $0x108;
	s8 =	sld [smem:$0x3FB5]  }
0x2e: {  	s3 =	simm.s32 @!p0 $0x1082;
	s9 =	sld [smem:$0x3FB6]  }
0x2f: {  	lr =	sadd.s32 s0, s3;
	s0 =	sld [smem:$0x3FAD]  }
0x30: {  	s3 =	sld [smem:$0x3FB0]  }
0x31: {  	[smem:$0x3FB9] =	sst s10  }
0x32: {  	s10 =	sld [smem:$0x3FB7];
	_ =	sdelay $0x3  }
0x33: {  	p0 =	seq.s32 s10, $0x1;
	s10 =	sld [smem:$0x3FB9];
	_ =	sdelay $0x3  }
0x34: {  	[smem:$0x3FB9] =	sst s10  }
0x35: {  	s10 =	sld [smem:$0x3FB8];
	_ =	sdelay $0x3  }
0x36: {  	p1 =	seq.s32 s10, $0x1;
	s10 =	sld [smem:$0x3FB9];
	_ =	sdelay $0x3  }
0x37: {  	[smem:$0x3FB9] =	sst s10  }
0x38: {  	s10 =	sld [smem:$0x3FBA]  }
0x39: {  	_ = 	snop;
	(pc) =	sbr.ind lr, $3  }
0x3a: {  	_ = 	snop  }
0x3b: {  	_ = 	snop  }
0x3c: {  	p2 =	seq.s32 s10, $0x1;
	s10 =	sld [smem:$0x3FB9]  }
0x3d: {  	_ =	shalt  }
0x3e: {  	_ =	shalt  }
0x3f: {  	_ =	shalt  }
0x40: {  	_ =	shalt  }
0x41: {  	_ =	shalt  }
0x42: {  	_ =	shalt  }
0x43: {  	_ =	shalt  }
0x44: {  	_ =	shalt  }
0x45: {  	_ =	shalt  }
0x46: {  	_ =	shalt  }
0x47: {  	_ =	shalt  }
0x48: {  	_ =	shalt  }
0x49: {  	_ =	shalt  }
0x4a: {  	_ =	shalt  }
0x4b: {  	_ =	shalt  }
0x4c: {  	_ =	shalt  }
0x4d: {  	_ =	shalt  }
0x4e: {  	_ =	shalt  }
0x4f: {  	_ =	shalt  }
0x50: {  	_ =	shalt  }
0x51: {  	_ =	shalt  }
0x52: {  	_ =	shalt  }
0x53: {  	_ =	shalt  }
0x54: {  	_ =	shalt  }
0x55: {  	_ =	shalt  }
0x56: {  	_ =	shalt  }
0x57: {  	_ =	shalt  }
0x58: {  	_ =	shalt  }
0x59: {  	_ =	shalt  }
0x5a: {  	_ =	shalt  }
0x5b: {  	_ =	shalt  }
0x5c: {  	_ =	shalt  }
0x5d: {  	_ =	shalt  }
0x5e: {  	_ =	shalt  }
0x5f: {  	_ =	shalt  }
0x60: {  	_ =	shalt  }
0x61: {  	_ =	shalt  }
0x62: {  	_ =	shalt  }
0x63: {  	_ =	shalt  }
0x64: {  	_ =	shalt  }
0x65: {  	_ =	shalt  }
0x66: {  	_ =	shalt  }
0x67: {  	_ =	shalt  }
0x68: {  	_ =	shalt  }
0x69: {  	_ =	shalt  }
0x6a: {  	_ =	shalt  }
0x6b: {  	_ =	shalt  }
0x6c: {  	_ =	shalt  }
0x6d: {  	_ =	shalt  }
0x6e: {  	_ =	shalt  }
0x6f: {  	_ =	shalt  }
0x70: {  	_ =	shalt  }
0x71: {  	_ =	shalt  }
0x72: {  	_ =	shalt  }
0x73: {  	_ =	shalt  }
0x74: {  	_ =	shalt  }
0x75: {  	_ =	shalt  }
0x76: {  	_ =	shalt  }
0x77: {  	_ =	shalt  }
0x78: {  	_ =	shalt  }
0x79: {  	_ =	shalt  }
0x7a: {  	_ =	shalt  }
0x7b: {  	_ =	shalt  }
0x7c: {  	_ =	shalt  }
0x7d: {  	_ =	shalt  }
0x7e: {  	_ =	shalt  }
0x7f: {  	_ =	shalt  }
0x80: {  	_ =	shalt  }
0x81: {  	_ =	shalt  }
0x82: {  	_ =	shalt  }
0x83: {  	_ =	shalt  }
0x84: {  	_ =	shalt  }
0x85: {  	_ =	shalt  }
0x86: {  	_ =	shalt  }
0x87: {  	_ =	shalt  }
.Lfunc_end0:
.L_simem_size_0:
called_computation.1_lowered:
.L_overlay_start_0:
0x88: {  	s2 =	sld [smem:$0x3FD9]  }
0x89: {  	s3 =	sld [smem:$0x3FFE];
	_ =	sdelay $0x1  }
0x8a: {  	s1 =	srdreg.scid  }
0x8b: {  	s0 =	sand.u32 $0x1, s1  }
0x8c: {  	s14 =	sshll.u32 s0, $0xA;
	s2 =	sadd.s32 s3, s2  }
0x8d: {  	s2 =	sadd.s32 s2, s14  }
0x8e: {  	[smem:$0x3FC5] =	sst s2  }
0x8f: {  	_ = 	snop  }
0x90: {  	s2 =	sld [smem:$0x3FD0];
	_ =	sdelay $0x2  }
0x91: {  	s4 =	simm.s32 $0xA;
	s5 =	simm.s32 $0x10;
	s15 =	sld [smem:$0x3FC9]  }
0x92: {  	[smem:s5], [sflag:s4] =	dma.local [hbm:s2], $0x1  }
0x93: {  	_ =	swait.eq [sflag:s4], $0x1  }
0x94: {  	[sflag:s4] =	ssyncset.done $0x0  }
0x95: {  	s16 =	sld [smem:$0x10];
	[sflag:s4] =	ssyncadd.s32 $0xFFFFFFFF  }
0x96: {  	s17 =	sld [smem:$0x11];
	(tm) =	ssettm $0x1  }
0x97: {  	s18 =	sld [smem:$0x3FFB];
	_ =	sdelay $0x3  }
0x98: {  	_ =	strace s18  }
0x99: {  	s5 =	sld [smem:$0x3FFC];
	_ =	sdelay $0x3  }
0x9a: {  	_ =	strace s5  }
0x9b: {  	s5 =	sld [smem:$0x3FFD];
	_ =	sdelay $0x3  }
0x9c: {  	_ =	strace s5  }
0x9d: {  	_ =	strace $0x8FFFFFFF  }
0x9e: {  	s19 =	sld [smem:$0x3FDB];
	_ =	sdelay $0x1  }
0x9f: {  	s6 =	simm.s32 $_scs_section_size  }
0xa0: {  	s7 =	simm.s32 $_size__tile_overlayer_lowered;
	s8 =	simm.s32 $_tile_overlayer_lowered  }
0xa1: {  	s22 =	simm.s32 $0x1BFF;
	s21 =	sshll.u32 s8, $0x1;
	s5 =	sadd.s32 s6, s19  }
0xa2: {  	s9 =	simm.s32 $0x0;
	s20 =	sshll.u32 s7, $0x1;
	s7 =	sadd.s32 s21, s5  }
0xa3: {  	[timem:s9], [sflag:s22] =	dma.local [hbm:s7], s20  }
0xa4: {  	_ =	swait.ge [sflag:s22], s20  }
0xa5: {  	s6 =	ssub.s32 $0x0, s20;
	[sflag:s22] =	ssyncset.done $0x0  }
0xa6: {  	[sflag:s22] =	ssyncadd.s32 s6;
	_ =	sdelay $0x1  }
0xa7: {  	s23 =	simm.s32 $0x1B8B  }
0xa8: {  	_ =	swait.ge [sflag:s23], $0x1  }
0xa9: {  	[sflag:s23] =	ssyncset.done $0x0  }
0xaa: {  	s25 =	simm.s32 $0x1B8E;
	s24 =	sld [smem:$0x3FFE];
	[sflag:s23] =	ssyncadd.s32 $0xFFFFFFFF  }
0xab: {  	s26 =	simm.s32 $execute0_lowered;
	[smem:$0x3FD2] =	sst s25  }
0xac: {  	s7 =	sshll.u32 s26, $0x1;
	_ =	strace $0x80000049;
	[dreg:$0x1] =	wrdreg $0xFFFFFFFF  }
0xad: {  	s28 =	simm.s32 $_size_execute0_lowered;
	s5 =	sadd.s32 s5, s7;
	[dreg:$0x0] =	wrdreg $0x0  }
0xae: {  	s7 =	sshll.u32 s28, $0x1;
	[dreg:$0x2] =	wrdreg s5  }
0xaf: {  	[dreg:$0x3] =	wrdreg s7  }
0xb0: {  	[dreg:$0x4] =	wrdreg $0xC0  }
0xb1: {  	_ =	task [dreg:s9], $0x5FFFF  }
0xb2: {  	[dreg:$0x1] =	wrdreg $0xFFFFFFFF  }
0xb3: {  	[dreg:$0x0] =	wrdreg $0x60  }
0xb4: {  	[dreg:$0x2] =	wrdreg s17  }
0xb5: {  	[dreg:$0x3] =	wrdreg s15  }
0xb6: {  	[dreg:$0x4] =	wrdreg s24  }
0xb7: {  	[dreg:$0x5] =	wrdreg s16  }
0xb8: {  	[dreg:$0x6] =	wrdreg $0x9  }
0xb9: {  	_ =	task.clear_ibuf [dreg:s9], $0x7FFFF;
	_ =	strace $0x90000049  }
0xba: {  	s29 =	simm.s32 $0x9;
	_ =	strace $0x8000004B  }
0xbb: {  	_ =	swait.ge [sflag:s29], $0x1  }
0xbc: {  	[sflag:s29] =	ssyncadd.s32 $0xFFFFFFFF  }
0xbd: {  	_ =	strace $0x9000004B  }
0xbe: {  	_ =	sfence  }
0xbf: {  	s30 =	sld [smem:$0x0];
	_ =	sdelay $0x2  }
0xc0: {  	s31 =	sshll.u32 s1, $0xD;
	s1 =	sshrl.u32 s1, $0x2  }
0xc1: {  	s3 =	sand.u32 $0x4000, s31;
	s1 =	sadd.s32 s1, s30  }
0xc2: {  	s0 =	sor.u32 s3, s0;
	s1 =	sshll.u32 s1, $0x11  }
0xc3: {  	s0 =	sor.u32 s1, s0  }
0xc4: {  	s0 =	sadd.s32 $0x8F2B, s0  }
0xc5: {  	[sflag:s0] =	ssyncadd.remote.s32 $0x1  }
0xc6: {  	_ =	sfence.sel $0xFFFF  }
0xc7: {  	[dreg:$0x0] =	wrdreg $0xFFFFFFFF;
	(pc) =	sbr.abs _section_cstart, $3  }
0xc8: {  	[dreg:$0x1] =	wrdreg $0xFFFFFFFF  }
0xc9: {  	_ =	task.clear_ibuf [dreg:s9], $0x2FFFF;
	_ =	strace $0x9FFFFFFF  }
0xca: {  	(tm) =	ssettm $0x7FFFFFFF  }
0xcb: {  	_ =	shalt  }
tec
execute0_lowered:
.L_overlay_start_1:
0x0: {  	(tag) =	ssettag $0x1  }
0x1: {  	s4 =	rddreg [dreg:$0x0]  }
0x2: {  	s1 =	rddreg [dreg:$0x1]  }
0x3: {  	s0 =	srdreg.scid;
	s5 =	rddreg [dreg:$0x2]  }
0x4: {  	s23 =	stileid.u32;
	s2 =	rddreg [dreg:$0x3];
	s28 =	simm.s32 $0x3800  }
0x5: {  	s29 =	simm.s32 $0x4000;
	s30 =	simm.s32 $0x4800;
	s31 =	simm.s32 $0x5000  }
0x6: {  	s0 =	sand.u32 $0x1, s0;
	s3 =	sshll.u32 s23, $0x1;
	s5 =	sadd.s32 $0xA00, s5  }
0x7: {  	s6 =	sor.u32 s0, s3;
	s3 =	simm.s32 $0x0;
	s0 =	ssub.s32 $0x2, s0  }
0x8: {  	s7 =	sshll.u32 s6, $0x8;
	[smem:$0x7FF] =	sst s3;
	s8 =	sshll.u32 s6, $0x5  }
0x9: {  	s9 =	sor.u32 $0x20, s7;
	_ =	strace $0x8000004A;
	s10 =	sadd.s32 s4, s8  }
0xa: {  	s12 =	sor.u32 $0x40, s7;
	s13 =	sor.u32 $0x60, s7;
	s16 =	sor.u32 $0x80, s7  }
0xb: {  	s26 =	sadd.s32 s5, s8;
	s11 =	sshrl.u32 s9, $0x3;
	[dreg:$0x5] =	wrdreg s10  }
0xc: {  	s10 =	sshrl.u32 s12, $0x3;
	[dreg:$0xd] =	wrdreg s26;
	s21 =	sadd.s32 s4, s11  }
0xd: {  	s15 =	sshrl.u32 s13, $0x3;
	s14 =	sadd.s32 s4, s10;
	[dreg:$0x6] =	wrdreg s21  }
0xe: {  	s17 =	sshrl.u32 s16, $0x3;
	s22 =	sadd.s32 s4, s15;
	[dreg:$0x7] =	wrdreg s14  }
0xf: {  	s6 =	sshll.u32 s6, $0xF;
	s24 =	sadd.s32 s4, s17;
	[dreg:$0x8] =	wrdreg s22  }
0x10: {  	s18 =	sor.u32 $0xA0, s7;
	s8 =	sadd.s32 s5, s11;
	[dreg:$0x9] =	wrdreg s24  }
0x11: {  	s19 =	sor.u32 $0xC0, s7;
	s11 =	sadd.s32 s5, s10;
	[dreg:$0xe] =	wrdreg s8  }
0x12: {  	s10 =	sshll.u32 s9, $0x7;
	s9 =	simm.s32 $0x80;
	[dreg:$0xf] =	wrdreg s11  }
0x13: {  	s7 =	sor.u32 $0xE0, s7;
	s24 =	sadd.s32 s5, s17;
	[dreg:$0x1d] =	wrdreg s9  }
0x14: {  	s14 =	sshrl.u32 s18, $0x3;
	s8 =	sadd.s32 s2, s6;
	[dreg:$0x11] =	wrdreg s24  }
0x15: {  	s21 =	sshrl.u32 s19, $0x3;
	s11 =	sadd.s32 s2, s10;
	[dreg:$0x15] =	wrdreg s8  }
0x16: {  	s22 =	sshrl.u32 s7, $0x3;
	s10 =	simm.s32 $0x100;
	[dreg:$0x16] =	wrdreg s11  }
0x17: {  	s17 =	sshll.u32 s13, $0x7;
	s13 =	simm.s32 $0x280;
	[dreg:$0x1e] =	wrdreg s10  }
0x18: {  	s20 =	sadd.s32 s4, s14;
	s25 =	sadd.s32 s4, s21;
	[smem:$0x7F3] =	sst s13  }
0x19: {  	s4 =	sadd.s32 s4, s22;
	s26 =	sadd.s32 s5, s21;
	[dreg:$0xa] =	wrdreg s20  }
0x1a: {  	s21 =	sshll.u32 s16, $0x7;
	s24 =	sshll.u32 s18, $0x7;
	[dreg:$0xb] =	wrdreg s25  }
0x1b: {  	s8 =	sshll.u32 s7, $0x7;
	s11 =	simm.s32 $0x180;
	[dreg:$0xc] =	wrdreg s4  }
0x1c: {  	s16 =	sshrl.u32 s0, $0x1;
	s18 =	simm.s32 $0x480;
	[dreg:$0x13] =	wrdreg s26  }
0x1d: {  	s10 =	simm.s32 $0x6800;
	s13 =	simm.s32 $0x8000;
	[dreg:$0x1f] =	wrdreg s11  }
0x1e: {  	s20 =	sadd.s32 s5, s15;
	s25 =	sadd.s32 s5, s14;
	[smem:$0x7F7] =	sst s18  }
0x1f: {  	s5 =	sadd.s32 s5, s22;
	s14 =	sshll.u32 s12, $0x7;
	[dreg:$0x10] =	wrdreg s20  }
0x20: {  	s22 =	sadd.s32 s2, s21;
	s26 =	sshll.u32 s19, $0x7;
	[dreg:$0x12] =	wrdreg s25  }
0x21: {  	s12 =	simm.s32 $0x200;
	s0 =	ssub.s32 s0, s16;
	[dreg:$0x14] =	wrdreg s5  }
0x22: {  	s19 =	sshll.u32 s23, $0xA;
	s4 =	sadd.s32 $0x100, s1;
	[dreg:$0x19] =	wrdreg s22  }
0x23: {  	s23 =	simm.s32 $0x600;
	s16 =	simm.s32 $0x1;
	[smem:$0x7F2] =	sst s12  }
0x24: {  	s11 =	simm.s32 $0x7000;
	s15 =	sadd.s32 s2, s14;
	[smem:$0x7FA] =	sst s23  }
0x25: {  	s20 =	sadd.s32 s2, s17;
	s25 =	sadd.s32 s2, s24;
	[dreg:$0x17] =	wrdreg s15  }
0x26: {  	s6 =	sadd.s32 s2, s26;
	s2 =	sadd.s32 s2, s8;
	[dreg:$0x18] =	wrdreg s20  }
0x27: {  	s14 =	simm.s32 $0x300;
	s17 =	simm.s32 $0x400;
	[dreg:$0x1a] =	wrdreg s25  }
0x28: {  	s21 =	sand.u32 $0x3000, s19;
	s22 =	simm.s32 $0x580;
	[dreg:$0x1b] =	wrdreg s6  }
0x29: {  	s5 =	sadd.s32 $0x200, s1;
	s24 =	simm.s32 $0x680;
	[dreg:$0x1c] =	wrdreg s2  }
0x2a: {  	s7 =	smax.u32 s0, $0x1;
	s26 =	simm.s32 $0x780;
	[smem:$0x7F4] =	sst s14  }
0x2b: {  	s8 =	simm.s32 $0x3;
	s19 =	simm.s32 $0x2;
	[smem:$0x7F6] =	sst s17  }
0x2c: {  	s23 =	simm.s32 $0x2000;
	s12 =	simm.s32 $0x7800;
	[smem:$0x7F9] =	sst s22  }
0x2d: {  	s0 =	simm.s32 $0x8800;
	s15 =	simm.s32 $0x380;
	[smem:$0x7FB] =	sst s24  }
0x2e: {  	s20 =	simm.s32 $0x500;
	s6 =	sadd.s32 $0x300, s1;
	[smem:$0x7FD] =	sst s26  }
0x2f: {  	v3 =	vlaneseq.u32;
	s25 =	simm.s32 $0x700;
	s22 =	simm.s32 $0x1800;
	[smem:$0x7F5] =	sst s15  }
0x30: {  	vm0 =	vmmov $0xffff;
	v1 =	vand.u32 $0x7, v3;
	v2 =	vshrl.u32 v3, $0x3;
	s24 =	simm.s32 $0x2800;
	s26 =	simm.s32 $0x3000;
	[smem:$0x7F8] =	sst s20  }
0x31: {  	v3 =	vor.u32 $0x8, v3;
	v2 =	vmul.u32 $0x8, v2;
	v0 =	vmov s21;
	[smem:$0x7FC] =	sst s25;
	s25 =	simm.s32 $0x800;
	s15 =	simm.s32 $0x5800  }
.LBB2_1:
0x32: {  	s20 =	rddreg [dreg:$0x5]  }
0x33: {  	[tilespmem:s3], [sflag:$0x3] =	stream.linear.gather [hbm4b:s20+s3], $0x20, $0x38;
	[tilespmem:$0x10800] =	vst v63  }
0x34: {  	_ =	swait.ge [sflag:s8], $0x20  }
0x35: {  	s18 =	rddreg [dreg:$0x6];
	[sflag:s8] =	ssyncset.done $0x0  }
0x36: {  	s21 =	rddreg [dreg:$0x1d];
	[sflag:s8] =	ssyncadd.s32 $0xFFFFFFE0  }
0x37: {  	[tilespmem:s21], [sflag:$0x3] =	stream.linear.gather [hbm4b:s18+s3], $0x20, $0x38;
	[tilespmem:$0x10800] =	vst v63  }
0x38: {  	_ =	swait.ge [sflag:s8], $0x20  }
0x39: {  	s21 =	rddreg [dreg:$0x7];
	[sflag:s8] =	ssyncset.done $0x0  }
0x3a: {  	s2 =	rddreg [dreg:$0x1e];
	[sflag:s8] =	ssyncadd.s32 $0xFFFFFFE0  }
0x3b: {  	[tilespmem:s2], [sflag:$0x3] =	stream.linear.gather [hbm4b:s21+s3], $0x20, $0x38;
	[tilespmem:$0x10800] =	vst v63  }
0x3c: {  	_ =	swait.ge [sflag:s8], $0x20  }
0x3d: {  	s9 =	rddreg [dreg:$0x8];
	[sflag:s8] =	ssyncset.done $0x0  }
0x3e: {  	s14 =	rddreg [dreg:$0x1f];
	[sflag:s8] =	ssyncadd.s32 $0xFFFFFFE0  }
0x3f: {  	[tilespmem:s14], [sflag:$0x3] =	stream.linear.gather [hbm4b:s9+s3], $0x20, $0x38;
	[tilespmem:$0x10800] =	vst v63  }
0x40: {  	_ =	swait.ge [sflag:s8], $0x20  }
0x41: {  	s18 =	sld [smem:$0x7F2]  }
0x42: {  	[sflag:s8] =	ssyncset.done $0x0  }
0x43: {  	s17 =	rddreg [dreg:$0x9];
	[sflag:s8] =	ssyncadd.s32 $0xFFFFFFE0  }
0x44: {  	[tilespmem:s18], [sflag:$0x3] =	stream.linear.gather [hbm4b:s17+s3], $0x20, $0x38;
	[tilespmem:$0x10800] =	vst v63  }
0x45: {  	_ =	swait.ge [sflag:s8], $0x20  }
0x46: {  	s2 =	sld [smem:$0x7F3]  }
0x47: {  	[sflag:s8] =	ssyncset.done $0x0  }
0x48: {  	s21 =	rddreg [dreg:$0xa];
	[sflag:s8] =	ssyncadd.s32 $0xFFFFFFE0  }
0x49: {  	[tilespmem:s2], [sflag:$0x3] =	stream.linear.gather [hbm4b:s21+s3], $0x20, $0x38;
	[tilespmem:$0x10800] =	vst v63  }
0x4a: {  	_ =	swait.ge [sflag:s8], $0x20  }
0x4b: {  	s14 =	sld [smem:$0x7F4]  }
0x4c: {  	[sflag:s8] =	ssyncset.done $0x0  }
0x4d: {  	s9 =	rddreg [dreg:$0xb];
	[sflag:s8] =	ssyncadd.s32 $0xFFFFFFE0  }
0x4e: {  	[tilespmem:s14], [sflag:$0x3] =	stream.linear.gather [hbm4b:s9+s3], $0x20, $0x38;
	[tilespmem:$0x10800] =	vst v63  }
0x4f: {  	_ =	swait.ge [sflag:s8], $0x20  }
0x50: {  	s18 =	sld [smem:$0x7F5]  }
0x51: {  	[sflag:s8] =	ssyncset.done $0x0  }
0x52: {  	s17 =	rddreg [dreg:$0xc];
	[sflag:s8] =	ssyncadd.s32 $0xFFFFFFE0  }
0x53: {  	[tilespmem:s18], [sflag:$0x3] =	stream.linear.gather [hbm4b:s17+s3], $0x20, $0x38;
	[tilespmem:$0x10800] =	vst v63  }
0x54: {  	_ =	swait.ge [sflag:s8], $0x20  }
0x55: {  	[sflag:s8] =	ssyncset.done $0x0  }
0x56: {  	[sflag:s8] =	ssyncadd.s32 $0xFFFFFFE0  }
0x57: {  	v4 =	vld [tilespmem:$0x0]  }
0x58: {  	v5 =	vld [tilespmem:$0x10]  }
0x59: {  	v6 =	vld [tilespmem:$0x80]  }
0x5a: {  	v7 =	vld [tilespmem:$0x90]  }
0x5b: {  	v8 =	vld [tilespmem:$0x100]  }
0x5c: {  	v9 =	vld [tilespmem:$0x110];
	v4 =	vsub.s32 v4, v0  }
0x5d: {  	[tilespmem:$0x400] =	vst v4;
	v4 =	vsub.s32 v5, v0;
	v5 =	vld [tilespmem:$0x180]  }
0x5e: {  	v56 =	vld [tilespmem:$0x190];
	[tilespmem:$0x410] =	vst v4;
	v4 =	vsub.s32 v6, v0  }
0x5f: {  	v57 =	vld [tilespmem:$0x200];
	[tilespmem:$0x480] =	vst v4;
	v4 =	vsub.s32 v7, v0  }
0x60: {  	v58 =	vld [tilespmem:$0x210];
	[tilespmem:$0x490] =	vst v4;
	v4 =	vsub.s32 v8, v0  }
0x61: {  	v59 =	vld [tilespmem:$0x280];
	[tilespmem:$0x500] =	vst v4;
	v4 =	vsub.s32 v9, v0  }
0x62: {  	[tilespmem:$0x510] =	vst v4;
	v4 =	vsub.s32 v5, v0;
	v5 =	vld [tilespmem:$0x290]  }
0x63: {  	v60 =	vld [tilespmem:$0x300];
	[tilespmem:$0x580] =	vst v4;
	v4 =	vsub.s32 v56, v0  }
0x64: {  	v61 =	vld [tilespmem:$0x310];
	[tilespmem:$0x590] =	vst v4;
	v4 =	vsub.s32 v57, v0  }
0x65: {  	v62 =	vld [tilespmem:$0x380];
	[tilespmem:$0x600] =	vst v4;
	v4 =	vsub.s32 v58, v0  }
0x66: {  	v63 =	vld [tilespmem:$0x390];
	[tilespmem:$0x610] =	vst v4;
	v4 =	vsub.s32 v59, v0  }
0x67: {  	[tilespmem:$0x680] =	vst v4;
	v4 =	vsub.s32 v5, v0  }
0x68: {  	[tilespmem:$0x690] =	vst v4;
	v4 =	vsub.s32 v60, v0  }
0x69: {  	[tilespmem:$0x700] =	vst v4;
	v4 =	vsub.s32 v61, v0  }
0x6a: {  	s2 =	sld [smem:$0x7F6];
	[tilespmem:$0x710] =	vst v4;
	v4 =	vsub.s32 v62, v0  }
0x6b: {  	[tilespmem:$0x780] =	vst v4;
	v4 =	vsub.s32 v63, v0  }
0x6c: {  	s21 =	rddreg [dreg:$0xd];
	[tilespmem:$0x790] =	vst v4  }
0x6d: {  	[hbm4b:s21+s3] =	stream.linear.scatter [tilespmem:s2], [sflag:$0x3], $0x20, $0x38;
	[tilespmem:$0x10800] =	vst v63  }
0x6e: {  	_ =	swait.ge [sflag:s8], $0x20  }
0x6f: {  	s14 =	sld [smem:$0x7F7]  }
0x70: {  	[sflag:s8] =	ssyncset.done $0x0  }
0x71: {  	s9 =	rddreg [dreg:$0xe];
	[sflag:s8] =	ssyncadd.s32 $0xFFFFFFE0  }
0x72: {  	[hbm4b:s9+s3] =	stream.linear.scatter [tilespmem:s14], [sflag:$0x3], $0x20, $0x38;
	[tilespmem:$0x10800] =	vst v63  }
0x73: {  	_ =	swait.ge [sflag:s8], $0x20  }
0x74: {  	s18 =	sld [smem:$0x7F8]  }
0x75: {  	[sflag:s8] =	ssyncset.done $0x0  }
0x76: {  	s17 =	rddreg [dreg:$0xf];
	[sflag:s8] =	ssyncadd.s32 $0xFFFFFFE0  }
0x77: {  	[hbm4b:s17+s3] =	stream.linear.scatter [tilespmem:s18], [sflag:$0x3], $0x20, $0x38;
	[tilespmem:$0x10800] =	vst v63  }
0x78: {  	_ =	swait.ge [sflag:s8], $0x20  }
0x79: {  	s2 =	sld [smem:$0x7F9]  }
0x7a: {  	[sflag:s8] =	ssyncset.done $0x0  }
0x7b: {  	s21 =	rddreg [dreg:$0x10];
	[sflag:s8] =	ssyncadd.s32 $0xFFFFFFE0  }
0x7c: {  	[hbm4b:s21+s3] =	stream.linear.scatter [tilespmem:s2], [sflag:$0x3], $0x20, $0x38;
	[tilespmem:$0x10800] =	vst v63  }
0x7d: {  	_ =	swait.ge [sflag:s8], $0x20  }
0x7e: {  	s14 =	sld [smem:$0x7FA]  }
0x7f: {  	[sflag:s8] =	ssyncset.done $0x0  }
0x80: {  	s9 =	rddreg [dreg:$0x11];
	[sflag:s8] =	ssyncadd.s32 $0xFFFFFFE0  }
0x81: {  	[hbm4b:s9+s3] =	stream.linear.scatter [tilespmem:s14], [sflag:$0x3], $0x20, $0x38;
	[tilespmem:$0x10800] =	vst v63  }
0x82: {  	_ =	swait.ge [sflag:s8], $0x20  }
0x83: {  	s18 =	sld [smem:$0x7FB]  }
0x84: {  	[sflag:s8] =	ssyncset.done $0x0  }
0x85: {  	s17 =	rddreg [dreg:$0x12];
	[sflag:s8] =	ssyncadd.s32 $0xFFFFFFE0  }
0x86: {  	[hbm4b:s17+s3] =	stream.linear.scatter [tilespmem:s18], [sflag:$0x3], $0x20, $0x38;
	[tilespmem:$0x10800] =	vst v63  }
0x87: {  	_ =	swait.ge [sflag:s8], $0x20  }
0x88: {  	s2 =	sld [smem:$0x7FC]  }
0x89: {  	[sflag:s8] =	ssyncset.done $0x0  }
0x8a: {  	s21 =	rddreg [dreg:$0x13];
	[sflag:s8] =	ssyncadd.s32 $0xFFFFFFE0  }
0x8b: {  	[hbm4b:s21+s3] =	stream.linear.scatter [tilespmem:s2], [sflag:$0x3], $0x20, $0x38;
	[tilespmem:$0x10800] =	vst v63  }
0x8c: {  	_ =	swait.ge [sflag:s8], $0x20  }
0x8d: {  	s14 =	sld [smem:$0x7FD]  }
0x8e: {  	[sflag:s8] =	ssyncset.done $0x0  }
0x8f: {  	s9 =	rddreg [dreg:$0x14];
	[sflag:s8] =	ssyncadd.s32 $0xFFFFFFE0  }
0x90: {  	[hbm4b:s9+s3] =	stream.linear.scatter [tilespmem:s14], [sflag:$0x3], $0x20, $0x38;
	[tilespmem:$0x10800] =	vst v63  }
0x91: {  	_ =	swait.ge [sflag:s8], $0x20  }
0x92: {  	[sflag:s8] =	ssyncset.done $0x0  }
0x93: {  	[sflag:s8] =	ssyncadd.s32 $0xFFFFFFE0  }
0x94: {  	v4 =	vld [tilespmem:$0x0];
	_ =	sdelay $0x4  }
0x95: {  	v5 =	vshll.u32 v4, $0x3  }
0x96: {  	v4 =	vand.u32 $0x7, v4;
	v5 =	vand.u32 $0xFFFFFFC0, v5  }
0x97: {  	v4 =	vor.u32 v4, v5  }
0x98: {  	v5 =	vperm.xlane v4, v1;
	_ =	sdelay $0x1  }
0x99: {  	v5 =	vadd.s32 v2, v5;
	_ =	sdelay $0x4  }
0x9a: {  	[tilespmem:s25], [sflag:$0x1] =	stream.indirect_vreg.gather [hbm4b:s1+s3], $0x80, v5, vm0, $0xb8;
	[tilespmem:$0x10800] =	vst v63  }
0x9b: {  	s21 =	simm.s32 $0x1000;
	v4 =	vperm.xlane v4, v3  }
0x9c: {  	[tilespmem:s21], [sflag:$0x1] =	stream.indirect_vreg.gather [hbm4b:s4+s3], $0x80, v5, vm0, $0xb8;
	[tilespmem:$0x10800] =	vst v63  }
0x9d: {  	v4 =	vadd.s32 v2, v4  }
0x9e: {  	[tilespmem:s22], [sflag:$0x1] =	stream.indirect_vreg.gather [hbm4b:s5+s3], $0x80, v5, vm0, $0xb8;
	[tilespmem:$0x10800] =	vst v63  }
0x9f: {  	_ = 	snop  }
0xa0: {  	[tilespmem:s23], [sflag:$0x1] =	stream.indirect_vreg.gather [hbm4b:s6+s3], $0x80, v5, vm0, $0xb8;
	[tilespmem:$0x10800] =	vst v63  }
0xa1: {  	_ = 	snop  }
0xa2: {  	[tilespmem:s24], [sflag:$0x1] =	stream.indirect_vreg.gather [hbm4b:s1+s3], $0x80, v4, vm0, $0xb8;
	[tilespmem:$0x10800] =	vst v63  }
0xa3: {  	_ = 	snop  }
0xa4: {  	[tilespmem:s26], [sflag:$0x1] =	stream.indirect_vreg.gather [hbm4b:s4+s3], $0x80, v4, vm0, $0xb8;
	[tilespmem:$0x10800] =	vst v63  }
0xa5: {  	_ = 	snop  }
0xa6: {  	[tilespmem:s28], [sflag:$0x1] =	stream.indirect_vreg.gather [hbm4b:s5+s3], $0x80, v4, vm0, $0xb8;
	[tilespmem:$0x10800] =	vst v63  }
0xa7: {  	_ = 	snop  }
0xa8: {  	[tilespmem:s29], [sflag:$0x1] =	stream.indirect_vreg.gather [hbm4b:s6+s3], $0x80, v4, vm0, $0xb8;
	[tilespmem:$0x10800] =	vst v63  }
0xa9: {  	v4 =	vld [tilespmem:$0x10];
	_ =	sdelay $0x4  }
0xaa: {  	v5 =	vshll.u32 v4, $0x3  }
0xab: {  	v4 =	vand.u32 $0x7, v4;
	v5 =	vand.u32 $0xFFFFFFC0, v5  }
0xac: {  	v4 =	vor.u32 v4, v5  }
0xad: {  	v5 =	vperm.xlane v4, v1;
	_ =	sdelay $0x1  }
0xae: {  	v5 =	vadd.s32 v2, v5;
	_ =	sdelay $0x4  }
0xaf: {  	[tilespmem:s30], [sflag:$0x1] =	stream.indirect_vreg.gather [hbm4b:s1+s3], $0x80, v5, vm0, $0xb8;
	[tilespmem:$0x10800] =	vst v63  }
0xb0: {  	v4 =	vperm.xlane v4, v3  }
0xb1: {  	[tilespmem:s31], [sflag:$0x1] =	stream.indirect_vreg.gather [hbm4b:s4+s3], $0x80, v5, vm0, $0xb8;
	[tilespmem:$0x10800] =	vst v63  }
0xb2: {  	v4 =	vadd.s32 v2, v4  }
0xb3: {  	[tilespmem:s15], [sflag:$0x1] =	stream.indirect_vreg.gather [hbm4b:s5+s3], $0x80, v5, vm0, $0xb8;
	[tilespmem:$0x10800] =	vst v63  }
0xb4: {  	s9 =	simm.s32 $0x6000  }
0xb5: {  	[tilespmem:s9], [sflag:$0x1] =	stream.indirect_vreg.gather [hbm4b:s6+s3], $0x80, v5, vm0, $0xb8;
	[tilespmem:$0x10800] =	vst v63  }
0xb6: {  	_ = 	snop  }
0xb7: {  	[tilespmem:s10], [sflag:$0x1] =	stream.indirect_vreg.gather [hbm4b:s1+s3], $0x80, v4, vm0, $0xb8;
	[tilespmem:$0x10800] =	vst v63  }
0xb8: {  	_ = 	snop  }
0xb9: {  	[tilespmem:s11], [sflag:$0x1] =	stream.indirect_vreg.gather [hbm4b:s4+s3], $0x80, v4, vm0, $0xb8;
	[tilespmem:$0x10800] =	vst v63  }
0xba: {  	_ = 	snop  }
0xbb: {  	[tilespmem:s12], [sflag:$0x1] =	stream.indirect_vreg.gather [hbm4b:s5+s3], $0x80, v4, vm0, $0xb8;
	[tilespmem:$0x10800] =	vst v63  }
0xbc: {  	_ = 	snop  }
0xbd: {  	[tilespmem:s13], [sflag:$0x1] =	stream.indirect_vreg.gather [hbm4b:s6+s3], $0x80, v4, vm0, $0xb8;
	[tilespmem:$0x10800] =	vst v63  }
0xbe: {  	v4 =	vld [tilespmem:$0x80];
	_ =	sdelay $0x4  }
0xbf: {  	v5 =	vshll.u32 v4, $0x3  }
0xc0: {  	v4 =	vand.u32 $0x7, v4;
	v5 =	vand.u32 $0xFFFFFFC0, v5  }
0xc1: {  	v4 =	vor.u32 v4, v5  }
0xc2: {  	v5 =	vperm.xlane v4, v1;
	_ =	sdelay $0x1  }
0xc3: {  	v5 =	vadd.s32 v2, v5;
	_ =	sdelay $0x4  }
0xc4: {  	[tilespmem:s0], [sflag:$0x2] =	stream.indirect_vreg.gather [hbm4b:s1+s3], $0x80, v5, vm0, $0xb8;
	[tilespmem:$0x10800] =	vst v63  }
0xc5: {  	s14 =	simm.s32 $0x9000;
	v4 =	vperm.xlane v4, v3  }
0xc6: {  	[tilespmem:s14], [sflag:$0x2] =	stream.indirect_vreg.gather [hbm4b:s4+s3], $0x80, v5, vm0, $0xb8;
	[tilespmem:$0x10800] =	vst v63  }
0xc7: {  	s17 =	simm.s32 $0x9800;
	v4 =	vadd.s32 v2, v4  }
0xc8: {  	[tilespmem:s17], [sflag:$0x2] =	stream.indirect_vreg.gather [hbm4b:s5+s3], $0x80, v5, vm0, $0xb8;
	[tilespmem:$0x10800] =	vst v63  }
0xc9: {  	s18 =	simm.s32 $0xA000  }
0xca: {  	[tilespmem:s18], [sflag:$0x2] =	stream.indirect_vreg.gather [hbm4b:s6+s3], $0x80, v5, vm0, $0xb8;
	[tilespmem:$0x10800] =	vst v63  }
0xcb: {  	s20 =	simm.s32 $0xA800  }
0xcc: {  	[tilespmem:s20], [sflag:$0x2] =	stream.indirect_vreg.gather [hbm4b:s1+s3], $0x80, v4, vm0, $0xb8;
	[tilespmem:$0x10800] =	vst v63  }
0xcd: {  	s17 =	simm.s32 $0xB000  }
0xce: {  	[tilespmem:s17], [sflag:$0x2] =	stream.indirect_vreg.gather [hbm4b:s4+s3], $0x80, v4, vm0, $0xb8;
	[tilespmem:$0x10800] =	vst v63  }
0xcf: {  	s18 =	simm.s32 $0xB800  }
0xd0: {  	[tilespmem:s18], [sflag:$0x2] =	stream.indirect_vreg.gather [hbm4b:s5+s3], $0x80, v4, vm0, $0xb8;
	[tilespmem:$0x10800] =	vst v63  }
0xd1: {  	s14 =	simm.s32 $0xC000  }
0xd2: {  	[tilespmem:s14], [sflag:$0x2] =	stream.indirect_vreg.gather [hbm4b:s6+s3], $0x80, v4, vm0, $0xb8;
	[tilespmem:$0x10800] =	vst v63  }
0xd3: {  	v4 =	vld [tilespmem:$0x90];
	_ =	sdelay $0x4  }
0xd4: {  	v5 =	vshll.u32 v4, $0x3  }
0xd5: {  	v4 =	vand.u32 $0x7, v4;
	v5 =	vand.u32 $0xFFFFFFC0, v5  }
0xd6: {  	v4 =	vor.u32 v4, v5  }
0xd7: {  	v5 =	vperm.xlane v4, v1;
	_ =	sdelay $0x1  }
0xd8: {  	v5 =	vadd.s32 v2, v5;
	_ =	sdelay $0x3  }
0xd9: {  	s17 =	simm.s32 $0xC800  }
0xda: {  	[tilespmem:s17], [sflag:$0x2] =	stream.indirect_vreg.gather [hbm4b:s1+s3], $0x80, v5, vm0, $0xb8;
	[tilespmem:$0x10800] =	vst v63  }
0xdb: {  	s18 =	simm.s32 $0xD000;
	v4 =	vperm.xlane v4, v3  }
0xdc: {  	[tilespmem:s18], [sflag:$0x2] =	stream.indirect_vreg.gather [hbm4b:s4+s3], $0x80, v5, vm0, $0xb8;
	[tilespmem:$0x10800] =	vst v63  }
0xdd: {  	v4 =	vadd.s32 v2, v4;
	s18 =	simm.s32 $0xD800  }
0xde: {  	[tilespmem:s18], [sflag:$0x2] =	stream.indirect_vreg.gather [hbm4b:s5+s3], $0x80, v5, vm0, $0xb8;
	[tilespmem:$0x10800] =	vst v63  }
0xdf: {  	s18 =	simm.s32 $0xE000  }
0xe0: {  	[tilespmem:s18], [sflag:$0x2] =	stream.indirect_vreg.gather [hbm4b:s6+s3], $0x80, v5, vm0, $0xb8;
	[tilespmem:$0x10800] =	vst v63  }
0xe1: {  	s18 =	simm.s32 $0xE800  }
0xe2: {  	[tilespmem:s18], [sflag:$0x2] =	stream.indirect_vreg.gather [hbm4b:s1+s3], $0x80, v4, vm0, $0xb8;
	[tilespmem:$0x10800] =	vst v63  }
0xe3: {  	s18 =	simm.s32 $0xF000  }
0xe4: {  	[tilespmem:s18], [sflag:$0x2] =	stream.indirect_vreg.gather [hbm4b:s4+s3], $0x80, v4, vm0, $0xb8;
	[tilespmem:$0x10800] =	vst v63  }
0xe5: {  	s18 =	simm.s32 $0xF800  }
0xe6: {  	[tilespmem:s18], [sflag:$0x2] =	stream.indirect_vreg.gather [hbm4b:s5+s3], $0x80, v4, vm0, $0xb8;
	[tilespmem:$0x10800] =	vst v63  }
0xe7: {  	s18 =	simm.s32 $0x10000  }
0xe8: {  	[tilespmem:s18], [sflag:$0x2] =	stream.indirect_vreg.gather [hbm4b:s6+s3], $0x80, v4, vm0, $0xb8;
	[tilespmem:$0x10800] =	vst v63  }
0xe9: {  	_ =	swait.ge [sflag:s16], $0x8000  }
0xea: {  	[sflag:s16] =	ssyncset.done $0x0  }
0xeb: {  	s18 =	rddreg [dreg:$0x15];
	[sflag:s16] =	ssyncadd.s32 $0xFFFF8000  }
0xec: {  	[hbm4b:s18+s3] =	stream.linear.scatter [tilespmem:s25], [sflag:$0x3], $0x8000, $0x38;
	[tilespmem:$0x10800] =	vst v63  }
0xed: {  	_ =	swait.ge [sflag:s8], $0x8000  }
0xee: {  	[sflag:s8] =	ssyncset.done $0x0  }
0xef: {  	[sflag:s8] =	ssyncadd.s32 $0xFFFF8000  }
0xf0: {  	v4 =	vld [tilespmem:$0x100];
	_ =	sdelay $0x4  }
0xf1: {  	v5 =	vshll.u32 v4, $0x3  }
0xf2: {  	v4 =	vand.u32 $0x7, v4;
	v5 =	vand.u32 $0xFFFFFFC0, v5  }
0xf3: {  	v4 =	vor.u32 v4, v5  }
0xf4: {  	v5 =	vperm.xlane v4, v1;
	_ =	sdelay $0x1  }
0xf5: {  	v5 =	vadd.s32 v2, v5;
	_ =	sdelay $0x4  }
0xf6: {  	[tilespmem:s25], [sflag:$0x1] =	stream.indirect_vreg.gather [hbm4b:s1+s3], $0x80, v5, vm0, $0xb8;
	[tilespmem:$0x10800] =	vst v63  }
0xf7: {  	v4 =	vperm.xlane v4, v3  }
0xf8: {  	[tilespmem:s21], [sflag:$0x1] =	stream.indirect_vreg.gather [hbm4b:s4+s3], $0x80, v5, vm0, $0xb8;
	[tilespmem:$0x10800] =	vst v63  }
0xf9: {  	v4 =	vadd.s32 v2, v4  }
0xfa: {  	[tilespmem:s22], [sflag:$0x1] =	stream.indirect_vreg.gather [hbm4b:s5+s3], $0x80, v5, vm0, $0xb8;
	[tilespmem:$0x10800] =	vst v63  }
0xfb: {  	_ = 	snop  }
0xfc: {  	[tilespmem:s23], [sflag:$0x1] =	stream.indirect_vreg.gather [hbm4b:s6+s3], $0x80, v5, vm0, $0xb8;
	[tilespmem:$0x10800] =	vst v63  }
0xfd: {  	_ = 	snop  }
0xfe: {  	[tilespmem:s24], [sflag:$0x1] =	stream.indirect_vreg.gather [hbm4b:s1+s3], $0x80, v4, vm0, $0xb8;
	[tilespmem:$0x10800] =	vst v63  }
0xff: {  	_ = 	snop  }
0x100: {  	[tilespmem:s26], [sflag:$0x1] =	stream.indirect_vreg.gather [hbm4b:s4+s3], $0x80, v4, vm0, $0xb8;
	[tilespmem:$0x10800] =	vst v63  }
0x101: {  	_ = 	snop  }
0x102: {  	[tilespmem:s28], [sflag:$0x1] =	stream.indirect_vreg.gather [hbm4b:s5+s3], $0x80, v4, vm0, $0xb8;
	[tilespmem:$0x10800] =	vst v63  }
0x103: {  	_ = 	snop  }
0x104: {  	[tilespmem:s29], [sflag:$0x1] =	stream.indirect_vreg.gather [hbm4b:s6+s3], $0x80, v4, vm0, $0xb8;
	[tilespmem:$0x10800] =	vst v63  }
0x105: {  	v4 =	vld [tilespmem:$0x110];
	_ =	sdelay $0x4  }
0x106: {  	v5 =	vshll.u32 v4, $0x3  }
0x107: {  	v4 =	vand.u32 $0x7, v4;
	v5 =	vand.u32 $0xFFFFFFC0, v5  }
0x108: {  	v4 =	vor.u32 v4, v5  }
0x109: {  	v5 =	vperm.xlane v4, v1;
	_ =	sdelay $0x1  }
0x10a: {  	v5 =	vadd.s32 v2, v5;
	_ =	sdelay $0x4  }
0x10b: {  	[tilespmem:s30], [sflag:$0x1] =	stream.indirect_vreg.gather [hbm4b:s1+s3], $0x80, v5, vm0, $0xb8;
	[tilespmem:$0x10800] =	vst v63  }
0x10c: {  	v4 =	vperm.xlane v4, v3  }
0x10d: {  	[tilespmem:s31], [sflag:$0x1] =	stream.indirect_vreg.gather [hbm4b:s4+s3], $0x80, v5, vm0, $0xb8;
	[tilespmem:$0x10800] =	vst v63  }
0x10e: {  	v4 =	vadd.s32 v2, v4  }
0x10f: {  	[tilespmem:s15], [sflag:$0x1] =	stream.indirect_vreg.gather [hbm4b:s5+s3], $0x80, v5, vm0, $0xb8;
	[tilespmem:$0x10800] =	vst v63  }
0x110: {  	_ = 	snop  }
0x111: {  	[tilespmem:s9], [sflag:$0x1] =	stream.indirect_vreg.gather [hbm4b:s6+s3], $0x80, v5, vm0, $0xb8;
	[tilespmem:$0x10800] =	vst v63  }
0x112: {  	_ = 	snop  }
0x113: {  	[tilespmem:s10], [sflag:$0x1] =	stream.indirect_vreg.gather [hbm4b:s1+s3], $0x80, v4, vm0, $0xb8;
	[tilespmem:$0x10800] =	vst v63  }
0x114: {  	_ = 	snop  }
0x115: {  	[tilespmem:s11], [sflag:$0x1] =	stream.indirect_vreg.gather [hbm4b:s4+s3], $0x80, v4, vm0, $0xb8;
	[tilespmem:$0x10800] =	vst v63  }
0x116: {  	_ = 	snop  }
0x117: {  	[tilespmem:s12], [sflag:$0x1] =	stream.indirect_vreg.gather [hbm4b:s5+s3], $0x80, v4, vm0, $0xb8;
	[tilespmem:$0x10800] =	vst v63  }
0x118: {  	_ = 	snop  }
0x119: {  	[tilespmem:s13], [sflag:$0x1] =	stream.indirect_vreg.gather [hbm4b:s6+s3], $0x80, v4, vm0, $0xb8;
	[tilespmem:$0x10800] =	vst v63  }
0x11a: {  	_ =	swait.ge [sflag:s19], $0x8000  }
0x11b: {  	[sflag:s19] =	ssyncset.done $0x0  }
0x11c: {  	s18 =	rddreg [dreg:$0x16];
	[sflag:s19] =	ssyncadd.s32 $0xFFFF8000  }
0x11d: {  	[hbm4b:s18+s3] =	stream.linear.scatter [tilespmem:s0], [sflag:$0x3], $0x8000, $0x38;
	[tilespmem:$0x10800] =	vst v63  }
0x11e: {  	_ =	swait.ge [sflag:s8], $0x8000  }
0x11f: {  	[sflag:s8] =	ssyncset.done $0x0  }
0x120: {  	[sflag:s8] =	ssyncadd.s32 $0xFFFF8000  }
0x121: {  	v4 =	vld [tilespmem:$0x180];
	_ =	sdelay $0x4  }
0x122: {  	v5 =	vshll.u32 v4, $0x3  }
0x123: {  	v4 =	vand.u32 $0x7, v4;
	v5 =	vand.u32 $0xFFFFFFC0, v5  }
0x124: {  	v4 =	vor.u32 v4, v5  }
0x125: {  	v5 =	vperm.xlane v4, v1;
	_ =	sdelay $0x1  }
0x126: {  	v5 =	vadd.s32 v2, v5;
	_ =	sdelay $0x4  }
0x127: {  	[tilespmem:s0], [sflag:$0x2] =	stream.indirect_vreg.gather [hbm4b:s1+s3], $0x80, v5, vm0, $0xb8;
	[tilespmem:$0x10800] =	vst v63  }
0x128: {  	s2 =	simm.s32 $0x9000;
	v4 =	vperm.xlane v4, v3  }
0x129: {  	[tilespmem:s2], [sflag:$0x2] =	stream.indirect_vreg.gather [hbm4b:s4+s3], $0x80, v5, vm0, $0xb8;
	[tilespmem:$0x10800] =	vst v63  }
0x12a: {  	v4 =	vadd.s32 v2, v4;
	s2 =	simm.s32 $0x9800  }
0x12b: {  	[tilespmem:s2], [sflag:$0x2] =	stream.indirect_vreg.gather [hbm4b:s5+s3], $0x80, v5, vm0, $0xb8;
	[tilespmem:$0x10800] =	vst v63  }
0x12c: {  	s18 =	simm.s32 $0xA000  }
0x12d: {  	[tilespmem:s18], [sflag:$0x2] =	stream.indirect_vreg.gather [hbm4b:s6+s3], $0x80, v5, vm0, $0xb8;
	[tilespmem:$0x10800] =	vst v63  }
0x12e: {  	s20 =	simm.s32 $0xA800  }
0x12f: {  	[tilespmem:s20], [sflag:$0x2] =	stream.indirect_vreg.gather [hbm4b:s1+s3], $0x80, v4, vm0, $0xb8;
	[tilespmem:$0x10800] =	vst v63  }
0x130: {  	s20 =	simm.s32 $0xB000  }
0x131: {  	[tilespmem:s20], [sflag:$0x2] =	stream.indirect_vreg.gather [hbm4b:s4+s3], $0x80, v4, vm0, $0xb8;
	[tilespmem:$0x10800] =	vst v63  }
0x132: {  	s20 =	simm.s32 $0xB800  }
0x133: {  	[tilespmem:s20], [sflag:$0x2] =	stream.indirect_vreg.gather [hbm4b:s5+s3], $0x80, v4, vm0, $0xb8;
	[tilespmem:$0x10800] =	vst v63  }
0x134: {  	s14 =	simm.s32 $0xC000  }
0x135: {  	[tilespmem:s14], [sflag:$0x2] =	stream.indirect_vreg.gather [hbm4b:s6+s3], $0x80, v4, vm0, $0xb8;
	[tilespmem:$0x10800] =	vst v63  }
0x136: {  	v4 =	vld [tilespmem:$0x190];
	_ =	sdelay $0x4  }
0x137: {  	v5 =	vshll.u32 v4, $0x3  }
0x138: {  	v4 =	vand.u32 $0x7, v4;
	v5 =	vand.u32 $0xFFFFFFC0, v5  }
0x139: {  	v4 =	vor.u32 v4, v5  }
0x13a: {  	v5 =	vperm.xlane v4, v1;
	_ =	sdelay $0x1  }
0x13b: {  	v5 =	vadd.s32 v2, v5;
	_ =	sdelay $0x3  }
0x13c: {  	s17 =	simm.s32 $0xC800  }
0x13d: {  	[tilespmem:s17], [sflag:$0x2] =	stream.indirect_vreg.gather [hbm4b:s1+s3], $0x80, v5, vm0, $0xb8;
	[tilespmem:$0x10800] =	vst v63  }
0x13e: {  	s20 =	simm.s32 $0xD000;
	v4 =	vperm.xlane v4, v3  }
0x13f: {  	[tilespmem:s20], [sflag:$0x2] =	stream.indirect_vreg.gather [hbm4b:s4+s3], $0x80, v5, vm0, $0xb8;
	[tilespmem:$0x10800] =	vst v63  }
0x140: {  	v4 =	vadd.s32 v2, v4;
	s17 =	simm.s32 $0xD800  }
0x141: {  	[tilespmem:s17], [sflag:$0x2] =	stream.indirect_vreg.gather [hbm4b:s5+s3], $0x80, v5, vm0, $0xb8;
	[tilespmem:$0x10800] =	vst v63  }
0x142: {  	s20 =	simm.s32 $0xE000  }
0x143: {  	[tilespmem:s20], [sflag:$0x2] =	stream.indirect_vreg.gather [hbm4b:s6+s3], $0x80, v5, vm0, $0xb8;
	[tilespmem:$0x10800] =	vst v63  }
0x144: {  	s17 =	simm.s32 $0xE800  }
0x145: {  	[tilespmem:s17], [sflag:$0x2] =	stream.indirect_vreg.gather [hbm4b:s1+s3], $0x80, v4, vm0, $0xb8;
	[tilespmem:$0x10800] =	vst v63  }
0x146: {  	s20 =	simm.s32 $0xF000  }
0x147: {  	[tilespmem:s20], [sflag:$0x2] =	stream.indirect_vreg.gather [hbm4b:s4+s3], $0x80, v4, vm0, $0xb8;
	[tilespmem:$0x10800] =	vst v63  }
0x148: {  	s17 =	simm.s32 $0xF800  }
0x149: {  	[tilespmem:s17], [sflag:$0x2] =	stream.indirect_vreg.gather [hbm4b:s5+s3], $0x80, v4, vm0, $0xb8;
	[tilespmem:$0x10800] =	vst v63  }
0x14a: {  	s20 =	simm.s32 $0x10000  }
0x14b: {  	[tilespmem:s20], [sflag:$0x2] =	stream.indirect_vreg.gather [hbm4b:s6+s3], $0x80, v4, vm0, $0xb8;
	[tilespmem:$0x10800] =	vst v63  }
0x14c: {  	_ =	swait.ge [sflag:s16], $0x8000  }
0x14d: {  	[sflag:s16] =	ssyncset.done $0x0  }
0x14e: {  	s17 =	rddreg [dreg:$0x17];
	[sflag:s16] =	ssyncadd.s32 $0xFFFF8000  }
0x14f: {  	[hbm4b:s17+s3] =	stream.linear.scatter [tilespmem:s25], [sflag:$0x3], $0x8000, $0x38;
	[tilespmem:$0x10800] =	vst v63  }
0x150: {  	_ =	swait.ge [sflag:s8], $0x8000  }
0x151: {  	[sflag:s8] =	ssyncset.done $0x0  }
0x152: {  	[sflag:s8] =	ssyncadd.s32 $0xFFFF8000  }
0x153: {  	v4 =	vld [tilespmem:$0x200];
	_ =	sdelay $0x4  }
0x154: {  	v5 =	vshll.u32 v4, $0x3  }
0x155: {  	v4 =	vand.u32 $0x7, v4;
	v5 =	vand.u32 $0xFFFFFFC0, v5  }
0x156: {  	v4 =	vor.u32 v4, v5  }
0x157: {  	v5 =	vperm.xlane v4, v1;
	_ =	sdelay $0x1  }
0x158: {  	v5 =	vadd.s32 v2, v5;
	_ =	sdelay $0x4  }
0x159: {  	[tilespmem:s25], [sflag:$0x1] =	stream.indirect_vreg.gather [hbm4b:s1+s3], $0x80, v5, vm0, $0xb8;
	[tilespmem:$0x10800] =	vst v63  }
0x15a: {  	v4 =	vperm.xlane v4, v3  }
0x15b: {  	[tilespmem:s21], [sflag:$0x1] =	stream.indirect_vreg.gather [hbm4b:s4+s3], $0x80, v5, vm0, $0xb8;
	[tilespmem:$0x10800] =	vst v63  }
0x15c: {  	v4 =	vadd.s32 v2, v4  }
0x15d: {  	[tilespmem:s22], [sflag:$0x1] =	stream.indirect_vreg.gather [hbm4b:s5+s3], $0x80, v5, vm0, $0xb8;
	[tilespmem:$0x10800] =	vst v63  }
0x15e: {  	_ = 	snop  }
0x15f: {  	[tilespmem:s23], [sflag:$0x1] =	stream.indirect_vreg.gather [hbm4b:s6+s3], $0x80, v5, vm0, $0xb8;
	[tilespmem:$0x10800] =	vst v63  }
0x160: {  	_ = 	snop  }
0x161: {  	[tilespmem:s24], [sflag:$0x1] =	stream.indirect_vreg.gather [hbm4b:s1+s3], $0x80, v4, vm0, $0xb8;
	[tilespmem:$0x10800] =	vst v63  }
0x162: {  	_ = 	snop  }
0x163: {  	[tilespmem:s26], [sflag:$0x1] =	stream.indirect_vreg.gather [hbm4b:s4+s3], $0x80, v4, vm0, $0xb8;
	[tilespmem:$0x10800] =	vst v63  }
0x164: {  	_ = 	snop  }
0x165: {  	[tilespmem:s28], [sflag:$0x1] =	stream.indirect_vreg.gather [hbm4b:s5+s3], $0x80, v4, vm0, $0xb8;
	[tilespmem:$0x10800] =	vst v63  }
0x166: {  	_ = 	snop  }
0x167: {  	[tilespmem:s29], [sflag:$0x1] =	stream.indirect_vreg.gather [hbm4b:s6+s3], $0x80, v4, vm0, $0xb8;
	[tilespmem:$0x10800] =	vst v63  }
0x168: {  	v4 =	vld [tilespmem:$0x210];
	_ =	sdelay $0x4  }
0x169: {  	v5 =	vshll.u32 v4, $0x3  }
0x16a: {  	v4 =	vand.u32 $0x7, v4;
	v5 =	vand.u32 $0xFFFFFFC0, v5  }
0x16b: {  	v4 =	vor.u32 v4, v5  }
0x16c: {  	v5 =	vperm.xlane v4, v1;
	_ =	sdelay $0x1  }
0x16d: {  	v5 =	vadd.s32 v2, v5;
	_ =	sdelay $0x4  }
0x16e: {  	[tilespmem:s30], [sflag:$0x1] =	stream.indirect_vreg.gather [hbm4b:s1+s3], $0x80, v5, vm0, $0xb8;
	[tilespmem:$0x10800] =	vst v63  }
0x16f: {  	v4 =	vperm.xlane v4, v3  }
0x170: {  	[tilespmem:s31], [sflag:$0x1] =	stream.indirect_vreg.gather [hbm4b:s4+s3], $0x80, v5, vm0, $0xb8;
	[tilespmem:$0x10800] =	vst v63  }
0x171: {  	v4 =	vadd.s32 v2, v4  }
0x172: {  	[tilespmem:s15], [sflag:$0x1] =	stream.indirect_vreg.gather [hbm4b:s5+s3], $0x80, v5, vm0, $0xb8;
	[tilespmem:$0x10800] =	vst v63  }
0x173: {  	_ = 	snop  }
0x174: {  	[tilespmem:s9], [sflag:$0x1] =	stream.indirect_vreg.gather [hbm4b:s6+s3], $0x80, v5, vm0, $0xb8;
	[tilespmem:$0x10800] =	vst v63  }
0x175: {  	_ = 	snop  }
0x176: {  	[tilespmem:s10], [sflag:$0x1] =	stream.indirect_vreg.gather [hbm4b:s1+s3], $0x80, v4, vm0, $0xb8;
	[tilespmem:$0x10800] =	vst v63  }
0x177: {  	_ = 	snop  }
0x178: {  	[tilespmem:s11], [sflag:$0x1] =	stream.indirect_vreg.gather [hbm4b:s4+s3], $0x80, v4, vm0, $0xb8;
	[tilespmem:$0x10800] =	vst v63  }
0x179: {  	_ = 	snop  }
0x17a: {  	[tilespmem:s12], [sflag:$0x1] =	stream.indirect_vreg.gather [hbm4b:s5+s3], $0x80, v4, vm0, $0xb8;
	[tilespmem:$0x10800] =	vst v63  }
0x17b: {  	_ = 	snop  }
0x17c: {  	[tilespmem:s13], [sflag:$0x1] =	stream.indirect_vreg.gather [hbm4b:s6+s3], $0x80, v4, vm0, $0xb8;
	[tilespmem:$0x10800] =	vst v63  }
0x17d: {  	_ =	swait.ge [sflag:s19], $0x8000  }
0x17e: {  	[sflag:s19] =	ssyncset.done $0x0  }
0x17f: {  	s14 =	rddreg [dreg:$0x18];
	[sflag:s19] =	ssyncadd.s32 $0xFFFF8000  }
0x180: {  	[hbm4b:s14+s3] =	stream.linear.scatter [tilespmem:s0], [sflag:$0x3], $0x8000, $0x38;
	[tilespmem:$0x10800] =	vst v63  }
0x181: {  	_ =	swait.ge [sflag:s8], $0x8000  }
0x182: {  	[sflag:s8] =	ssyncset.done $0x0  }
0x183: {  	[sflag:s8] =	ssyncadd.s32 $0xFFFF8000  }
0x184: {  	v4 =	vld [tilespmem:$0x280];
	_ =	sdelay $0x4  }
0x185: {  	v5 =	vshll.u32 v4, $0x3  }
0x186: {  	v4 =	vand.u32 $0x7, v4;
	v5 =	vand.u32 $0xFFFFFFC0, v5  }
0x187: {  	v4 =	vor.u32 v4, v5  }
0x188: {  	v5 =	vperm.xlane v4, v1;
	_ =	sdelay $0x1  }
0x189: {  	v5 =	vadd.s32 v2, v5;
	_ =	sdelay $0x4  }
0x18a: {  	[tilespmem:s0], [sflag:$0x2] =	stream.indirect_vreg.gather [hbm4b:s1+s3], $0x80, v5, vm0, $0xb8;
	[tilespmem:$0x10800] =	vst v63  }
0x18b: {  	s17 =	simm.s32 $0x9000;
	v4 =	vperm.xlane v4, v3  }
0x18c: {  	[tilespmem:s17], [sflag:$0x2] =	stream.indirect_vreg.gather [hbm4b:s4+s3], $0x80, v5, vm0, $0xb8;
	[tilespmem:$0x10800] =	vst v63  }
0x18d: {  	v4 =	vadd.s32 v2, v4  }
0x18e: {  	[tilespmem:s2], [sflag:$0x2] =	stream.indirect_vreg.gather [hbm4b:s5+s3], $0x80, v5, vm0, $0xb8;
	[tilespmem:$0x10800] =	vst v63  }
0x18f: {  	_ = 	snop  }
0x190: {  	[tilespmem:s18], [sflag:$0x2] =	stream.indirect_vreg.gather [hbm4b:s6+s3], $0x80, v5, vm0, $0xb8;
	[tilespmem:$0x10800] =	vst v63  }
0x191: {  	s20 =	simm.s32 $0xA800  }
0x192: {  	[tilespmem:s20], [sflag:$0x2] =	stream.indirect_vreg.gather [hbm4b:s1+s3], $0x80, v4, vm0, $0xb8;
	[tilespmem:$0x10800] =	vst v63  }
0x193: {  	s17 =	simm.s32 $0xB000  }
0x194: {  	[tilespmem:s17], [sflag:$0x2] =	stream.indirect_vreg.gather [hbm4b:s4+s3], $0x80, v4, vm0, $0xb8;
	[tilespmem:$0x10800] =	vst v63  }
0x195: {  	s20 =	simm.s32 $0xB800  }
0x196: {  	[tilespmem:s20], [sflag:$0x2] =	stream.indirect_vreg.gather [hbm4b:s5+s3], $0x80, v4, vm0, $0xb8;
	[tilespmem:$0x10800] =	vst v63  }
0x197: {  	s20 =	simm.s32 $0xC000  }
0x198: {  	[tilespmem:s20], [sflag:$0x2] =	stream.indirect_vreg.gather [hbm4b:s6+s3], $0x80, v4, vm0, $0xb8;
	[tilespmem:$0x10800] =	vst v63  }
0x199: {  	v4 =	vld [tilespmem:$0x290];
	_ =	sdelay $0x4  }
0x19a: {  	v5 =	vshll.u32 v4, $0x3  }
0x19b: {  	v4 =	vand.u32 $0x7, v4;
	v5 =	vand.u32 $0xFFFFFFC0, v5  }
0x19c: {  	v4 =	vor.u32 v4, v5  }
0x19d: {  	v5 =	vperm.xlane v4, v1;
	_ =	sdelay $0x1  }
0x19e: {  	v5 =	vadd.s32 v2, v5;
	_ =	sdelay $0x3  }
0x19f: {  	s20 =	simm.s32 $0xC800  }
0x1a0: {  	[tilespmem:s20], [sflag:$0x2] =	stream.indirect_vreg.gather [hbm4b:s1+s3], $0x80, v5, vm0, $0xb8;
	[tilespmem:$0x10800] =	vst v63  }
0x1a1: {  	v4 =	vperm.xlane v4, v3;
	s20 =	simm.s32 $0xD000  }
0x1a2: {  	[tilespmem:s20], [sflag:$0x2] =	stream.indirect_vreg.gather [hbm4b:s4+s3], $0x80, v5, vm0, $0xb8;
	[tilespmem:$0x10800] =	vst v63  }
0x1a3: {  	v4 =	vadd.s32 v2, v4;
	s20 =	simm.s32 $0xD800  }
0x1a4: {  	[tilespmem:s20], [sflag:$0x2] =	stream.indirect_vreg.gather [hbm4b:s5+s3], $0x80, v5, vm0, $0xb8;
	[tilespmem:$0x10800] =	vst v63  }
0x1a5: {  	s20 =	simm.s32 $0xE000  }
0x1a6: {  	[tilespmem:s20], [sflag:$0x2] =	stream.indirect_vreg.gather [hbm4b:s6+s3], $0x80, v5, vm0, $0xb8;
	[tilespmem:$0x10800] =	vst v63  }
0x1a7: {  	s20 =	simm.s32 $0xE800  }
0x1a8: {  	[tilespmem:s20], [sflag:$0x2] =	stream.indirect_vreg.gather [hbm4b:s1+s3], $0x80, v4, vm0, $0xb8;
	[tilespmem:$0x10800] =	vst v63  }
0x1a9: {  	s20 =	simm.s32 $0xF000  }
0x1aa: {  	[tilespmem:s20], [sflag:$0x2] =	stream.indirect_vreg.gather [hbm4b:s4+s3], $0x80, v4, vm0, $0xb8;
	[tilespmem:$0x10800] =	vst v63  }
0x1ab: {  	s20 =	simm.s32 $0xF800  }
0x1ac: {  	[tilespmem:s20], [sflag:$0x2] =	stream.indirect_vreg.gather [hbm4b:s5+s3], $0x80, v4, vm0, $0xb8;
	[tilespmem:$0x10800] =	vst v63  }
0x1ad: {  	s20 =	simm.s32 $0x10000  }
0x1ae: {  	[tilespmem:s20], [sflag:$0x2] =	stream.indirect_vreg.gather [hbm4b:s6+s3], $0x80, v4, vm0, $0xb8;
	[tilespmem:$0x10800] =	vst v63  }
0x1af: {  	_ =	swait.ge [sflag:s16], $0x8000  }
0x1b0: {  	[sflag:s16] =	ssyncset.done $0x0  }
0x1b1: {  	s20 =	rddreg [dreg:$0x19];
	[sflag:s16] =	ssyncadd.s32 $0xFFFF8000  }
0x1b2: {  	[hbm4b:s20+s3] =	stream.linear.scatter [tilespmem:s25], [sflag:$0x3], $0x8000, $0x38;
	[tilespmem:$0x10800] =	vst v63  }
0x1b3: {  	_ =	swait.ge [sflag:s8], $0x8000  }
0x1b4: {  	[sflag:s8] =	ssyncset.done $0x0  }
0x1b5: {  	[sflag:s8] =	ssyncadd.s32 $0xFFFF8000  }
0x1b6: {  	v4 =	vld [tilespmem:$0x300];
	_ =	sdelay $0x4  }
0x1b7: {  	v5 =	vshll.u32 v4, $0x3  }
0x1b8: {  	v4 =	vand.u32 $0x7, v4;
	v5 =	vand.u32 $0xFFFFFFC0, v5  }
0x1b9: {  	v4 =	vor.u32 v4, v5  }
0x1ba: {  	v5 =	vperm.xlane v4, v1;
	_ =	sdelay $0x1  }
0x1bb: {  	v5 =	vadd.s32 v2, v5;
	_ =	sdelay $0x4  }
0x1bc: {  	[tilespmem:s25], [sflag:$0x1] =	stream.indirect_vreg.gather [hbm4b:s1+s3], $0x80, v5, vm0, $0xb8;
	[tilespmem:$0x10800] =	vst v63  }
0x1bd: {  	v4 =	vperm.xlane v4, v3  }
0x1be: {  	[tilespmem:s21], [sflag:$0x1] =	stream.indirect_vreg.gather [hbm4b:s4+s3], $0x80, v5, vm0, $0xb8;
	[tilespmem:$0x10800] =	vst v63  }
0x1bf: {  	v4 =	vadd.s32 v2, v4  }
0x1c0: {  	[tilespmem:s22], [sflag:$0x1] =	stream.indirect_vreg.gather [hbm4b:s5+s3], $0x80, v5, vm0, $0xb8;
	[tilespmem:$0x10800] =	vst v63  }
0x1c1: {  	_ = 	snop  }
0x1c2: {  	[tilespmem:s23], [sflag:$0x1] =	stream.indirect_vreg.gather [hbm4b:s6+s3], $0x80, v5, vm0, $0xb8;
	[tilespmem:$0x10800] =	vst v63  }
0x1c3: {  	_ = 	snop  }
0x1c4: {  	[tilespmem:s24], [sflag:$0x1] =	stream.indirect_vreg.gather [hbm4b:s1+s3], $0x80, v4, vm0, $0xb8;
	[tilespmem:$0x10800] =	vst v63  }
0x1c5: {  	_ = 	snop  }
0x1c6: {  	[tilespmem:s26], [sflag:$0x1] =	stream.indirect_vreg.gather [hbm4b:s4+s3], $0x80, v4, vm0, $0xb8;
	[tilespmem:$0x10800] =	vst v63  }
0x1c7: {  	_ = 	snop  }
0x1c8: {  	[tilespmem:s28], [sflag:$0x1] =	stream.indirect_vreg.gather [hbm4b:s5+s3], $0x80, v4, vm0, $0xb8;
	[tilespmem:$0x10800] =	vst v63  }
0x1c9: {  	_ = 	snop  }
0x1ca: {  	[tilespmem:s29], [sflag:$0x1] =	stream.indirect_vreg.gather [hbm4b:s6+s3], $0x80, v4, vm0, $0xb8;
	[tilespmem:$0x10800] =	vst v63  }
0x1cb: {  	v4 =	vld [tilespmem:$0x310];
	_ =	sdelay $0x4  }
0x1cc: {  	v5 =	vshll.u32 v4, $0x3  }
0x1cd: {  	v4 =	vand.u32 $0x7, v4;
	v5 =	vand.u32 $0xFFFFFFC0, v5  }
0x1ce: {  	v4 =	vor.u32 v4, v5  }
0x1cf: {  	v5 =	vperm.xlane v4, v1;
	_ =	sdelay $0x1  }
0x1d0: {  	v5 =	vadd.s32 v2, v5;
	_ =	sdelay $0x4  }
0x1d1: {  	[tilespmem:s30], [sflag:$0x1] =	stream.indirect_vreg.gather [hbm4b:s1+s3], $0x80, v5, vm0, $0xb8;
	[tilespmem:$0x10800] =	vst v63  }
0x1d2: {  	v4 =	vperm.xlane v4, v3  }
0x1d3: {  	[tilespmem:s31], [sflag:$0x1] =	stream.indirect_vreg.gather [hbm4b:s4+s3], $0x80, v5, vm0, $0xb8;
	[tilespmem:$0x10800] =	vst v63  }
0x1d4: {  	v4 =	vadd.s32 v2, v4  }
0x1d5: {  	[tilespmem:s15], [sflag:$0x1] =	stream.indirect_vreg.gather [hbm4b:s5+s3], $0x80, v5, vm0, $0xb8;
	[tilespmem:$0x10800] =	vst v63  }
0x1d6: {  	_ = 	snop  }
0x1d7: {  	[tilespmem:s9], [sflag:$0x1] =	stream.indirect_vreg.gather [hbm4b:s6+s3], $0x80, v5, vm0, $0xb8;
	[tilespmem:$0x10800] =	vst v63  }
0x1d8: {  	_ = 	snop  }
0x1d9: {  	[tilespmem:s10], [sflag:$0x1] =	stream.indirect_vreg.gather [hbm4b:s1+s3], $0x80, v4, vm0, $0xb8;
	[tilespmem:$0x10800] =	vst v63  }
0x1da: {  	_ = 	snop  }
0x1db: {  	[tilespmem:s11], [sflag:$0x1] =	stream.indirect_vreg.gather [hbm4b:s4+s3], $0x80, v4, vm0, $0xb8;
	[tilespmem:$0x10800] =	vst v63  }
0x1dc: {  	_ = 	snop  }
0x1dd: {  	[tilespmem:s12], [sflag:$0x1] =	stream.indirect_vreg.gather [hbm4b:s5+s3], $0x80, v4, vm0, $0xb8;
	[tilespmem:$0x10800] =	vst v63  }
0x1de: {  	_ = 	snop  }
0x1df: {  	[tilespmem:s13], [sflag:$0x1] =	stream.indirect_vreg.gather [hbm4b:s6+s3], $0x80, v4, vm0, $0xb8;
	[tilespmem:$0x10800] =	vst v63  }
0x1e0: {  	_ =	swait.ge [sflag:s19], $0x8000  }
0x1e1: {  	[sflag:s19] =	ssyncset.done $0x0  }
0x1e2: {  	s9 =	rddreg [dreg:$0x1a];
	[sflag:s19] =	ssyncadd.s32 $0xFFFF8000  }
0x1e3: {  	[hbm4b:s9+s3] =	stream.linear.scatter [tilespmem:s0], [sflag:$0x3], $0x8000, $0x38;
	[tilespmem:$0x10800] =	vst v63  }
0x1e4: {  	_ =	swait.ge [sflag:s8], $0x8000  }
0x1e5: {  	[sflag:s8] =	ssyncset.done $0x0  }
0x1e6: {  	[sflag:s8] =	ssyncadd.s32 $0xFFFF8000  }
0x1e7: {  	v4 =	vld [tilespmem:$0x380];
	_ =	sdelay $0x4  }
0x1e8: {  	v5 =	vshll.u32 v4, $0x3  }
0x1e9: {  	v4 =	vand.u32 $0x7, v4;
	v5 =	vand.u32 $0xFFFFFFC0, v5  }
0x1ea: {  	v4 =	vor.u32 v4, v5  }
0x1eb: {  	v5 =	vperm.xlane v4, v1;
	_ =	sdelay $0x1  }
0x1ec: {  	v5 =	vadd.s32 v2, v5;
	_ =	sdelay $0x4  }
0x1ed: {  	[tilespmem:s0], [sflag:$0x2] =	stream.indirect_vreg.gather [hbm4b:s1+s3], $0x80, v5, vm0, $0xb8;
	[tilespmem:$0x10800] =	vst v63  }
0x1ee: {  	s20 =	simm.s32 $0x9000;
	v4 =	vperm.xlane v4, v3  }
0x1ef: {  	[tilespmem:s20], [sflag:$0x2] =	stream.indirect_vreg.gather [hbm4b:s4+s3], $0x80, v5, vm0, $0xb8;
	[tilespmem:$0x10800] =	vst v63  }
0x1f0: {  	s2 =	simm.s32 $0x9800;
	v4 =	vadd.s32 v2, v4  }
0x1f1: {  	[tilespmem:s2], [sflag:$0x2] =	stream.indirect_vreg.gather [hbm4b:s5+s3], $0x80, v5, vm0, $0xb8;
	[tilespmem:$0x10800] =	vst v63  }
0x1f2: {  	s18 =	simm.s32 $0xA000  }
0x1f3: {  	[tilespmem:s18], [sflag:$0x2] =	stream.indirect_vreg.gather [hbm4b:s6+s3], $0x80, v5, vm0, $0xb8;
	[tilespmem:$0x10800] =	vst v63  }
0x1f4: {  	s21 =	simm.s32 $0xA800  }
0x1f5: {  	[tilespmem:s21], [sflag:$0x2] =	stream.indirect_vreg.gather [hbm4b:s1+s3], $0x80, v4, vm0, $0xb8;
	[tilespmem:$0x10800] =	vst v63  }
0x1f6: {  	s14 =	simm.s32 $0xB000  }
0x1f7: {  	[tilespmem:s14], [sflag:$0x2] =	stream.indirect_vreg.gather [hbm4b:s4+s3], $0x80, v4, vm0, $0xb8;
	[tilespmem:$0x10800] =	vst v63  }
0x1f8: {  	s17 =	simm.s32 $0xB800  }
0x1f9: {  	[tilespmem:s17], [sflag:$0x2] =	stream.indirect_vreg.gather [hbm4b:s5+s3], $0x80, v4, vm0, $0xb8;
	[tilespmem:$0x10800] =	vst v63  }
0x1fa: {  	s9 =	simm.s32 $0xC000  }
0x1fb: {  	[tilespmem:s9], [sflag:$0x2] =	stream.indirect_vreg.gather [hbm4b:s6+s3], $0x80, v4, vm0, $0xb8;
	[tilespmem:$0x10800] =	vst v63  }
0x1fc: {  	v4 =	vld [tilespmem:$0x390];
	_ =	sdelay $0x4  }
0x1fd: {  	v5 =	vshll.u32 v4, $0x3  }
0x1fe: {  	v4 =	vand.u32 $0x7, v4;
	v5 =	vand.u32 $0xFFFFFFC0, v5  }
0x1ff: {  	v4 =	vor.u32 v4, v5  }
0x200: {  	v5 =	vperm.xlane v4, v1;
	_ =	sdelay $0x1  }
0x201: {  	v5 =	vadd.s32 v2, v5;
	_ =	sdelay $0x3  }
0x202: {  	s14 =	simm.s32 $0xC800  }
0x203: {  	[tilespmem:s14], [sflag:$0x2] =	stream.indirect_vreg.gather [hbm4b:s1+s3], $0x80, v5, vm0, $0xb8;
	[tilespmem:$0x10800] =	vst v63  }
0x204: {  	s17 =	simm.s32 $0xD000;
	v4 =	vperm.xlane v4, v3  }
0x205: {  	[tilespmem:s17], [sflag:$0x2] =	stream.indirect_vreg.gather [hbm4b:s4+s3], $0x80, v5, vm0, $0xb8;
	[tilespmem:$0x10800] =	vst v63  }
0x206: {  	s18 =	simm.s32 $0xD800;
	v4 =	vadd.s32 v2, v4  }
0x207: {  	[tilespmem:s18], [sflag:$0x2] =	stream.indirect_vreg.gather [hbm4b:s5+s3], $0x80, v5, vm0, $0xb8;
	[tilespmem:$0x10800] =	vst v63  }
0x208: {  	s20 =	simm.s32 $0xE000  }
0x209: {  	[tilespmem:s20], [sflag:$0x2] =	stream.indirect_vreg.gather [hbm4b:s6+s3], $0x80, v5, vm0, $0xb8;
	[tilespmem:$0x10800] =	vst v63  }
0x20a: {  	s21 =	simm.s32 $0xE800  }
0x20b: {  	[tilespmem:s21], [sflag:$0x2] =	stream.indirect_vreg.gather [hbm4b:s1+s3], $0x80, v4, vm0, $0xb8;
	[tilespmem:$0x10800] =	vst v63  }
0x20c: {  	s9 =	simm.s32 $0xF000  }
0x20d: {  	[tilespmem:s9], [sflag:$0x2] =	stream.indirect_vreg.gather [hbm4b:s4+s3], $0x80, v4, vm0, $0xb8;
	[tilespmem:$0x10800] =	vst v63  }
0x20e: {  	s14 =	simm.s32 $0xF800  }
0x20f: {  	[tilespmem:s14], [sflag:$0x2] =	stream.indirect_vreg.gather [hbm4b:s5+s3], $0x80, v4, vm0, $0xb8;
	[tilespmem:$0x10800] =	vst v63  }
0x210: {  	s17 =	simm.s32 $0x10000  }
0x211: {  	[tilespmem:s17], [sflag:$0x2] =	stream.indirect_vreg.gather [hbm4b:s6+s3], $0x80, v4, vm0, $0xb8;
	[tilespmem:$0x10800] =	vst v63  }
0x212: {  	_ =	swait.ge [sflag:s16], $0x8000  }
0x213: {  	[sflag:s16] =	ssyncset.done $0x0  }
0x214: {  	s18 =	rddreg [dreg:$0x1b];
	[sflag:s16] =	ssyncadd.s32 $0xFFFF8000  }
0x215: {  	[hbm4b:s18+s3] =	stream.linear.scatter [tilespmem:s25], [sflag:$0x3], $0x8000, $0x38;
	[tilespmem:$0x10800] =	vst v63  }
0x216: {  	_ =	swait.ge [sflag:s8], $0x8000  }
0x217: {  	[sflag:s8] =	ssyncset.done $0x0  }
0x218: {  	[sflag:s8] =	ssyncadd.s32 $0xFFFF8000  }
0x219: {  	_ =	swait.ge [sflag:s19], $0x8000  }
0x21a: {  	p0 =	sne.s32 s7, $0x1;
	[sflag:s19] =	ssyncset.done $0x0  }
.Ltmp0:
0x21b: {  	s21 =	rddreg [dreg:$0x1c];
	[sflag:s19] =	ssyncadd.s32 $0xFFFF8000;
	(pc) =	sbr.rel @p0 .LBB2_1-.Ltmp0, $4  }
0x21c: {  	[hbm4b:s21+s3] =	stream.linear.scatter [tilespmem:s0], [sflag:$0x3], $0x8000, $0x38;
	[tilespmem:$0x10800] =	vst v63  }
0x21d: {  	_ =	swait.ge [sflag:s8], $0x8000  }
0x21e: {  	[sflag:s8] =	ssyncset.done $0x0  }
0x21f: {  	s7 =	sadd.s32 $0xFFFFFFFF, s7;
	[sflag:s8] =	ssyncadd.s32 $0xFFFF8000  }
0x220: {  	_ =	sfence.sel $0x180000  }
0x221: {  	[bflag:$0x0] =	sbarrier.arrive $0xFFFF  }
0x222: {  	_ =	strace $0x9000004A  }
0x223: {  	s0 =	stileid.u32;
	[bflag:$0x2] =	sbarrier.arrive $0xFFFF  }
0x224: {  	p0 =	sne.s32 s0, $0x0;
	s0 =	rddreg [dreg:$0x4]  }
0x225: {  	s0 =	sadd.s32 @!p0 $0x100000, s0  }
0x226: {  	[sflag:s0] =	ssyncadd.tile.s32 @!p0 $0x1;
	_ =	shalt  }
.Lfunc_end2:
_tile_overlayer_lowered:
.L_overlay_start_2:
0x227: {  	(tag) =	ssettag $0x2  }
0x228: {  	s0 =	rddreg [dreg:$0x0];
	s2 =	stileid.u32  }
0x229: {  	s1 =	rddreg [dreg:$0x1];
	p0 =	sne.s32 s2, $0x0  }
0x22a: {  	s3 =	rddreg [dreg:$0x2];
	[bflag:$0x3] =	sbarrier.arrive $0xFFFF;
	s2 =	simm.s32 @!p0 $0x1C03  }
0x22b: {  	[timem:s3], [sflag:s2] =	dma.local @!p0 [hbm:s0], s1  }
0x22c: {  	s0 =	simm.s32 @!p0 $0x3  }
0x22d: {  	_ =	swait.ge @!p0 [sflag:s0], s1  }
0x22e: {  	s1 =	ssub.s32 @!p0 $0x0, s1;
	[sflag:s0] =	ssyncset.done @!p0 $0x0  }
0x22f: {  	[sflag:s0] =	ssyncadd.s32 @!p0 s1  }
0x230: {  	[bflag:$0x3] =	sbarrier.arrive $0xFFFF  }
0x231: {  	_ =	shalt  }

</sc_bundles>
